<compile_context>
chip_gen: v7x
topology: tpu7x:2x2x1
jax: 0.10.2.dev20260603
libtpu: 0.0.44.dev20260713+nightly
codegen_flags: <defaults>
</compile_context>

<pallas_src>
import functools

import jax
import jax.numpy as jnp
from jax import lax
from jax.experimental import pallas as pl
from jax.experimental.pallas import tpu as pltpu
from jax.experimental.pallas import tpu_sc as plsc

SPELL_LENGTH = 9
HIDDEN_SIZE = 128
N_SLICES = 2


@functools.lru_cache(maxsize=None)
def _build_gather(Bs):
    info = plsc.get_sparse_core_info()
    L = info.num_lanes
    NW = info.num_cores * info.num_subcores
    b_per_w = Bs // NW
    rows_w = b_per_w * SPELL_LENGTH
    CH = max(c for c in range(1, 129) if rows_w % c == 0)
    n_chunks = rows_w // CH
    NBUF = min(6, n_chunks)
    n_vregs = rows_w // L

    mesh = plsc.VectorSubcoreMesh(core_axis_name="c", subcore_axis_name="s")

    @functools.partial(
        pl.kernel,
        mesh=mesh,
        out_type=jax.ShapeDtypeStruct((Bs * SPELL_LENGTH, HIDDEN_SIZE),
                                      jnp.float32),
        scratch_types=[
            pltpu.VMEM((b_per_w,), jnp.int32),
            pltpu.VMEM((rows_w,), jnp.int32),
            pltpu.VMEM((NBUF, CH, HIDDEN_SIZE), jnp.float32),
            pltpu.SemaphoreType.DMA,
            pltpu.SemaphoreType.DMA,
        ],
        compiler_params=pltpu.CompilerParams(needs_layout_passes=False),
    )
    def gather_kernel(table_hbm, rs_hbm, out_hbm, rs_v, eidx_v, rows_v,
                      sem_g, sem_s):
        wid = lax.axis_index("s") * info.num_cores + lax.axis_index("c")
        pltpu.sync_copy(rs_hbm.at[pl.ds(wid * b_per_w, b_per_w)], rs_v)

        lane = lax.broadcasted_iota(jnp.int32, (L,), 0)
        for v in range(n_vregs):
            p = lane + (L * v)
            s = lax.shift_right_logical(p * 7282, 16)
            j = p - s * SPELL_LENGTH
            r = plsc.load_gather(rs_v, [s])
            eidx_v[pl.ds(L * v, L)] = r * SPELL_LENGTH + j

        base = wid * rows_w

        def gather(c, slot):
            return pltpu.async_copy(
                table_hbm.at[eidx_v.at[pl.ds(c * CH, CH)]],
                rows_v.at[slot], sem_g)

        def put(c, slot):
            return pltpu.async_copy(
                rows_v.at[slot], out_hbm.at[pl.ds(base + c * CH, CH)], sem_s)

        ahead = max(1, NBUF - 2)
        g = [None] * n_chunks
        s_ = [None] * n_chunks
        put_waited = [False] * n_chunks
        for c in range(min(ahead, n_chunks)):
            g[c] = gather(c, c % NBUF)
        for c in range(n_chunks):
            g[c].wait()
            s_[c] = put(c, c % NBUF)
            nxt = c + ahead
            if nxt < n_chunks:
                prev = nxt - NBUF
                if prev >= 0:
                    s_[prev].wait()
                    put_waited[prev] = True
                g[nxt] = gather(nxt, nxt % NBUF)
        for c in range(n_chunks):
            if not put_waited[c]:
                s_[c].wait()

    return gather_kernel


@functools.lru_cache(maxsize=None)
def _build_unflatten(B, Bs, k, aliased):
    S = min(1024, Bs // 2)
    grid = Bs // S
    blk0 = k * (Bs // S)

    def body(*refs):
        in_ref, out_ref = refs[0], refs[-1]
        for i in range(S):
            out_ref[i] = in_ref[pl.ds(SPELL_LENGTH * i, SPELL_LENGTH), :]

    in_specs = [pl.BlockSpec((S * SPELL_LENGTH, HIDDEN_SIZE),
                             lambda g: (g, 0))]
    if aliased:
        in_specs = in_specs + [pl.BlockSpec(memory_space=pl.ANY)]
    return pl.pallas_call(
        body,
        grid=(grid,),
        in_specs=in_specs,
        out_specs=pl.BlockSpec((S, SPELL_LENGTH, HIDDEN_SIZE),
                               lambda g: (g + blk0, 0, 0)),
        out_shape=jax.ShapeDtypeStruct((B, SPELL_LENGTH, HIDDEN_SIZE),
                                       jnp.float32),
        input_output_aliases={1: 0} if aliased else {},
    )


def kernel(rs_tensor, embedding_relation):
    B = rs_tensor.shape[0]
    rs = rs_tensor.astype(jnp.int32)
    flat = _build_gather(B)(embedding_relation, rs)
    flat3d = flat.reshape(B, SPELL_LENGTH, HIDDEN_SIZE)
    return jnp.where(rs[:, None, None] >= 0, flat3d, jnp.float32(0))

# --- scband reference (transcript-rebuilt; emitter-appended) ---
"""Pipeline reference for scband-keprompt-encoder-27599459844980 (READ-ONLY COPY).

The authoritative reference and input builder live on the scoring server;
editing this copy changes nothing except your own understanding.
"""

import jax, jax.numpy as jnp
import numpy as np

SPELL_LENGTH = 9  # sum(template) with template=[3,3,3]
RELATION_NUM = 100000
HIDDEN_SIZE = 128
BATCH = 4096


def setup_inputs(seed: int = 0) -> dict:
    key = jax.random.key(seed)
    k_idx, k_emb = jax.random.split(key)
    rs_tensor = jax.random.randint(k_idx, (BATCH,), 0, RELATION_NUM, dtype=jnp.int64 if jax.config.read('jax_enable_x64') else jnp.int32)
    embedding_relation = jax.random.normal(k_emb, (SPELL_LENGTH * RELATION_NUM, HIDDEN_SIZE), dtype=jnp.float32) * 0.02
    return {"rs_tensor": rs_tensor, "embedding_relation": embedding_relation}


def reference(rs_tensor, embedding_relation):
    # seq_indices_relation: [spell_length]
    seq_indices_relation = jnp.arange(SPELL_LENGTH, dtype=rs_tensor.dtype)
    # seq_indices_relation_spec: [B, spell_length]
    seq_indices_relation_spec = seq_indices_relation[None, :] + rs_tensor[:, None] * SPELL_LENGTH
    # embedding lookup -> [B, spell_length, hidden_size]
    input_embeds = jnp.take(embedding_relation, seq_indices_relation_spec, axis=0)
    return input_embeds

if __name__ == "__main__":
    import jax
    _d = setup_inputs()
    print(jax.jit(kernel)(*tuple(_d.values())))

</pallas_src>

<mosaic_0001>
#map = affine_map<(d0, d1) -> (0, 0)>
#map1 = affine_map<(d0, d1) -> (0)>
module attributes {stable_mosaic.version = 14 : i64} {
  func.func @gather_kernel(%arg0: i32, %arg1: i32, %arg2: memref<900000x128xf32, #tpu.memory_space<hbm>>, %arg3: memref<4096xi32, #tpu.memory_space<hbm>>, %arg4: memref<36864x128xf32, #tpu.memory_space<hbm>>, %arg5: memref<128xi32, #tpu.memory_space<vmem>>, %arg6: memref<1152xi32, #tpu.memory_space<vmem>>, %arg7: memref<6x128x128xf32, #tpu.memory_space<vmem>>, %arg8: memref<!tpu.dma_semaphore, #tpu.memory_space<semaphore_mem>>, %arg9: memref<!tpu.dma_semaphore, #tpu.memory_space<semaphore_mem>>) attributes {dimension_semantics = [#tpu.dimension_semantics<core_parallel>, #tpu.dimension_semantics<subcore_parallel>], iteration_bounds = array<i64: 2, 16>, scalar_prefetch = 0 : i64, scratch_operands = 5 : i64, tpu.core_type = #tpu.core_type<sc_vector_subcore>, window_params = [{transform_indices = #map}, {transform_indices = #map1}, {transform_indices = #map}]} {
    %mul3A = arith.constant 2 : i32
    %mul3A_0 = arith.muli %arg1, %mul3A : i32
    %add3A = arith.addi %mul3A_0, %arg0 : i32
    %mul3A_1 = arith.constant 128 : i32
    %mul3A_2 = arith.muli %add3A, %mul3A_1 : i32
    "tpu.region"() ({
      %run_scoped3A = tpu.sem_alloc : memref<!tpu.dma_semaphore, #tpu.memory_space<semaphore_mem>>
      %dma_start3A_1871 = tpu.memref_slice %arg3[%mul3A_2] : memref<4096xi32, #tpu.memory_space<hbm>> -> memref<128xi32, #tpu.memory_space<hbm>>
      %dma_start3A_1872 = tpu.memref_slice %arg3[%mul3A_2] : memref<4096xi32, #tpu.memory_space<hbm>> -> memref<128xi32, #tpu.memory_space<hbm>>
      tpu.enqueue_dma source(%dma_start3A_1872 : memref<128xi32, #tpu.memory_space<hbm>>) target(%arg5 : memref<128xi32, #tpu.memory_space<vmem>>) target_semaphore(%run_scoped3A : memref<!tpu.dma_semaphore, #tpu.memory_space<semaphore_mem>>)
      %dma_wait3A_1873 = tpu.memref_slice %arg3[%mul3A_2] : memref<4096xi32, #tpu.memory_space<hbm>> -> memref<128xi32, #tpu.memory_space<hbm>>
      %dma_wait3A_1874 = tpu.memref_slice %arg3[%mul3A_2] : memref<4096xi32, #tpu.memory_space<hbm>> -> memref<128xi32, #tpu.memory_space<hbm>>
      tpu.wait_dma2 semaphore(%run_scoped3A : memref<!tpu.dma_semaphore, #tpu.memory_space<semaphore_mem>>) src(%dma_wait3A_1874 : memref<128xi32, #tpu.memory_space<hbm>>) dst(%arg5 : memref<128xi32, #tpu.memory_space<vmem>>)
      tpu.yield
    }) : () -> ()
    %iota3A = tpu.iota {dimensions = array<i32: 0>} : vector<16xi32>
    %add3A_3 = arith.constant 0 : i32
    %add3A_4 = vector.broadcast %add3A_3 : i32 to vector<16xi32>
    %add3A_5 = arith.addi %iota3A, %add3A_4 : vector<16xi32>
    %mul3A_6 = arith.constant 7282 : i32
    %mul3A_7 = vector.broadcast %mul3A_6 : i32 to vector<16xi32>
    %mul3A_8 = arith.muli %add3A_5, %mul3A_7 : vector<16xi32>
    %shift_right_logical3A = arith.constant 16 : i32
    %shift_right_logical3A_9 = vector.broadcast %shift_right_logical3A : i32 to vector<16xi32>
    %shift_right_logical3A_10 = arith.shrui %mul3A_8, %shift_right_logical3A_9 : vector<16xi32>
    %mul3A_11 = arith.constant 9 : i32
    %mul3A_12 = vector.broadcast %mul3A_11 : i32 to vector<16xi32>
    %mul3A_13 = arith.muli %shift_right_logical3A_10, %mul3A_12 : vector<16xi32>
    %sub3A = arith.subi %add3A_5, %mul3A_13 : vector<16xi32>
    %gather3A = tpu.vector_load_idx %arg5[%shift_right_logical3A_10] : memref<128xi32, #tpu.memory_space<vmem>>[vector<16xi32>], vector<16xi32>,
    %mul3A_14 = arith.constant 9 : i32
    %mul3A_15 = vector.broadcast %mul3A_14 : i32 to vector<16xi32>
    %mul3A_16 = arith.muli %gather3A, %mul3A_15 : vector<16xi32>
    %add3A_17 = arith.addi %mul3A_16, %sub3A : vector<16xi32>
    %swap3A = arith.constant 0 : index
    %swap3A_18 = tpu.vector_load %arg6[%swap3A] {strides = array<i32>} : memref<1152xi32, #tpu.memory_space<vmem>>, vector<16xi32>,
    tpu.vector_store %arg6[%swap3A], %add3A_17 {strides = array<i32>} : memref<1152xi32, #tpu.memory_space<vmem>>, vector<16xi32>,
    %add3A_19 = arith.constant 16 : i32
    %add3A_20 = vector.broadcast %add3A_19 : i32 to vector<16xi32>
    %add3A_21 = arith.addi %iota3A, %add3A_20 : vector<16xi32>
    %mul3A_22 = arith.constant 7282 : i32
    %mul3A_23 = vector.broadcast %mul3A_22 : i32 to vector<16xi32>
    %mul3A_24 = arith.muli %add3A_21, %mul3A_23 : vector<16xi32>
    %shift_right_logical3A_25 = arith.constant 16 : i32
    %shift_right_logical3A_26 = vector.broadcast %shift_right_logical3A_25 : i32 to vector<16xi32>
    %shift_right_logical3A_27 = arith.shrui %mul3A_24, %shift_right_logical3A_26 : vector<16xi32>
    %mul3A_28 = arith.constant 9 : i32
    %mul3A_29 = vector.broadcast %mul3A_28 : i32 to vector<16xi32>
    %mul3A_30 = arith.muli %shift_right_logical3A_27, %mul3A_29 : vector<16xi32>
    %sub3A_31 = arith.subi %add3A_21, %mul3A_30 : vector<16xi32>
    %gather3A_32 = tpu.vector_load_idx %arg5[%shift_right_logical3A_27] : memref<128xi32, #tpu.memory_space<vmem>>[vector<16xi32>], vector<16xi32>,
    %mul3A_33 = arith.constant 9 : i32
    %mul3A_34 = vector.broadcast %mul3A_33 : i32 to vector<16xi32>
    %mul3A_35 = arith.muli %gather3A_32, %mul3A_34 : vector<16xi32>
    %add3A_36 = arith.addi %mul3A_35, %sub3A_31 : vector<16xi32>
    %swap3A_37 = arith.constant 16 : index
    %swap3A_38 = tpu.vector_load %arg6[%swap3A_37] {strides = array<i32>} : memref<1152xi32, #tpu.memory_space<vmem>>, vector<16xi32>,
    tpu.vector_store %arg6[%swap3A_37], %add3A_36 {strides = array<i32>} : memref<1152xi32, #tpu.memory_space<vmem>>, vector<16xi32>,
    %add3A_39 = arith.constant 32 : i32
    %add3A_40 = vector.broadcast %add3A_39 : i32 to vector<16xi32>
    %add3A_41 = arith.addi %iota3A, %add3A_40 : vector<16xi32>
    %mul3A_42 = arith.constant 7282 : i32
    %mul3A_43 = vector.broadcast %mul3A_42 : i32 to vector<16xi32>
    %mul3A_44 = arith.muli %add3A_41, %mul3A_43 : vector<16xi32>
    %shift_right_logical3A_45 = arith.constant 16 : i32
    %shift_right_logical3A_46 = vector.broadcast %shift_right_logical3A_45 : i32 to vector<16xi32>
    %shift_right_logical3A_47 = arith.shrui %mul3A_44, %shift_right_logical3A_46 : vector<16xi32>
    %mul3A_48 = arith.constant 9 : i32
    %mul3A_49 = vector.broadcast %mul3A_48 : i32 to vector<16xi32>
    %mul3A_50 = arith.muli %shift_right_logical3A_47, %mul3A_49 : vector<16xi32>
    %sub3A_51 = arith.subi %add3A_41, %mul3A_50 : vector<16xi32>
    %gather3A_52 = tpu.vector_load_idx %arg5[%shift_right_logical3A_47] : memref<128xi32, #tpu.memory_space<vmem>>[vector<16xi32>], vector<16xi32>,
    %mul3A_53 = arith.constant 9 : i32
    %mul3A_54 = vector.broadcast %mul3A_53 : i32 to vector<16xi32>
    %mul3A_55 = arith.muli %gather3A_52, %mul3A_54 : vector<16xi32>
    %add3A_56 = arith.addi %mul3A_55, %sub3A_51 : vector<16xi32>
    %swap3A_57 = arith.constant 32 : index
    %swap3A_58 = tpu.vector_load %arg6[%swap3A_57] {strides = array<i32>} : memref<1152xi32, #tpu.memory_space<vmem>>, vector<16xi32>,
    tpu.vector_store %arg6[%swap3A_57], %add3A_56 {strides = array<i32>} : memref<1152xi32, #tpu.memory_space<vmem>>, vector<16xi32>,
    %add3A_59 = arith.constant 48 : i32
    %add3A_60 = vector.broadcast %add3A_59 : i32 to vector<16xi32>
    %add3A_61 = arith.addi %iota3A, %add3A_60 : vector<16xi32>
    %mul3A_62 = arith.constant 7282 : i32
    %mul3A_63 = vector.broadcast %mul3A_62 : i32 to vector<16xi32>
    %mul3A_64 = arith.muli %add3A_61, %mul3A_63 : vector<16xi32>
    %shift_right_logical3A_65 = arith.constant 16 : i32
    %shift_right_logical3A_66 = vector.broadcast %shift_right_logical3A_65 : i32 to vector<16xi32>
    %shift_right_logical3A_67 = arith.shrui %mul3A_64, %shift_right_logical3A_66 : vector<16xi32>
    %mul3A_68 = arith.constant 9 : i32
    %mul3A_69 = vector.broadcast %mul3A_68 : i32 to vector<16xi32>
    %mul3A_70 = arith.muli %shift_right_logical3A_67, %mul3A_69 : vector<16xi32>
    %sub3A_71 = arith.subi %add3A_61, %mul3A_70 : vector<16xi32>
    %gather3A_72 = tpu.vector_load_idx %arg5[%shift_right_logical3A_67] : memref<128xi32, #tpu.memory_space<vmem>>[vector<16xi32>], vector<16xi32>,
    %mul3A_73 = arith.constant 9 : i32
    %mul3A_74 = vector.broadcast %mul3A_73 : i32 to vector<16xi32>
    %mul3A_75 = arith.muli %gather3A_72, %mul3A_74 : vector<16xi32>
    %add3A_76 = arith.addi %mul3A_75, %sub3A_71 : vector<16xi32>
    %swap3A_77 = arith.constant 48 : index
    %swap3A_78 = tpu.vector_load %arg6[%swap3A_77] {strides = array<i32>} : memref<1152xi32, #tpu.memory_space<vmem>>, vector<16xi32>,
    tpu.vector_store %arg6[%swap3A_77], %add3A_76 {strides = array<i32>} : memref<1152xi32, #tpu.memory_space<vmem>>, vector<16xi32>,
    %add3A_79 = arith.constant 64 : i32
    %add3A_80 = vector.broadcast %add3A_79 : i32 to vector<16xi32>
    %add3A_81 = arith.addi %iota3A, %add3A_80 : vector<16xi32>
    %mul3A_82 = arith.constant 7282 : i32
    %mul3A_83 = vector.broadcast %mul3A_82 : i32 to vector<16xi32>
    %mul3A_84 = arith.muli %add3A_81, %mul3A_83 : vector<16xi32>
    %shift_right_logical3A_85 = arith.constant 16 : i32
    %shift_right_logical3A_86 = vector.broadcast %shift_right_logical3A_85 : i32 to vector<16xi32>
    %shift_right_logical3A_87 = arith.shrui %mul3A_84, %shift_right_logical3A_86 : vector<16xi32>
    %mul3A_88 = arith.constant 9 : i32
    %mul3A_89 = vector.broadcast %mul3A_88 : i32 to vector<16xi32>
    %mul3A_90 = arith.muli %shift_right_logical3A_87, %mul3A_89 : vector<16xi32>
    %sub3A_91 = arith.subi %add3A_81, %mul3A_90 : vector<16xi32>
    %gather3A_92 = tpu.vector_load_idx %arg5[%shift_right_logical3A_87] : memref<128xi32, #tpu.memory_space<vmem>>[vector<16xi32>], vector<16xi32>,
    %mul3A_93 = arith.constant 9 : i32
    %mul3A_94 = vector.broadcast %mul3A_93 : i32 to vector<16xi32>
    %mul3A_95 = arith.muli %gather3A_92, %mul3A_94 : vector<16xi32>
    %add3A_96 = arith.addi %mul3A_95, %sub3A_91 : vector<16xi32>
    %swap3A_97 = arith.constant 64 : index
    %swap3A_98 = tpu.vector_load %arg6[%swap3A_97] {strides = array<i32>} : memref<1152xi32, #tpu.memory_space<vmem>>, vector<16xi32>,
    tpu.vector_store %arg6[%swap3A_97], %add3A_96 {strides = array<i32>} : memref<1152xi32, #tpu.memory_space<vmem>>, vector<16xi32>,
    %add3A_99 = arith.constant 80 : i32
    %add3A_100 = vector.broadcast %add3A_99 : i32 to vector<16xi32>
    %add3A_101 = arith.addi %iota3A, %add3A_100 : vector<16xi32>
    %mul3A_102 = arith.constant 7282 : i32
    %mul3A_103 = vector.broadcast %mul3A_102 : i32 to vector<16xi32>
    %mul3A_104 = arith.muli %add3A_101, %mul3A_103 : vector<16xi32>
    %shift_right_logical3A_105 = arith.constant 16 : i32
    %shift_right_logical3A_106 = vector.broadcast %shift_right_logical3A_105 : i32 to vector<16xi32>
    %shift_right_logical3A_107 = arith.shrui %mul3A_104, %shift_right_logical3A_106 : vector<16xi32>
    %mul3A_108 = arith.constant 9 : i32
    %mul3A_109 = vector.broadcast %mul3A_108 : i32 to vector<16xi32>
    %mul3A_110 = arith.muli %shift_right_logical3A_107, %mul3A_109 : vector<16xi32>
    %sub3A_111 = arith.subi %add3A_101, %mul3A_110 : vector<16xi32>
    %gather3A_112 = tpu.vector_load_idx %arg5[%shift_right_logical3A_107] : memref<128xi32, #tpu.memory_space<vmem>>[vector<16xi32>], vector<16xi32>,
    %mul3A_113 = arith.constant 9 : i32
    %mul3A_114 = vector.broadcast %mul3A_113 : i32 to vector<16xi32>
    %mul3A_115 = arith.muli %gather3A_112, %mul3A_114 : vector<16xi32>
    %add3A_116 = arith.addi %mul3A_115, %sub3A_111 : vector<16xi32>
    %swap3A_117 = arith.constant 80 : index
    %swap3A_118 = tpu.vector_load %arg6[%swap3A_117] {strides = array<i32>} : memref<1152xi32, #tpu.memory_space<vmem>>, vector<16xi32>,
    tpu.vector_store %arg6[%swap3A_117], %add3A_116 {strides = array<i32>} : memref<1152xi32, #tpu.memory_space<vmem>>, vector<16xi32>,
    %add3A_119 = arith.constant 96 : i32
    %add3A_120 = vector.broadcast %add3A_119 : i32 to vector<16xi32>
    %add3A_121 = arith.addi %iota3A, %add3A_120 : vector<16xi32>
    %mul3A_122 = arith.constant 7282 : i32
    %mul3A_123 = vector.broadcast %mul3A_122 : i32 to vector<16xi32>
    %mul3A_124 = arith.muli %add3A_121, %mul3A_123 : vector<16xi32>
    %shift_right_logical3A_125 = arith.constant 16 : i32
    %shift_right_logical3A_126 = vector.broadcast %shift_right_logical3A_125 : i32 to vector<16xi32>
    %shift_right_logical3A_127 = arith.shrui %mul3A_124, %shift_right_logical3A_126 : vector<16xi32>
    %mul3A_128 = arith.constant 9 : i32
    %mul3A_129 = vector.broadcast %mul3A_128 : i32 to vector<16xi32>
    %mul3A_130 = arith.muli %shift_right_logical3A_127, %mul3A_129 : vector<16xi32>
    %sub3A_131 = arith.subi %add3A_121, %mul3A_130 : vector<16xi32>
    %gather3A_132 = tpu.vector_load_idx %arg5[%shift_right_logical3A_127] : memref<128xi32, #tpu.memory_space<vmem>>[vector<16xi32>], vector<16xi32>,
    %mul3A_133 = arith.constant 9 : i32
    %mul3A_134 = vector.broadcast %mul3A_133 : i32 to vector<16xi32>
    %mul3A_135 = arith.muli %gather3A_132, %mul3A_134 : vector<16xi32>
    %add3A_136 = arith.addi %mul3A_135, %sub3A_131 : vector<16xi32>
    %swap3A_137 = arith.constant 96 : index
    %swap3A_138 = tpu.vector_load %arg6[%swap3A_137] {strides = array<i32>} : memref<1152xi32, #tpu.memory_space<vmem>>, vector<16xi32>,
    tpu.vector_store %arg6[%swap3A_137], %add3A_136 {strides = array<i32>} : memref<1152xi32, #tpu.memory_space<vmem>>, vector<16xi32>,
    %add3A_139 = arith.constant 112 : i32
    %add3A_140 = vector.broadcast %add3A_139 : i32 to vector<16xi32>
    %add3A_141 = arith.addi %iota3A, %add3A_140 : vector<16xi32>
    %mul3A_142 = arith.constant 7282 : i32
    %mul3A_143 = vector.broadcast %mul3A_142 : i32 to vector<16xi32>
    %mul3A_144 = arith.muli %add3A_141, %mul3A_143 : vector<16xi32>
    %shift_right_logical3A_145 = arith.constant 16 : i32
    %shift_right_logical3A_146 = vector.broadcast %shift_right_logical3A_145 : i32 to vector<16xi32>
    %shift_right_logical3A_147 = arith.shrui %mul3A_144, %shift_right_logical3A_146 : vector<16xi32>
    %mul3A_148 = arith.constant 9 : i32
    %mul3A_149 = vector.broadcast %mul3A_148 : i32 to vector<16xi32>
    %mul3A_150 = arith.muli %shift_right_logical3A_147, %mul3A_149 : vector<16xi32>
    %sub3A_151 = arith.subi %add3A_141, %mul3A_150 : vector<16xi32>
    %gather3A_152 = tpu.vector_load_idx %arg5[%shift_right_logical3A_147] : memref<128xi32, #tpu.memory_space<vmem>>[vector<16xi32>], vector<16xi32>,
    %mul3A_153 = arith.constant 9 : i32
    %mul3A_154 = vector.broadcast %mul3A_153 : i32 to vector<16xi32>
    %mul3A_155 = arith.muli %gather3A_152, %mul3A_154 : vector<16xi32>
    %add3A_156 = arith.addi %mul3A_155, %sub3A_151 : vector<16xi32>
    %swap3A_157 = arith.constant 112 : index
    %swap3A_158 = tpu.vector_load %arg6[%swap3A_157] {strides = array<i32>} : memref<1152xi32, #tpu.memory_space<vmem>>, vector<16xi32>,
    tpu.vector_store %arg6[%swap3A_157], %add3A_156 {strides = array<i32>} : memref<1152xi32, #tpu.memory_space<vmem>>, vector<16xi32>,
    %add3A_159 = arith.constant 128 : i32
    %add3A_160 = vector.broadcast %add3A_159 : i32 to vector<16xi32>
    %add3A_161 = arith.addi %iota3A, %add3A_160 : vector<16xi32>
    %mul3A_162 = arith.constant 7282 : i32
    %mul3A_163 = vector.broadcast %mul3A_162 : i32 to vector<16xi32>
    %mul3A_164 = arith.muli %add3A_161, %mul3A_163 : vector<16xi32>
    %shift_right_logical3A_165 = arith.constant 16 : i32
    %shift_right_logical3A_166 = vector.broadcast %shift_right_logical3A_165 : i32 to vector<16xi32>
    %shift_right_logical3A_167 = arith.shrui %mul3A_164, %shift_right_logical3A_166 : vector<16xi32>
    %mul3A_168 = arith.constant 9 : i32
    %mul3A_169 = vector.broadcast %mul3A_168 : i32 to vector<16xi32>
    %mul3A_170 = arith.muli %shift_right_logical3A_167, %mul3A_169 : vector<16xi32>
    %sub3A_171 = arith.subi %add3A_161, %mul3A_170 : vector<16xi32>
    %gather3A_172 = tpu.vector_load_idx %arg5[%shift_right_logical3A_167] : memref<128xi32, #tpu.memory_space<vmem>>[vector<16xi32>], vector<16xi32>,
    %mul3A_173 = arith.constant 9 : i32
    %mul3A_174 = vector.broadcast %mul3A_173 : i32 to vector<16xi32>
    %mul3A_175 = arith.muli %gather3A_172, %mul3A_174 : vector<16xi32>
    %add3A_176 = arith.addi %mul3A_175, %sub3A_171 : vector<16xi32>
    %swap3A_177 = arith.constant 128 : index
    %swap3A_178 = tpu.vector_load %arg6[%swap3A_177] {strides = array<i32>} : memref<1152xi32, #tpu.memory_space<vmem>>, vector<16xi32>,
    tpu.vector_store %arg6[%swap3A_177], %add3A_176 {strides = array<i32>} : memref<1152xi32, #tpu.memory_space<vmem>>, vector<16xi32>,
    %add3A_179 = arith.constant 144 : i32
    %add3A_180 = vector.broadcast %add3A_179 : i32 to vector<16xi32>
    %add3A_181 = arith.addi %iota3A, %add3A_180 : vector<16xi32>
    %mul3A_182 = arith.constant 7282 : i32
    %mul3A_183 = vector.broadcast %mul3A_182 : i32 to vector<16xi32>
    %mul3A_184 = arith.muli %add3A_181, %mul3A_183 : vector<16xi32>
    %shift_right_logical3A_185 = arith.constant 16 : i32
    %shift_right_logical3A_186 = vector.broadcast %shift_right_logical3A_185 : i32 to vector<16xi32>
    %shift_right_logical3A_187 = arith.shrui %mul3A_184, %shift_right_logical3A_186 : vector<16xi32>
    %mul3A_188 = arith.constant 9 : i32
    %mul3A_189 = vector.broadcast %mul3A_188 : i32 to vector<16xi32>
    %mul3A_190 = arith.muli %shift_right_logical3A_187, %mul3A_189 : vector<16xi32>
    %sub3A_191 = arith.subi %add3A_181, %mul3A_190 : vector<16xi32>
    %gather3A_192 = tpu.vector_load_idx %arg5[%shift_right_logical3A_187] : memref<128xi32, #tpu.memory_space<vmem>>[vector<16xi32>], vector<16xi32>,
    %mul3A_193 = arith.constant 9 : i32
    %mul3A_194 = vector.broadcast %mul3A_193 : i32 to vector<16xi32>
    %mul3A_195 = arith.muli %gather3A_192, %mul3A_194 : vector<16xi32>
    %add3A_196 = arith.addi %mul3A_195, %sub3A_191 : vector<16xi32>
    %swap3A_197 = arith.constant 144 : index
    %swap3A_198 = tpu.vector_load %arg6[%swap3A_197] {strides = array<i32>} : memref<1152xi32, #tpu.memory_space<vmem>>, vector<16xi32>,
    tpu.vector_store %arg6[%swap3A_197], %add3A_196 {strides = array<i32>} : memref<1152xi32, #tpu.memory_space<vmem>>, vector<16xi32>,
    %add3A_199 = arith.constant 160 : i32
    %add3A_200 = vector.broadcast %add3A_199 : i32 to vector<16xi32>
    %add3A_201 = arith.addi %iota3A, %add3A_200 : vector<16xi32>
    %mul3A_202 = arith.constant 7282 : i32
    %mul3A_203 = vector.broadcast %mul3A_202 : i32 to vector<16xi32>
    %mul3A_204 = arith.muli %add3A_201, %mul3A_203 : vector<16xi32>
    %shift_right_logical3A_205 = arith.constant 16 : i32
    %shift_right_logical3A_206 = vector.broadcast %shift_right_logical3A_205 : i32 to vector<16xi32>
    %shift_right_logical3A_207 = arith.shrui %mul3A_204, %shift_right_logical3A_206 : vector<16xi32>
    %mul3A_208 = arith.constant 9 : i32
    %mul3A_209 = vector.broadcast %mul3A_208 : i32 to vector<16xi32>
    %mul3A_210 = arith.muli %shift_right_logical3A_207, %mul3A_209 : vector<16xi32>
    %sub3A_211 = arith.subi %add3A_201, %mul3A_210 : vector<16xi32>
    %gather3A_212 = tpu.vector_load_idx %arg5[%shift_right_logical3A_207] : memref<128xi32, #tpu.memory_space<vmem>>[vector<16xi32>], vector<16xi32>,
    %mul3A_213 = arith.constant 9 : i32
    %mul3A_214 = vector.broadcast %mul3A_213 : i32 to vector<16xi32>
    %mul3A_215 = arith.muli %gather3A_212, %mul3A_214 : vector<16xi32>
    %add3A_216 = arith.addi %mul3A_215, %sub3A_211 : vector<16xi32>
    %swap3A_217 = arith.constant 160 : index
    %swap3A_218 = tpu.vector_load %arg6[%swap3A_217] {strides = array<i32>} : memref<1152xi32, #tpu.memory_space<vmem>>, vector<16xi32>,
    tpu.vector_store %arg6[%swap3A_217], %add3A_216 {strides = array<i32>} : memref<1152xi32, #tpu.memory_space<vmem>>, vector<16xi32>,
    %add3A_219 = arith.constant 176 : i32
    %add3A_220 = vector.broadcast %add3A_219 : i32 to vector<16xi32>
    %add3A_221 = arith.addi %iota3A, %add3A_220 : vector<16xi32>
    %mul3A_222 = arith.constant 7282 : i32
    %mul3A_223 = vector.broadcast %mul3A_222 : i32 to vector<16xi32>
    %mul3A_224 = arith.muli %add3A_221, %mul3A_223 : vector<16xi32>
    %shift_right_logical3A_225 = arith.constant 16 : i32
    %shift_right_logical3A_226 = vector.broadcast %shift_right_logical3A_225 : i32 to vector<16xi32>
    %shift_right_logical3A_227 = arith.shrui %mul3A_224, %shift_right_logical3A_226 : vector<16xi32>
    %mul3A_228 = arith.constant 9 : i32
    %mul3A_229 = vector.broadcast %mul3A_228 : i32 to vector<16xi32>
    %mul3A_230 = arith.muli %shift_right_logical3A_227, %mul3A_229 : vector<16xi32>
    %sub3A_231 = arith.subi %add3A_221, %mul3A_230 : vector<16xi32>
    %gather3A_232 = tpu.vector_load_idx %arg5[%shift_right_logical3A_227] : memref<128xi32, #tpu.memory_space<vmem>>[vector<16xi32>], vector<16xi32>,
    %mul3A_233 = arith.constant 9 : i32
    %mul3A_234 = vector.broadcast %mul3A_233 : i32 to vector<16xi32>
    %mul3A_235 = arith.muli %gather3A_232, %mul3A_234 : vector<16xi32>
    %add3A_236 = arith.addi %mul3A_235, %sub3A_231 : vector<16xi32>
    %swap3A_237 = arith.constant 176 : index
    %swap3A_238 = tpu.vector_load %arg6[%swap3A_237] {strides = array<i32>} : memref<1152xi32, #tpu.memory_space<vmem>>, vector<16xi32>,
    tpu.vector_store %arg6[%swap3A_237], %add3A_236 {strides = array<i32>} : memref<1152xi32, #tpu.memory_space<vmem>>, vector<16xi32>,
    %add3A_239 = arith.constant 192 : i32
    %add3A_240 = vector.broadcast %add3A_239 : i32 to vector<16xi32>
    %add3A_241 = arith.addi %iota3A, %add3A_240 : vector<16xi32>
    %mul3A_242 = arith.constant 7282 : i32
    %mul3A_243 = vector.broadcast %mul3A_242 : i32 to vector<16xi32>
    %mul3A_244 = arith.muli %add3A_241, %mul3A_243 : vector<16xi32>
    %shift_right_logical3A_245 = arith.constant 16 : i32
    %shift_right_logical3A_246 = vector.broadcast %shift_right_logical3A_245 : i32 to vector<16xi32>
    %shift_right_logical3A_247 = arith.shrui %mul3A_244, %shift_right_logical3A_246 : vector<16xi32>
    %mul3A_248 = arith.constant 9 : i32
    %mul3A_249 = vector.broadcast %mul3A_248 : i32 to vector<16xi32>
    %mul3A_250 = arith.muli %shift_right_logical3A_247, %mul3A_249 : vector<16xi32>
    %sub3A_251 = arith.subi %add3A_241, %mul3A_250 : vector<16xi32>
    %gather3A_252 = tpu.vector_load_idx %arg5[%shift_right_logical3A_247] : memref<128xi32, #tpu.memory_space<vmem>>[vector<16xi32>], vector<16xi32>,
    %mul3A_253 = arith.constant 9 : i32
    %mul3A_254 = vector.broadcast %mul3A_253 : i32 to vector<16xi32>
    %mul3A_255 = arith.muli %gather3A_252, %mul3A_254 : vector<16xi32>
    %add3A_256 = arith.addi %mul3A_255, %sub3A_251 : vector<16xi32>
    %swap3A_257 = arith.constant 192 : index
    %swap3A_258 = tpu.vector_load %arg6[%swap3A_257] {strides = array<i32>} : memref<1152xi32, #tpu.memory_space<vmem>>, vector<16xi32>,
    tpu.vector_store %arg6[%swap3A_257], %add3A_256 {strides = array<i32>} : memref<1152xi32, #tpu.memory_space<vmem>>, vector<16xi32>,
    %add3A_259 = arith.constant 208 : i32
    %add3A_260 = vector.broadcast %add3A_259 : i32 to vector<16xi32>
    %add3A_261 = arith.addi %iota3A, %add3A_260 : vector<16xi32>
    %mul3A_262 = arith.constant 7282 : i32
    %mul3A_263 = vector.broadcast %mul3A_262 : i32 to vector<16xi32>
    %mul3A_264 = arith.muli %add3A_261, %mul3A_263 : vector<16xi32>
    %shift_right_logical3A_265 = arith.constant 16 : i32
    %shift_right_logical3A_266 = vector.broadcast %shift_right_logical3A_265 : i32 to vector<16xi32>
    %shift_right_logical3A_267 = arith.shrui %mul3A_264, %shift_right_logical3A_266 : vector<16xi32>
    %mul3A_268 = arith.constant 9 : i32
    %mul3A_269 = vector.broadcast %mul3A_268 : i32 to vector<16xi32>
    %mul3A_270 = arith.muli %shift_right_logical3A_267, %mul3A_269 : vector<16xi32>
    %sub3A_271 = arith.subi %add3A_261, %mul3A_270 : vector<16xi32>
    %gather3A_272 = tpu.vector_load_idx %arg5[%shift_right_logical3A_267] : memref<128xi32, #tpu.memory_space<vmem>>[vector<16xi32>], vector<16xi32>,
    %mul3A_273 = arith.constant 9 : i32
    %mul3A_274 = vector.broadcast %mul3A_273 : i32 to vector<16xi32>
    %mul3A_275 = arith.muli %gather3A_272, %mul3A_274 : vector<16xi32>
    %add3A_276 = arith.addi %mul3A_275, %sub3A_271 : vector<16xi32>
    %swap3A_277 = arith.constant 208 : index
    %swap3A_278 = tpu.vector_load %arg6[%swap3A_277] {strides = array<i32>} : memref<1152xi32, #tpu.memory_space<vmem>>, vector<16xi32>,
    tpu.vector_store %arg6[%swap3A_277], %add3A_276 {strides = array<i32>} : memref<1152xi32, #tpu.memory_space<vmem>>, vector<16xi32>,
    %add3A_279 = arith.constant 224 : i32
    %add3A_280 = vector.broadcast %add3A_279 : i32 to vector<16xi32>
    %add3A_281 = arith.addi %iota3A, %add3A_280 : vector<16xi32>
    %mul3A_282 = arith.constant 7282 : i32
    %mul3A_283 = vector.broadcast %mul3A_282 : i32 to vector<16xi32>
    %mul3A_284 = arith.muli %add3A_281, %mul3A_283 : vector<16xi32>
    %shift_right_logical3A_285 = arith.constant 16 : i32
    %shift_right_logical3A_286 = vector.broadcast %shift_right_logical3A_285 : i32 to vector<16xi32>
    %shift_right_logical3A_287 = arith.shrui %mul3A_284, %shift_right_logical3A_286 : vector<16xi32>
    %mul3A_288 = arith.constant 9 : i32
    %mul3A_289 = vector.broadcast %mul3A_288 : i32 to vector<16xi32>
    %mul3A_290 = arith.muli %shift_right_logical3A_287, %mul3A_289 : vector<16xi32>
    %sub3A_291 = arith.subi %add3A_281, %mul3A_290 : vector<16xi32>
    %gather3A_292 = tpu.vector_load_idx %arg5[%shift_right_logical3A_287] : memref<128xi32, #tpu.memory_space<vmem>>[vector<16xi32>], vector<16xi32>,
    %mul3A_293 = arith.constant 9 : i32
    %mul3A_294 = vector.broadcast %mul3A_293 : i32 to vector<16xi32>
    %mul3A_295 = arith.muli %gather3A_292, %mul3A_294 : vector<16xi32>
    %add3A_296 = arith.addi %mul3A_295, %sub3A_291 : vector<16xi32>
    %swap3A_297 = arith.constant 224 : index
    %swap3A_298 = tpu.vector_load %arg6[%swap3A_297] {strides = array<i32>} : memref<1152xi32, #tpu.memory_space<vmem>>, vector<16xi32>,
    tpu.vector_store %arg6[%swap3A_297], %add3A_296 {strides = array<i32>} : memref<1152xi32, #tpu.memory_space<vmem>>, vector<16xi32>,
    %add3A_299 = arith.constant 240 : i32
    %add3A_300 = vector.broadcast %add3A_299 : i32 to vector<16xi32>
    %add3A_301 = arith.addi %iota3A, %add3A_300 : vector<16xi32>
    %mul3A_302 = arith.constant 7282 : i32
    %mul3A_303 = vector.broadcast %mul3A_302 : i32 to vector<16xi32>
    %mul3A_304 = arith.muli %add3A_301, %mul3A_303 : vector<16xi32>
    %shift_right_logical3A_305 = arith.constant 16 : i32
    %shift_right_logical3A_306 = vector.broadcast %shift_right_logical3A_305 : i32 to vector<16xi32>
    %shift_right_logical3A_307 = arith.shrui %mul3A_304, %shift_right_logical3A_306 : vector<16xi32>
    %mul3A_308 = arith.constant 9 : i32
    %mul3A_309 = vector.broadcast %mul3A_308 : i32 to vector<16xi32>
    %mul3A_310 = arith.muli %shift_right_logical3A_307, %mul3A_309 : vector<16xi32>
    %sub3A_311 = arith.subi %add3A_301, %mul3A_310 : vector<16xi32>
    %gather3A_312 = tpu.vector_load_idx %arg5[%shift_right_logical3A_307] : memref<128xi32, #tpu.memory_space<vmem>>[vector<16xi32>], vector<16xi32>,
    %mul3A_313 = arith.constant 9 : i32
    %mul3A_314 = vector.broadcast %mul3A_313 : i32 to vector<16xi32>
    %mul3A_315 = arith.muli %gather3A_312, %mul3A_314 : vector<16xi32>
    %add3A_316 = arith.addi %mul3A_315, %sub3A_311 : vector<16xi32>
    %swap3A_317 = arith.constant 240 : index
    %swap3A_318 = tpu.vector_load %arg6[%swap3A_317] {strides = array<i32>} : memref<1152xi32, #tpu.memory_space<vmem>>, vector<16xi32>,
    tpu.vector_store %arg6[%swap3A_317], %add3A_316 {strides = array<i32>} : memref<1152xi32, #tpu.memory_space<vmem>>, vector<16xi32>,
    %add3A_319 = arith.constant 256 : i32
    %add3A_320 = vector.broadcast %add3A_319 : i32 to vector<16xi32>
    %add3A_321 = arith.addi %iota3A, %add3A_320 : vector<16xi32>
    %mul3A_322 = arith.constant 7282 : i32
    %mul3A_323 = vector.broadcast %mul3A_322 : i32 to vector<16xi32>
    %mul3A_324 = arith.muli %add3A_321, %mul3A_323 : vector<16xi32>
    %shift_right_logical3A_325 = arith.constant 16 : i32
    %shift_right_logical3A_326 = vector.broadcast %shift_right_logical3A_325 : i32 to vector<16xi32>
    %shift_right_logical3A_327 = arith.shrui %mul3A_324, %shift_right_logical3A_326 : vector<16xi32>
    %mul3A_328 = arith.constant 9 : i32
    %mul3A_329 = vector.broadcast %mul3A_328 : i32 to vector<16xi32>
    %mul3A_330 = arith.muli %shift_right_logical3A_327, %mul3A_329 : vector<16xi32>
    %sub3A_331 = arith.subi %add3A_321, %mul3A_330 : vector<16xi32>
    %gather3A_332 = tpu.vector_load_idx %arg5[%shift_right_logical3A_327] : memref<128xi32, #tpu.memory_space<vmem>>[vector<16xi32>], vector<16xi32>,
    %mul3A_333 = arith.constant 9 : i32
    %mul3A_334 = vector.broadcast %mul3A_333 : i32 to vector<16xi32>
    %mul3A_335 = arith.muli %gather3A_332, %mul3A_334 : vector<16xi32>
    %add3A_336 = arith.addi %mul3A_335, %sub3A_331 : vector<16xi32>
    %swap3A_337 = arith.constant 256 : index
    %swap3A_338 = tpu.vector_load %arg6[%swap3A_337] {strides = array<i32>} : memref<1152xi32, #tpu.memory_space<vmem>>, vector<16xi32>,
    tpu.vector_store %arg6[%swap3A_337], %add3A_336 {strides = array<i32>} : memref<1152xi32, #tpu.memory_space<vmem>>, vector<16xi32>,
    %add3A_339 = arith.constant 272 : i32
    %add3A_340 = vector.broadcast %add3A_339 : i32 to vector<16xi32>
    %add3A_341 = arith.addi %iota3A, %add3A_340 : vector<16xi32>
    %mul3A_342 = arith.constant 7282 : i32
    %mul3A_343 = vector.broadcast %mul3A_342 : i32 to vector<16xi32>
    %mul3A_344 = arith.muli %add3A_341, %mul3A_343 : vector<16xi32>
    %shift_right_logical3A_345 = arith.constant 16 : i32
    %shift_right_logical3A_346 = vector.broadcast %shift_right_logical3A_345 : i32 to vector<16xi32>
    %shift_right_logical3A_347 = arith.shrui %mul3A_344, %shift_right_logical3A_346 : vector<16xi32>
    %mul3A_348 = arith.constant 9 : i32
    %mul3A_349 = vector.broadcast %mul3A_348 : i32 to vector<16xi32>
    %mul3A_350 = arith.muli %shift_right_logical3A_347, %mul3A_349 : vector<16xi32>
    %sub3A_351 = arith.subi %add3A_341, %mul3A_350 : vector<16xi32>
    %gather3A_352 = tpu.vector_load_idx %arg5[%shift_right_logical3A_347] : memref<128xi32, #tpu.memory_space<vmem>>[vector<16xi32>], vector<16xi32>,
    %mul3A_353 = arith.constant 9 : i32
    %mul3A_354 = vector.broadcast %mul3A_353 : i32 to vector<16xi32>
    %mul3A_355 = arith.muli %gather3A_352, %mul3A_354 : vector<16xi32>
    %add3A_356 = arith.addi %mul3A_355, %sub3A_351 : vector<16xi32>
    %swap3A_357 = arith.constant 272 : index
    %swap3A_358 = tpu.vector_load %arg6[%swap3A_357] {strides = array<i32>} : memref<1152xi32, #tpu.memory_space<vmem>>, vector<16xi32>,
    tpu.vector_store %arg6[%swap3A_357], %add3A_356 {strides = array<i32>} : memref<1152xi32, #tpu.memory_space<vmem>>, vector<16xi32>,
    %add3A_359 = arith.constant 288 : i32
    %add3A_360 = vector.broadcast %add3A_359 : i32 to vector<16xi32>
    %add3A_361 = arith.addi %iota3A, %add3A_360 : vector<16xi32>
    %mul3A_362 = arith.constant 7282 : i32
    %mul3A_363 = vector.broadcast %mul3A_362 : i32 to vector<16xi32>
    %mul3A_364 = arith.muli %add3A_361, %mul3A_363 : vector<16xi32>
    %shift_right_logical3A_365 = arith.constant 16 : i32
    %shift_right_logical3A_366 = vector.broadcast %shift_right_logical3A_365 : i32 to vector<16xi32>
    %shift_right_logical3A_367 = arith.shrui %mul3A_364, %shift_right_logical3A_366 : vector<16xi32>
    %mul3A_368 = arith.constant 9 : i32
    %mul3A_369 = vector.broadcast %mul3A_368 : i32 to vector<16xi32>
    %mul3A_370 = arith.muli %shift_right_logical3A_367, %mul3A_369 : vector<16xi32>
    %sub3A_371 = arith.subi %add3A_361, %mul3A_370 : vector<16xi32>
    %gather3A_372 = tpu.vector_load_idx %arg5[%shift_right_logical3A_367] : memref<128xi32, #tpu.memory_space<vmem>>[vector<16xi32>], vector<16xi32>,
    %mul3A_373 = arith.constant 9 : i32
    %mul3A_374 = vector.broadcast %mul3A_373 : i32 to vector<16xi32>
    %mul3A_375 = arith.muli %gather3A_372, %mul3A_374 : vector<16xi32>
    %add3A_376 = arith.addi %mul3A_375, %sub3A_371 : vector<16xi32>
    %swap3A_377 = arith.constant 288 : index
    %swap3A_378 = tpu.vector_load %arg6[%swap3A_377] {strides = array<i32>} : memref<1152xi32, #tpu.memory_space<vmem>>, vector<16xi32>,
    tpu.vector_store %arg6[%swap3A_377], %add3A_376 {strides = array<i32>} : memref<1152xi32, #tpu.memory_space<vmem>>, vector<16xi32>,
    %add3A_379 = arith.constant 304 : i32
    %add3A_380 = vector.broadcast %add3A_379 : i32 to vector<16xi32>
    %add3A_381 = arith.addi %iota3A, %add3A_380 : vector<16xi32>
    %mul3A_382 = arith.constant 7282 : i32
    %mul3A_383 = vector.broadcast %mul3A_382 : i32 to vector<16xi32>
    %mul3A_384 = arith.muli %add3A_381, %mul3A_383 : vector<16xi32>
    %shift_right_logical3A_385 = arith.constant 16 : i32
    %shift_right_logical3A_386 = vector.broadcast %shift_right_logical3A_385 : i32 to vector<16xi32>
    %shift_right_logical3A_387 = arith.shrui %mul3A_384, %shift_right_logical3A_386 : vector<16xi32>
    %mul3A_388 = arith.constant 9 : i32
    %mul3A_389 = vector.broadcast %mul3A_388 : i32 to vector<16xi32>
    %mul3A_390 = arith.muli %shift_right_logical3A_387, %mul3A_389 : vector<16xi32>
    %sub3A_391 = arith.subi %add3A_381, %mul3A_390 : vector<16xi32>
    %gather3A_392 = tpu.vector_load_idx %arg5[%shift_right_logical3A_387] : memref<128xi32, #tpu.memory_space<vmem>>[vector<16xi32>], vector<16xi32>,
    %mul3A_393 = arith.constant 9 : i32
    %mul3A_394 = vector.broadcast %mul3A_393 : i32 to vector<16xi32>
    %mul3A_395 = arith.muli %gather3A_392, %mul3A_394 : vector<16xi32>
    %add3A_396 = arith.addi %mul3A_395, %sub3A_391 : vector<16xi32>
    %swap3A_397 = arith.constant 304 : index
    %swap3A_398 = tpu.vector_load %arg6[%swap3A_397] {strides = array<i32>} : memref<1152xi32, #tpu.memory_space<vmem>>, vector<16xi32>,
    tpu.vector_store %arg6[%swap3A_397], %add3A_396 {strides = array<i32>} : memref<1152xi32, #tpu.memory_space<vmem>>, vector<16xi32>,
    %add3A_399 = arith.constant 320 : i32
    %add3A_400 = vector.broadcast %add3A_399 : i32 to vector<16xi32>
    %add3A_401 = arith.addi %iota3A, %add3A_400 : vector<16xi32>
    %mul3A_402 = arith.constant 7282 : i32
    %mul3A_403 = vector.broadcast %mul3A_402 : i32 to vector<16xi32>
    %mul3A_404 = arith.muli %add3A_401, %mul3A_403 : vector<16xi32>
    %shift_right_logical3A_405 = arith.constant 16 : i32
    %shift_right_logical3A_406 = vector.broadcast %shift_right_logical3A_405 : i32 to vector<16xi32>
    %shift_right_logical3A_407 = arith.shrui %mul3A_404, %shift_right_logical3A_406 : vector<16xi32>
    %mul3A_408 = arith.constant 9 : i32
    %mul3A_409 = vector.broadcast %mul3A_408 : i32 to vector<16xi32>
    %mul3A_410 = arith.muli %shift_right_logical3A_407, %mul3A_409 : vector<16xi32>
    %sub3A_411 = arith.subi %add3A_401, %mul3A_410 : vector<16xi32>
    %gather3A_412 = tpu.vector_load_idx %arg5[%shift_right_logical3A_407] : memref<128xi32, #tpu.memory_space<vmem>>[vector<16xi32>], vector<16xi32>,
    %mul3A_413 = arith.constant 9 : i32
    %mul3A_414 = vector.broadcast %mul3A_413 : i32 to vector<16xi32>
    %mul3A_415 = arith.muli %gather3A_412, %mul3A_414 : vector<16xi32>
    %add3A_416 = arith.addi %mul3A_415, %sub3A_411 : vector<16xi32>
    %swap3A_417 = arith.constant 320 : index
    %swap3A_418 = tpu.vector_load %arg6[%swap3A_417] {strides = array<i32>} : memref<1152xi32, #tpu.memory_space<vmem>>, vector<16xi32>,
    tpu.vector_store %arg6[%swap3A_417], %add3A_416 {strides = array<i32>} : memref<1152xi32, #tpu.memory_space<vmem>>, vector<16xi32>,
    %add3A_419 = arith.constant 336 : i32
    %add3A_420 = vector.broadcast %add3A_419 : i32 to vector<16xi32>
    %add3A_421 = arith.addi %iota3A, %add3A_420 : vector<16xi32>
    %mul3A_422 = arith.constant 7282 : i32
    %mul3A_423 = vector.broadcast %mul3A_422 : i32 to vector<16xi32>
    %mul3A_424 = arith.muli %add3A_421, %mul3A_423 : vector<16xi32>
    %shift_right_logical3A_425 = arith.constant 16 : i32
    %shift_right_logical3A_426 = vector.broadcast %shift_right_logical3A_425 : i32 to vector<16xi32>
    %shift_right_logical3A_427 = arith.shrui %mul3A_424, %shift_right_logical3A_426 : vector<16xi32>
    %mul3A_428 = arith.constant 9 : i32
    %mul3A_429 = vector.broadcast %mul3A_428 : i32 to vector<16xi32>
    %mul3A_430 = arith.muli %shift_right_logical3A_427, %mul3A_429 : vector<16xi32>
    %sub3A_431 = arith.subi %add3A_421, %mul3A_430 : vector<16xi32>
    %gather3A_432 = tpu.vector_load_idx %arg5[%shift_right_logical3A_427] : memref<128xi32, #tpu.memory_space<vmem>>[vector<16xi32>], vector<16xi32>,
    %mul3A_433 = arith.constant 9 : i32
    %mul3A_434 = vector.broadcast %mul3A_433 : i32 to vector<16xi32>
    %mul3A_435 = arith.muli %gather3A_432, %mul3A_434 : vector<16xi32>
    %add3A_436 = arith.addi %mul3A_435, %sub3A_431 : vector<16xi32>
    %swap3A_437 = arith.constant 336 : index
    %swap3A_438 = tpu.vector_load %arg6[%swap3A_437] {strides = array<i32>} : memref<1152xi32, #tpu.memory_space<vmem>>, vector<16xi32>,
    tpu.vector_store %arg6[%swap3A_437], %add3A_436 {strides = array<i32>} : memref<1152xi32, #tpu.memory_space<vmem>>, vector<16xi32>,
    %add3A_439 = arith.constant 352 : i32
    %add3A_440 = vector.broadcast %add3A_439 : i32 to vector<16xi32>
    %add3A_441 = arith.addi %iota3A, %add3A_440 : vector<16xi32>
    %mul3A_442 = arith.constant 7282 : i32
    %mul3A_443 = vector.broadcast %mul3A_442 : i32 to vector<16xi32>
    %mul3A_444 = arith.muli %add3A_441, %mul3A_443 : vector<16xi32>
    %shift_right_logical3A_445 = arith.constant 16 : i32
    %shift_right_logical3A_446 = vector.broadcast %shift_right_logical3A_445 : i32 to vector<16xi32>
    %shift_right_logical3A_447 = arith.shrui %mul3A_444, %shift_right_logical3A_446 : vector<16xi32>
    %mul3A_448 = arith.constant 9 : i32
    %mul3A_449 = vector.broadcast %mul3A_448 : i32 to vector<16xi32>
    %mul3A_450 = arith.muli %shift_right_logical3A_447, %mul3A_449 : vector<16xi32>
    %sub3A_451 = arith.subi %add3A_441, %mul3A_450 : vector<16xi32>
    %gather3A_452 = tpu.vector_load_idx %arg5[%shift_right_logical3A_447] : memref<128xi32, #tpu.memory_space<vmem>>[vector<16xi32>], vector<16xi32>,
    %mul3A_453 = arith.constant 9 : i32
    %mul3A_454 = vector.broadcast %mul3A_453 : i32 to vector<16xi32>
    %mul3A_455 = arith.muli %gather3A_452, %mul3A_454 : vector<16xi32>
    %add3A_456 = arith.addi %mul3A_455, %sub3A_451 : vector<16xi32>
    %swap3A_457 = arith.constant 352 : index
    %swap3A_458 = tpu.vector_load %arg6[%swap3A_457] {strides = array<i32>} : memref<1152xi32, #tpu.memory_space<vmem>>, vector<16xi32>,
    tpu.vector_store %arg6[%swap3A_457], %add3A_456 {strides = array<i32>} : memref<1152xi32, #tpu.memory_space<vmem>>, vector<16xi32>,
    %add3A_459 = arith.constant 368 : i32
    %add3A_460 = vector.broadcast %add3A_459 : i32 to vector<16xi32>
    %add3A_461 = arith.addi %iota3A, %add3A_460 : vector<16xi32>
    %mul3A_462 = arith.constant 7282 : i32
    %mul3A_463 = vector.broadcast %mul3A_462 : i32 to vector<16xi32>
    %mul3A_464 = arith.muli %add3A_461, %mul3A_463 : vector<16xi32>
    %shift_right_logical3A_465 = arith.constant 16 : i32
    %shift_right_logical3A_466 = vector.broadcast %shift_right_logical3A_465 : i32 to vector<16xi32>
    %shift_right_logical3A_467 = arith.shrui %mul3A_464, %shift_right_logical3A_466 : vector<16xi32>
    %mul3A_468 = arith.constant 9 : i32
    %mul3A_469 = vector.broadcast %mul3A_468 : i32 to vector<16xi32>
    %mul3A_470 = arith.muli %shift_right_logical3A_467, %mul3A_469 : vector<16xi32>
    %sub3A_471 = arith.subi %add3A_461, %mul3A_470 : vector<16xi32>
    %gather3A_472 = tpu.vector_load_idx %arg5[%shift_right_logical3A_467] : memref<128xi32, #tpu.memory_space<vmem>>[vector<16xi32>], vector<16xi32>,
    %mul3A_473 = arith.constant 9 : i32
    %mul3A_474 = vector.broadcast %mul3A_473 : i32 to vector<16xi32>
    %mul3A_475 = arith.muli %gather3A_472, %mul3A_474 : vector<16xi32>
    %add3A_476 = arith.addi %mul3A_475, %sub3A_471 : vector<16xi32>
    %swap3A_477 = arith.constant 368 : index
    %swap3A_478 = tpu.vector_load %arg6[%swap3A_477] {strides = array<i32>} : memref<1152xi32, #tpu.memory_space<vmem>>, vector<16xi32>,
    tpu.vector_store %arg6[%swap3A_477], %add3A_476 {strides = array<i32>} : memref<1152xi32, #tpu.memory_space<vmem>>, vector<16xi32>,
    %add3A_479 = arith.constant 384 : i32
    %add3A_480 = vector.broadcast %add3A_479 : i32 to vector<16xi32>
    %add3A_481 = arith.addi %iota3A, %add3A_480 : vector<16xi32>
    %mul3A_482 = arith.constant 7282 : i32
    %mul3A_483 = vector.broadcast %mul3A_482 : i32 to vector<16xi32>
    %mul3A_484 = arith.muli %add3A_481, %mul3A_483 : vector<16xi32>
    %shift_right_logical3A_485 = arith.constant 16 : i32
    %shift_right_logical3A_486 = vector.broadcast %shift_right_logical3A_485 : i32 to vector<16xi32>
    %shift_right_logical3A_487 = arith.shrui %mul3A_484, %shift_right_logical3A_486 : vector<16xi32>
    %mul3A_488 = arith.constant 9 : i32
    %mul3A_489 = vector.broadcast %mul3A_488 : i32 to vector<16xi32>
    %mul3A_490 = arith.muli %shift_right_logical3A_487, %mul3A_489 : vector<16xi32>
    %sub3A_491 = arith.subi %add3A_481, %mul3A_490 : vector<16xi32>
    %gather3A_492 = tpu.vector_load_idx %arg5[%shift_right_logical3A_487] : memref<128xi32, #tpu.memory_space<vmem>>[vector<16xi32>], vector<16xi32>,
    %mul3A_493 = arith.constant 9 : i32
    %mul3A_494 = vector.broadcast %mul3A_493 : i32 to vector<16xi32>
    %mul3A_495 = arith.muli %gather3A_492, %mul3A_494 : vector<16xi32>
    %add3A_496 = arith.addi %mul3A_495, %sub3A_491 : vector<16xi32>
    %swap3A_497 = arith.constant 384 : index
    %swap3A_498 = tpu.vector_load %arg6[%swap3A_497] {strides = array<i32>} : memref<1152xi32, #tpu.memory_space<vmem>>, vector<16xi32>,
    tpu.vector_store %arg6[%swap3A_497], %add3A_496 {strides = array<i32>} : memref<1152xi32, #tpu.memory_space<vmem>>, vector<16xi32>,
    %add3A_499 = arith.constant 400 : i32
    %add3A_500 = vector.broadcast %add3A_499 : i32 to vector<16xi32>
    %add3A_501 = arith.addi %iota3A, %add3A_500 : vector<16xi32>
    %mul3A_502 = arith.constant 7282 : i32
    %mul3A_503 = vector.broadcast %mul3A_502 : i32 to vector<16xi32>
    %mul3A_504 = arith.muli %add3A_501, %mul3A_503 : vector<16xi32>
    %shift_right_logical3A_505 = arith.constant 16 : i32
    %shift_right_logical3A_506 = vector.broadcast %shift_right_logical3A_505 : i32 to vector<16xi32>
    %shift_right_logical3A_507 = arith.shrui %mul3A_504, %shift_right_logical3A_506 : vector<16xi32>
    %mul3A_508 = arith.constant 9 : i32
    %mul3A_509 = vector.broadcast %mul3A_508 : i32 to vector<16xi32>
    %mul3A_510 = arith.muli %shift_right_logical3A_507, %mul3A_509 : vector<16xi32>
    %sub3A_511 = arith.subi %add3A_501, %mul3A_510 : vector<16xi32>
    %gather3A_512 = tpu.vector_load_idx %arg5[%shift_right_logical3A_507] : memref<128xi32, #tpu.memory_space<vmem>>[vector<16xi32>], vector<16xi32>,
    %mul3A_513 = arith.constant 9 : i32
    %mul3A_514 = vector.broadcast %mul3A_513 : i32 to vector<16xi32>
    %mul3A_515 = arith.muli %gather3A_512, %mul3A_514 : vector<16xi32>
    %add3A_516 = arith.addi %mul3A_515, %sub3A_511 : vector<16xi32>
    %swap3A_517 = arith.constant 400 : index
    %swap3A_518 = tpu.vector_load %arg6[%swap3A_517] {strides = array<i32>} : memref<1152xi32, #tpu.memory_space<vmem>>, vector<16xi32>,
    tpu.vector_store %arg6[%swap3A_517], %add3A_516 {strides = array<i32>} : memref<1152xi32, #tpu.memory_space<vmem>>, vector<16xi32>,
    %add3A_519 = arith.constant 416 : i32
    %add3A_520 = vector.broadcast %add3A_519 : i32 to vector<16xi32>
    %add3A_521 = arith.addi %iota3A, %add3A_520 : vector<16xi32>
    %mul3A_522 = arith.constant 7282 : i32
    %mul3A_523 = vector.broadcast %mul3A_522 : i32 to vector<16xi32>
    %mul3A_524 = arith.muli %add3A_521, %mul3A_523 : vector<16xi32>
    %shift_right_logical3A_525 = arith.constant 16 : i32
    %shift_right_logical3A_526 = vector.broadcast %shift_right_logical3A_525 : i32 to vector<16xi32>
    %shift_right_logical3A_527 = arith.shrui %mul3A_524, %shift_right_logical3A_526 : vector<16xi32>
    %mul3A_528 = arith.constant 9 : i32
    %mul3A_529 = vector.broadcast %mul3A_528 : i32 to vector<16xi32>
    %mul3A_530 = arith.muli %shift_right_logical3A_527, %mul3A_529 : vector<16xi32>
    %sub3A_531 = arith.subi %add3A_521, %mul3A_530 : vector<16xi32>
    %gather3A_532 = tpu.vector_load_idx %arg5[%shift_right_logical3A_527] : memref<128xi32, #tpu.memory_space<vmem>>[vector<16xi32>], vector<16xi32>,
    %mul3A_533 = arith.constant 9 : i32
    %mul3A_534 = vector.broadcast %mul3A_533 : i32 to vector<16xi32>
    %mul3A_535 = arith.muli %gather3A_532, %mul3A_534 : vector<16xi32>
    %add3A_536 = arith.addi %mul3A_535, %sub3A_531 : vector<16xi32>
    %swap3A_537 = arith.constant 416 : index
    %swap3A_538 = tpu.vector_load %arg6[%swap3A_537] {strides = array<i32>} : memref<1152xi32, #tpu.memory_space<vmem>>, vector<16xi32>,
    tpu.vector_store %arg6[%swap3A_537], %add3A_536 {strides = array<i32>} : memref<1152xi32, #tpu.memory_space<vmem>>, vector<16xi32>,
    %add3A_539 = arith.constant 432 : i32
    %add3A_540 = vector.broadcast %add3A_539 : i32 to vector<16xi32>
    %add3A_541 = arith.addi %iota3A, %add3A_540 : vector<16xi32>
    %mul3A_542 = arith.constant 7282 : i32
    %mul3A_543 = vector.broadcast %mul3A_542 : i32 to vector<16xi32>
    %mul3A_544 = arith.muli %add3A_541, %mul3A_543 : vector<16xi32>
    %shift_right_logical3A_545 = arith.constant 16 : i32
    %shift_right_logical3A_546 = vector.broadcast %shift_right_logical3A_545 : i32 to vector<16xi32>
    %shift_right_logical3A_547 = arith.shrui %mul3A_544, %shift_right_logical3A_546 : vector<16xi32>
    %mul3A_548 = arith.constant 9 : i32
    %mul3A_549 = vector.broadcast %mul3A_548 : i32 to vector<16xi32>
    %mul3A_550 = arith.muli %shift_right_logical3A_547, %mul3A_549 : vector<16xi32>
    %sub3A_551 = arith.subi %add3A_541, %mul3A_550 : vector<16xi32>
    %gather3A_552 = tpu.vector_load_idx %arg5[%shift_right_logical3A_547] : memref<128xi32, #tpu.memory_space<vmem>>[vector<16xi32>], vector<16xi32>,
    %mul3A_553 = arith.constant 9 : i32
    %mul3A_554 = vector.broadcast %mul3A_553 : i32 to vector<16xi32>
    %mul3A_555 = arith.muli %gather3A_552, %mul3A_554 : vector<16xi32>
    %add3A_556 = arith.addi %mul3A_555, %sub3A_551 : vector<16xi32>
    %swap3A_557 = arith.constant 432 : index
    %swap3A_558 = tpu.vector_load %arg6[%swap3A_557] {strides = array<i32>} : memref<1152xi32, #tpu.memory_space<vmem>>, vector<16xi32>,
    tpu.vector_store %arg6[%swap3A_557], %add3A_556 {strides = array<i32>} : memref<1152xi32, #tpu.memory_space<vmem>>, vector<16xi32>,
    %add3A_559 = arith.constant 448 : i32
    %add3A_560 = vector.broadcast %add3A_559 : i32 to vector<16xi32>
    %add3A_561 = arith.addi %iota3A, %add3A_560 : vector<16xi32>
    %mul3A_562 = arith.constant 7282 : i32
    %mul3A_563 = vector.broadcast %mul3A_562 : i32 to vector<16xi32>
    %mul3A_564 = arith.muli %add3A_561, %mul3A_563 : vector<16xi32>
    %shift_right_logical3A_565 = arith.constant 16 : i32
    %shift_right_logical3A_566 = vector.broadcast %shift_right_logical3A_565 : i32 to vector<16xi32>
    %shift_right_logical3A_567 = arith.shrui %mul3A_564, %shift_right_logical3A_566 : vector<16xi32>
    %mul3A_568 = arith.constant 9 : i32
    %mul3A_569 = vector.broadcast %mul3A_568 : i32 to vector<16xi32>
    %mul3A_570 = arith.muli %shift_right_logical3A_567, %mul3A_569 : vector<16xi32>
    %sub3A_571 = arith.subi %add3A_561, %mul3A_570 : vector<16xi32>
    %gather3A_572 = tpu.vector_load_idx %arg5[%shift_right_logical3A_567] : memref<128xi32, #tpu.memory_space<vmem>>[vector<16xi32>], vector<16xi32>,
    %mul3A_573 = arith.constant 9 : i32
    %mul3A_574 = vector.broadcast %mul3A_573 : i32 to vector<16xi32>
    %mul3A_575 = arith.muli %gather3A_572, %mul3A_574 : vector<16xi32>
    %add3A_576 = arith.addi %mul3A_575, %sub3A_571 : vector<16xi32>
    %swap3A_577 = arith.constant 448 : index
    %swap3A_578 = tpu.vector_load %arg6[%swap3A_577] {strides = array<i32>} : memref<1152xi32, #tpu.memory_space<vmem>>, vector<16xi32>,
    tpu.vector_store %arg6[%swap3A_577], %add3A_576 {strides = array<i32>} : memref<1152xi32, #tpu.memory_space<vmem>>, vector<16xi32>,
    %add3A_579 = arith.constant 464 : i32
    %add3A_580 = vector.broadcast %add3A_579 : i32 to vector<16xi32>
    %add3A_581 = arith.addi %iota3A, %add3A_580 : vector<16xi32>
    %mul3A_582 = arith.constant 7282 : i32
    %mul3A_583 = vector.broadcast %mul3A_582 : i32 to vector<16xi32>
    %mul3A_584 = arith.muli %add3A_581, %mul3A_583 : vector<16xi32>
    %shift_right_logical3A_585 = arith.constant 16 : i32
    %shift_right_logical3A_586 = vector.broadcast %shift_right_logical3A_585 : i32 to vector<16xi32>
    %shift_right_logical3A_587 = arith.shrui %mul3A_584, %shift_right_logical3A_586 : vector<16xi32>
    %mul3A_588 = arith.constant 9 : i32
    %mul3A_589 = vector.broadcast %mul3A_588 : i32 to vector<16xi32>
    %mul3A_590 = arith.muli %shift_right_logical3A_587, %mul3A_589 : vector<16xi32>
    %sub3A_591 = arith.subi %add3A_581, %mul3A_590 : vector<16xi32>
    %gather3A_592 = tpu.vector_load_idx %arg5[%shift_right_logical3A_587] : memref<128xi32, #tpu.memory_space<vmem>>[vector<16xi32>], vector<16xi32>,
    %mul3A_593 = arith.constant 9 : i32
    %mul3A_594 = vector.broadcast %mul3A_593 : i32 to vector<16xi32>
    %mul3A_595 = arith.muli %gather3A_592, %mul3A_594 : vector<16xi32>
    %add3A_596 = arith.addi %mul3A_595, %sub3A_591 : vector<16xi32>
    %swap3A_597 = arith.constant 464 : index
    %swap3A_598 = tpu.vector_load %arg6[%swap3A_597] {strides = array<i32>} : memref<1152xi32, #tpu.memory_space<vmem>>, vector<16xi32>,
    tpu.vector_store %arg6[%swap3A_597], %add3A_596 {strides = array<i32>} : memref<1152xi32, #tpu.memory_space<vmem>>, vector<16xi32>,
    %add3A_599 = arith.constant 480 : i32
    %add3A_600 = vector.broadcast %add3A_599 : i32 to vector<16xi32>
    %add3A_601 = arith.addi %iota3A, %add3A_600 : vector<16xi32>
    %mul3A_602 = arith.constant 7282 : i32
    %mul3A_603 = vector.broadcast %mul3A_602 : i32 to vector<16xi32>
    %mul3A_604 = arith.muli %add3A_601, %mul3A_603 : vector<16xi32>
    %shift_right_logical3A_605 = arith.constant 16 : i32
    %shift_right_logical3A_606 = vector.broadcast %shift_right_logical3A_605 : i32 to vector<16xi32>
    %shift_right_logical3A_607 = arith.shrui %mul3A_604, %shift_right_logical3A_606 : vector<16xi32>
    %mul3A_608 = arith.constant 9 : i32
    %mul3A_609 = vector.broadcast %mul3A_608 : i32 to vector<16xi32>
    %mul3A_610 = arith.muli %shift_right_logical3A_607, %mul3A_609 : vector<16xi32>
    %sub3A_611 = arith.subi %add3A_601, %mul3A_610 : vector<16xi32>
    %gather3A_612 = tpu.vector_load_idx %arg5[%shift_right_logical3A_607] : memref<128xi32, #tpu.memory_space<vmem>>[vector<16xi32>], vector<16xi32>,
    %mul3A_613 = arith.constant 9 : i32
    %mul3A_614 = vector.broadcast %mul3A_613 : i32 to vector<16xi32>
    %mul3A_615 = arith.muli %gather3A_612, %mul3A_614 : vector<16xi32>
    %add3A_616 = arith.addi %mul3A_615, %sub3A_611 : vector<16xi32>
    %swap3A_617 = arith.constant 480 : index
    %swap3A_618 = tpu.vector_load %arg6[%swap3A_617] {strides = array<i32>} : memref<1152xi32, #tpu.memory_space<vmem>>, vector<16xi32>,
    tpu.vector_store %arg6[%swap3A_617], %add3A_616 {strides = array<i32>} : memref<1152xi32, #tpu.memory_space<vmem>>, vector<16xi32>,
    %add3A_619 = arith.constant 496 : i32
    %add3A_620 = vector.broadcast %add3A_619 : i32 to vector<16xi32>
    %add3A_621 = arith.addi %iota3A, %add3A_620 : vector<16xi32>
    %mul3A_622 = arith.constant 7282 : i32
    %mul3A_623 = vector.broadcast %mul3A_622 : i32 to vector<16xi32>
    %mul3A_624 = arith.muli %add3A_621, %mul3A_623 : vector<16xi32>
    %shift_right_logical3A_625 = arith.constant 16 : i32
    %shift_right_logical3A_626 = vector.broadcast %shift_right_logical3A_625 : i32 to vector<16xi32>
    %shift_right_logical3A_627 = arith.shrui %mul3A_624, %shift_right_logical3A_626 : vector<16xi32>
    %mul3A_628 = arith.constant 9 : i32
    %mul3A_629 = vector.broadcast %mul3A_628 : i32 to vector<16xi32>
    %mul3A_630 = arith.muli %shift_right_logical3A_627, %mul3A_629 : vector<16xi32>
    %sub3A_631 = arith.subi %add3A_621, %mul3A_630 : vector<16xi32>
    %gather3A_632 = tpu.vector_load_idx %arg5[%shift_right_logical3A_627] : memref<128xi32, #tpu.memory_space<vmem>>[vector<16xi32>], vector<16xi32>,
    %mul3A_633 = arith.constant 9 : i32
    %mul3A_634 = vector.broadcast %mul3A_633 : i32 to vector<16xi32>
    %mul3A_635 = arith.muli %gather3A_632, %mul3A_634 : vector<16xi32>
    %add3A_636 = arith.addi %mul3A_635, %sub3A_631 : vector<16xi32>
    %swap3A_637 = arith.constant 496 : index
    %swap3A_638 = tpu.vector_load %arg6[%swap3A_637] {strides = array<i32>} : memref<1152xi32, #tpu.memory_space<vmem>>, vector<16xi32>,
    tpu.vector_store %arg6[%swap3A_637], %add3A_636 {strides = array<i32>} : memref<1152xi32, #tpu.memory_space<vmem>>, vector<16xi32>,
    %add3A_639 = arith.constant 512 : i32
    %add3A_640 = vector.broadcast %add3A_639 : i32 to vector<16xi32>
    %add3A_641 = arith.addi %iota3A, %add3A_640 : vector<16xi32>
    %mul3A_642 = arith.constant 7282 : i32
    %mul3A_643 = vector.broadcast %mul3A_642 : i32 to vector<16xi32>
    %mul3A_644 = arith.muli %add3A_641, %mul3A_643 : vector<16xi32>
    %shift_right_logical3A_645 = arith.constant 16 : i32
    %shift_right_logical3A_646 = vector.broadcast %shift_right_logical3A_645 : i32 to vector<16xi32>
    %shift_right_logical3A_647 = arith.shrui %mul3A_644, %shift_right_logical3A_646 : vector<16xi32>
    %mul3A_648 = arith.constant 9 : i32
    %mul3A_649 = vector.broadcast %mul3A_648 : i32 to vector<16xi32>
    %mul3A_650 = arith.muli %shift_right_logical3A_647, %mul3A_649 : vector<16xi32>
    %sub3A_651 = arith.subi %add3A_641, %mul3A_650 : vector<16xi32>
    %gather3A_652 = tpu.vector_load_idx %arg5[%shift_right_logical3A_647] : memref<128xi32, #tpu.memory_space<vmem>>[vector<16xi32>], vector<16xi32>,
    %mul3A_653 = arith.constant 9 : i32
    %mul3A_654 = vector.broadcast %mul3A_653 : i32 to vector<16xi32>
    %mul3A_655 = arith.muli %gather3A_652, %mul3A_654 : vector<16xi32>
    %add3A_656 = arith.addi %mul3A_655, %sub3A_651 : vector<16xi32>
    %swap3A_657 = arith.constant 512 : index
    %swap3A_658 = tpu.vector_load %arg6[%swap3A_657] {strides = array<i32>} : memref<1152xi32, #tpu.memory_space<vmem>>, vector<16xi32>,
    tpu.vector_store %arg6[%swap3A_657], %add3A_656 {strides = array<i32>} : memref<1152xi32, #tpu.memory_space<vmem>>, vector<16xi32>,
    %add3A_659 = arith.constant 528 : i32
    %add3A_660 = vector.broadcast %add3A_659 : i32 to vector<16xi32>
    %add3A_661 = arith.addi %iota3A, %add3A_660 : vector<16xi32>
    %mul3A_662 = arith.constant 7282 : i32
    %mul3A_663 = vector.broadcast %mul3A_662 : i32 to vector<16xi32>
    %mul3A_664 = arith.muli %add3A_661, %mul3A_663 : vector<16xi32>
    %shift_right_logical3A_665 = arith.constant 16 : i32
    %shift_right_logical3A_666 = vector.broadcast %shift_right_logical3A_665 : i32 to vector<16xi32>
    %shift_right_logical3A_667 = arith.shrui %mul3A_664, %shift_right_logical3A_666 : vector<16xi32>
    %mul3A_668 = arith.constant 9 : i32
    %mul3A_669 = vector.broadcast %mul3A_668 : i32 to vector<16xi32>
    %mul3A_670 = arith.muli %shift_right_logical3A_667, %mul3A_669 : vector<16xi32>
    %sub3A_671 = arith.subi %add3A_661, %mul3A_670 : vector<16xi32>
    %gather3A_672 = tpu.vector_load_idx %arg5[%shift_right_logical3A_667] : memref<128xi32, #tpu.memory_space<vmem>>[vector<16xi32>], vector<16xi32>,
    %mul3A_673 = arith.constant 9 : i32
    %mul3A_674 = vector.broadcast %mul3A_673 : i32 to vector<16xi32>
    %mul3A_675 = arith.muli %gather3A_672, %mul3A_674 : vector<16xi32>
    %add3A_676 = arith.addi %mul3A_675, %sub3A_671 : vector<16xi32>
    %swap3A_677 = arith.constant 528 : index
    %swap3A_678 = tpu.vector_load %arg6[%swap3A_677] {strides = array<i32>} : memref<1152xi32, #tpu.memory_space<vmem>>, vector<16xi32>,
    tpu.vector_store %arg6[%swap3A_677], %add3A_676 {strides = array<i32>} : memref<1152xi32, #tpu.memory_space<vmem>>, vector<16xi32>,
    %add3A_679 = arith.constant 544 : i32
    %add3A_680 = vector.broadcast %add3A_679 : i32 to vector<16xi32>
    %add3A_681 = arith.addi %iota3A, %add3A_680 : vector<16xi32>
    %mul3A_682 = arith.constant 7282 : i32
    %mul3A_683 = vector.broadcast %mul3A_682 : i32 to vector<16xi32>
    %mul3A_684 = arith.muli %add3A_681, %mul3A_683 : vector<16xi32>
    %shift_right_logical3A_685 = arith.constant 16 : i32
    %shift_right_logical3A_686 = vector.broadcast %shift_right_logical3A_685 : i32 to vector<16xi32>
    %shift_right_logical3A_687 = arith.shrui %mul3A_684, %shift_right_logical3A_686 : vector<16xi32>
    %mul3A_688 = arith.constant 9 : i32
    %mul3A_689 = vector.broadcast %mul3A_688 : i32 to vector<16xi32>
    %mul3A_690 = arith.muli %shift_right_logical3A_687, %mul3A_689 : vector<16xi32>
    %sub3A_691 = arith.subi %add3A_681, %mul3A_690 : vector<16xi32>
    %gather3A_692 = tpu.vector_load_idx %arg5[%shift_right_logical3A_687] : memref<128xi32, #tpu.memory_space<vmem>>[vector<16xi32>], vector<16xi32>,
    %mul3A_693 = arith.constant 9 : i32
    %mul3A_694 = vector.broadcast %mul3A_693 : i32 to vector<16xi32>
    %mul3A_695 = arith.muli %gather3A_692, %mul3A_694 : vector<16xi32>
    %add3A_696 = arith.addi %mul3A_695, %sub3A_691 : vector<16xi32>
    %swap3A_697 = arith.constant 544 : index
    %swap3A_698 = tpu.vector_load %arg6[%swap3A_697] {strides = array<i32>} : memref<1152xi32, #tpu.memory_space<vmem>>, vector<16xi32>,
    tpu.vector_store %arg6[%swap3A_697], %add3A_696 {strides = array<i32>} : memref<1152xi32, #tpu.memory_space<vmem>>, vector<16xi32>,
    %add3A_699 = arith.constant 560 : i32
    %add3A_700 = vector.broadcast %add3A_699 : i32 to vector<16xi32>
    %add3A_701 = arith.addi %iota3A, %add3A_700 : vector<16xi32>
    %mul3A_702 = arith.constant 7282 : i32
    %mul3A_703 = vector.broadcast %mul3A_702 : i32 to vector<16xi32>
    %mul3A_704 = arith.muli %add3A_701, %mul3A_703 : vector<16xi32>
    %shift_right_logical3A_705 = arith.constant 16 : i32
    %shift_right_logical3A_706 = vector.broadcast %shift_right_logical3A_705 : i32 to vector<16xi32>
    %shift_right_logical3A_707 = arith.shrui %mul3A_704, %shift_right_logical3A_706 : vector<16xi32>
    %mul3A_708 = arith.constant 9 : i32
    %mul3A_709 = vector.broadcast %mul3A_708 : i32 to vector<16xi32>
    %mul3A_710 = arith.muli %shift_right_logical3A_707, %mul3A_709 : vector<16xi32>
    %sub3A_711 = arith.subi %add3A_701, %mul3A_710 : vector<16xi32>
    %gather3A_712 = tpu.vector_load_idx %arg5[%shift_right_logical3A_707] : memref<128xi32, #tpu.memory_space<vmem>>[vector<16xi32>], vector<16xi32>,
    %mul3A_713 = arith.constant 9 : i32
    %mul3A_714 = vector.broadcast %mul3A_713 : i32 to vector<16xi32>
    %mul3A_715 = arith.muli %gather3A_712, %mul3A_714 : vector<16xi32>
    %add3A_716 = arith.addi %mul3A_715, %sub3A_711 : vector<16xi32>
    %swap3A_717 = arith.constant 560 : index
    %swap3A_718 = tpu.vector_load %arg6[%swap3A_717] {strides = array<i32>} : memref<1152xi32, #tpu.memory_space<vmem>>, vector<16xi32>,
    tpu.vector_store %arg6[%swap3A_717], %add3A_716 {strides = array<i32>} : memref<1152xi32, #tpu.memory_space<vmem>>, vector<16xi32>,
    %add3A_719 = arith.constant 576 : i32
    %add3A_720 = vector.broadcast %add3A_719 : i32 to vector<16xi32>
    %add3A_721 = arith.addi %iota3A, %add3A_720 : vector<16xi32>
    %mul3A_722 = arith.constant 7282 : i32
    %mul3A_723 = vector.broadcast %mul3A_722 : i32 to vector<16xi32>
    %mul3A_724 = arith.muli %add3A_721, %mul3A_723 : vector<16xi32>
    %shift_right_logical3A_725 = arith.constant 16 : i32
    %shift_right_logical3A_726 = vector.broadcast %shift_right_logical3A_725 : i32 to vector<16xi32>
    %shift_right_logical3A_727 = arith.shrui %mul3A_724, %shift_right_logical3A_726 : vector<16xi32>
    %mul3A_728 = arith.constant 9 : i32
    %mul3A_729 = vector.broadcast %mul3A_728 : i32 to vector<16xi32>
    %mul3A_730 = arith.muli %shift_right_logical3A_727, %mul3A_729 : vector<16xi32>
    %sub3A_731 = arith.subi %add3A_721, %mul3A_730 : vector<16xi32>
    %gather3A_732 = tpu.vector_load_idx %arg5[%shift_right_logical3A_727] : memref<128xi32, #tpu.memory_space<vmem>>[vector<16xi32>], vector<16xi32>,
    %mul3A_733 = arith.constant 9 : i32
    %mul3A_734 = vector.broadcast %mul3A_733 : i32 to vector<16xi32>
    %mul3A_735 = arith.muli %gather3A_732, %mul3A_734 : vector<16xi32>
    %add3A_736 = arith.addi %mul3A_735, %sub3A_731 : vector<16xi32>
    %swap3A_737 = arith.constant 576 : index
    %swap3A_738 = tpu.vector_load %arg6[%swap3A_737] {strides = array<i32>} : memref<1152xi32, #tpu.memory_space<vmem>>, vector<16xi32>,
    tpu.vector_store %arg6[%swap3A_737], %add3A_736 {strides = array<i32>} : memref<1152xi32, #tpu.memory_space<vmem>>, vector<16xi32>,
    %add3A_739 = arith.constant 592 : i32
    %add3A_740 = vector.broadcast %add3A_739 : i32 to vector<16xi32>
    %add3A_741 = arith.addi %iota3A, %add3A_740 : vector<16xi32>
    %mul3A_742 = arith.constant 7282 : i32
    %mul3A_743 = vector.broadcast %mul3A_742 : i32 to vector<16xi32>
    %mul3A_744 = arith.muli %add3A_741, %mul3A_743 : vector<16xi32>
    %shift_right_logical3A_745 = arith.constant 16 : i32
    %shift_right_logical3A_746 = vector.broadcast %shift_right_logical3A_745 : i32 to vector<16xi32>
    %shift_right_logical3A_747 = arith.shrui %mul3A_744, %shift_right_logical3A_746 : vector<16xi32>
    %mul3A_748 = arith.constant 9 : i32
    %mul3A_749 = vector.broadcast %mul3A_748 : i32 to vector<16xi32>
    %mul3A_750 = arith.muli %shift_right_logical3A_747, %mul3A_749 : vector<16xi32>
    %sub3A_751 = arith.subi %add3A_741, %mul3A_750 : vector<16xi32>
    %gather3A_752 = tpu.vector_load_idx %arg5[%shift_right_logical3A_747] : memref<128xi32, #tpu.memory_space<vmem>>[vector<16xi32>], vector<16xi32>,
    %mul3A_753 = arith.constant 9 : i32
    %mul3A_754 = vector.broadcast %mul3A_753 : i32 to vector<16xi32>
    %mul3A_755 = arith.muli %gather3A_752, %mul3A_754 : vector<16xi32>
    %add3A_756 = arith.addi %mul3A_755, %sub3A_751 : vector<16xi32>
    %swap3A_757 = arith.constant 592 : index
    %swap3A_758 = tpu.vector_load %arg6[%swap3A_757] {strides = array<i32>} : memref<1152xi32, #tpu.memory_space<vmem>>, vector<16xi32>,
    tpu.vector_store %arg6[%swap3A_757], %add3A_756 {strides = array<i32>} : memref<1152xi32, #tpu.memory_space<vmem>>, vector<16xi32>,
    %add3A_759 = arith.constant 608 : i32
    %add3A_760 = vector.broadcast %add3A_759 : i32 to vector<16xi32>
    %add3A_761 = arith.addi %iota3A, %add3A_760 : vector<16xi32>
    %mul3A_762 = arith.constant 7282 : i32
    %mul3A_763 = vector.broadcast %mul3A_762 : i32 to vector<16xi32>
    %mul3A_764 = arith.muli %add3A_761, %mul3A_763 : vector<16xi32>
    %shift_right_logical3A_765 = arith.constant 16 : i32
    %shift_right_logical3A_766 = vector.broadcast %shift_right_logical3A_765 : i32 to vector<16xi32>
    %shift_right_logical3A_767 = arith.shrui %mul3A_764, %shift_right_logical3A_766 : vector<16xi32>
    %mul3A_768 = arith.constant 9 : i32
    %mul3A_769 = vector.broadcast %mul3A_768 : i32 to vector<16xi32>
    %mul3A_770 = arith.muli %shift_right_logical3A_767, %mul3A_769 : vector<16xi32>
    %sub3A_771 = arith.subi %add3A_761, %mul3A_770 : vector<16xi32>
    %gather3A_772 = tpu.vector_load_idx %arg5[%shift_right_logical3A_767] : memref<128xi32, #tpu.memory_space<vmem>>[vector<16xi32>], vector<16xi32>,
    %mul3A_773 = arith.constant 9 : i32
    %mul3A_774 = vector.broadcast %mul3A_773 : i32 to vector<16xi32>
    %mul3A_775 = arith.muli %gather3A_772, %mul3A_774 : vector<16xi32>
    %add3A_776 = arith.addi %mul3A_775, %sub3A_771 : vector<16xi32>
    %swap3A_777 = arith.constant 608 : index
    %swap3A_778 = tpu.vector_load %arg6[%swap3A_777] {strides = array<i32>} : memref<1152xi32, #tpu.memory_space<vmem>>, vector<16xi32>,
    tpu.vector_store %arg6[%swap3A_777], %add3A_776 {strides = array<i32>} : memref<1152xi32, #tpu.memory_space<vmem>>, vector<16xi32>,
    %add3A_779 = arith.constant 624 : i32
    %add3A_780 = vector.broadcast %add3A_779 : i32 to vector<16xi32>
    %add3A_781 = arith.addi %iota3A, %add3A_780 : vector<16xi32>
    %mul3A_782 = arith.constant 7282 : i32
    %mul3A_783 = vector.broadcast %mul3A_782 : i32 to vector<16xi32>
    %mul3A_784 = arith.muli %add3A_781, %mul3A_783 : vector<16xi32>
    %shift_right_logical3A_785 = arith.constant 16 : i32
    %shift_right_logical3A_786 = vector.broadcast %shift_right_logical3A_785 : i32 to vector<16xi32>
    %shift_right_logical3A_787 = arith.shrui %mul3A_784, %shift_right_logical3A_786 : vector<16xi32>
    %mul3A_788 = arith.constant 9 : i32
    %mul3A_789 = vector.broadcast %mul3A_788 : i32 to vector<16xi32>
    %mul3A_790 = arith.muli %shift_right_logical3A_787, %mul3A_789 : vector<16xi32>
    %sub3A_791 = arith.subi %add3A_781, %mul3A_790 : vector<16xi32>
    %gather3A_792 = tpu.vector_load_idx %arg5[%shift_right_logical3A_787] : memref<128xi32, #tpu.memory_space<vmem>>[vector<16xi32>], vector<16xi32>,
    %mul3A_793 = arith.constant 9 : i32
    %mul3A_794 = vector.broadcast %mul3A_793 : i32 to vector<16xi32>
    %mul3A_795 = arith.muli %gather3A_792, %mul3A_794 : vector<16xi32>
    %add3A_796 = arith.addi %mul3A_795, %sub3A_791 : vector<16xi32>
    %swap3A_797 = arith.constant 624 : index
    %swap3A_798 = tpu.vector_load %arg6[%swap3A_797] {strides = array<i32>} : memref<1152xi32, #tpu.memory_space<vmem>>, vector<16xi32>,
    tpu.vector_store %arg6[%swap3A_797], %add3A_796 {strides = array<i32>} : memref<1152xi32, #tpu.memory_space<vmem>>, vector<16xi32>,
    %add3A_799 = arith.constant 640 : i32
    %add3A_800 = vector.broadcast %add3A_799 : i32 to vector<16xi32>
    %add3A_801 = arith.addi %iota3A, %add3A_800 : vector<16xi32>
    %mul3A_802 = arith.constant 7282 : i32
    %mul3A_803 = vector.broadcast %mul3A_802 : i32 to vector<16xi32>
    %mul3A_804 = arith.muli %add3A_801, %mul3A_803 : vector<16xi32>
    %shift_right_logical3A_805 = arith.constant 16 : i32
    %shift_right_logical3A_806 = vector.broadcast %shift_right_logical3A_805 : i32 to vector<16xi32>
    %shift_right_logical3A_807 = arith.shrui %mul3A_804, %shift_right_logical3A_806 : vector<16xi32>
    %mul3A_808 = arith.constant 9 : i32
    %mul3A_809 = vector.broadcast %mul3A_808 : i32 to vector<16xi32>
    %mul3A_810 = arith.muli %shift_right_logical3A_807, %mul3A_809 : vector<16xi32>
    %sub3A_811 = arith.subi %add3A_801, %mul3A_810 : vector<16xi32>
    %gather3A_812 = tpu.vector_load_idx %arg5[%shift_right_logical3A_807] : memref<128xi32, #tpu.memory_space<vmem>>[vector<16xi32>], vector<16xi32>,
    %mul3A_813 = arith.constant 9 : i32
    %mul3A_814 = vector.broadcast %mul3A_813 : i32 to vector<16xi32>
    %mul3A_815 = arith.muli %gather3A_812, %mul3A_814 : vector<16xi32>
    %add3A_816 = arith.addi %mul3A_815, %sub3A_811 : vector<16xi32>
    %swap3A_817 = arith.constant 640 : index
    %swap3A_818 = tpu.vector_load %arg6[%swap3A_817] {strides = array<i32>} : memref<1152xi32, #tpu.memory_space<vmem>>, vector<16xi32>,
    tpu.vector_store %arg6[%swap3A_817], %add3A_816 {strides = array<i32>} : memref<1152xi32, #tpu.memory_space<vmem>>, vector<16xi32>,
    %add3A_819 = arith.constant 656 : i32
    %add3A_820 = vector.broadcast %add3A_819 : i32 to vector<16xi32>
    %add3A_821 = arith.addi %iota3A, %add3A_820 : vector<16xi32>
    %mul3A_822 = arith.constant 7282 : i32
    %mul3A_823 = vector.broadcast %mul3A_822 : i32 to vector<16xi32>
    %mul3A_824 = arith.muli %add3A_821, %mul3A_823 : vector<16xi32>
    %shift_right_logical3A_825 = arith.constant 16 : i32
    %shift_right_logical3A_826 = vector.broadcast %shift_right_logical3A_825 : i32 to vector<16xi32>
    %shift_right_logical3A_827 = arith.shrui %mul3A_824, %shift_right_logical3A_826 : vector<16xi32>
    %mul3A_828 = arith.constant 9 : i32
    %mul3A_829 = vector.broadcast %mul3A_828 : i32 to vector<16xi32>
    %mul3A_830 = arith.muli %shift_right_logical3A_827, %mul3A_829 : vector<16xi32>
    %sub3A_831 = arith.subi %add3A_821, %mul3A_830 : vector<16xi32>
    %gather3A_832 = tpu.vector_load_idx %arg5[%shift_right_logical3A_827] : memref<128xi32, #tpu.memory_space<vmem>>[vector<16xi32>], vector<16xi32>,
    %mul3A_833 = arith.constant 9 : i32
    %mul3A_834 = vector.broadcast %mul3A_833 : i32 to vector<16xi32>
    %mul3A_835 = arith.muli %gather3A_832, %mul3A_834 : vector<16xi32>
    %add3A_836 = arith.addi %mul3A_835, %sub3A_831 : vector<16xi32>
    %swap3A_837 = arith.constant 656 : index
    %swap3A_838 = tpu.vector_load %arg6[%swap3A_837] {strides = array<i32>} : memref<1152xi32, #tpu.memory_space<vmem>>, vector<16xi32>,
    tpu.vector_store %arg6[%swap3A_837], %add3A_836 {strides = array<i32>} : memref<1152xi32, #tpu.memory_space<vmem>>, vector<16xi32>,
    %add3A_839 = arith.constant 672 : i32
    %add3A_840 = vector.broadcast %add3A_839 : i32 to vector<16xi32>
    %add3A_841 = arith.addi %iota3A, %add3A_840 : vector<16xi32>
    %mul3A_842 = arith.constant 7282 : i32
    %mul3A_843 = vector.broadcast %mul3A_842 : i32 to vector<16xi32>
    %mul3A_844 = arith.muli %add3A_841, %mul3A_843 : vector<16xi32>
    %shift_right_logical3A_845 = arith.constant 16 : i32
    %shift_right_logical3A_846 = vector.broadcast %shift_right_logical3A_845 : i32 to vector<16xi32>
    %shift_right_logical3A_847 = arith.shrui %mul3A_844, %shift_right_logical3A_846 : vector<16xi32>
    %mul3A_848 = arith.constant 9 : i32
    %mul3A_849 = vector.broadcast %mul3A_848 : i32 to vector<16xi32>
    %mul3A_850 = arith.muli %shift_right_logical3A_847, %mul3A_849 : vector<16xi32>
    %sub3A_851 = arith.subi %add3A_841, %mul3A_850 : vector<16xi32>
    %gather3A_852 = tpu.vector_load_idx %arg5[%shift_right_logical3A_847] : memref<128xi32, #tpu.memory_space<vmem>>[vector<16xi32>], vector<16xi32>,
    %mul3A_853 = arith.constant 9 : i32
    %mul3A_854 = vector.broadcast %mul3A_853 : i32 to vector<16xi32>
    %mul3A_855 = arith.muli %gather3A_852, %mul3A_854 : vector<16xi32>
    %add3A_856 = arith.addi %mul3A_855, %sub3A_851 : vector<16xi32>
    %swap3A_857 = arith.constant 672 : index
    %swap3A_858 = tpu.vector_load %arg6[%swap3A_857] {strides = array<i32>} : memref<1152xi32, #tpu.memory_space<vmem>>, vector<16xi32>,
    tpu.vector_store %arg6[%swap3A_857], %add3A_856 {strides = array<i32>} : memref<1152xi32, #tpu.memory_space<vmem>>, vector<16xi32>,
    %add3A_859 = arith.constant 688 : i32
    %add3A_860 = vector.broadcast %add3A_859 : i32 to vector<16xi32>
    %add3A_861 = arith.addi %iota3A, %add3A_860 : vector<16xi32>
    %mul3A_862 = arith.constant 7282 : i32
    %mul3A_863 = vector.broadcast %mul3A_862 : i32 to vector<16xi32>
    %mul3A_864 = arith.muli %add3A_861, %mul3A_863 : vector<16xi32>
    %shift_right_logical3A_865 = arith.constant 16 : i32
    %shift_right_logical3A_866 = vector.broadcast %shift_right_logical3A_865 : i32 to vector<16xi32>
    %shift_right_logical3A_867 = arith.shrui %mul3A_864, %shift_right_logical3A_866 : vector<16xi32>
    %mul3A_868 = arith.constant 9 : i32
    %mul3A_869 = vector.broadcast %mul3A_868 : i32 to vector<16xi32>
    %mul3A_870 = arith.muli %shift_right_logical3A_867, %mul3A_869 : vector<16xi32>
    %sub3A_871 = arith.subi %add3A_861, %mul3A_870 : vector<16xi32>
    %gather3A_872 = tpu.vector_load_idx %arg5[%shift_right_logical3A_867] : memref<128xi32, #tpu.memory_space<vmem>>[vector<16xi32>], vector<16xi32>,
    %mul3A_873 = arith.constant 9 : i32
    %mul3A_874 = vector.broadcast %mul3A_873 : i32 to vector<16xi32>
    %mul3A_875 = arith.muli %gather3A_872, %mul3A_874 : vector<16xi32>
    %add3A_876 = arith.addi %mul3A_875, %sub3A_871 : vector<16xi32>
    %swap3A_877 = arith.constant 688 : index
    %swap3A_878 = tpu.vector_load %arg6[%swap3A_877] {strides = array<i32>} : memref<1152xi32, #tpu.memory_space<vmem>>, vector<16xi32>,
    tpu.vector_store %arg6[%swap3A_877], %add3A_876 {strides = array<i32>} : memref<1152xi32, #tpu.memory_space<vmem>>, vector<16xi32>,
    %add3A_879 = arith.constant 704 : i32
    %add3A_880 = vector.broadcast %add3A_879 : i32 to vector<16xi32>
    %add3A_881 = arith.addi %iota3A, %add3A_880 : vector<16xi32>
    %mul3A_882 = arith.constant 7282 : i32
    %mul3A_883 = vector.broadcast %mul3A_882 : i32 to vector<16xi32>
    %mul3A_884 = arith.muli %add3A_881, %mul3A_883 : vector<16xi32>
    %shift_right_logical3A_885 = arith.constant 16 : i32
    %shift_right_logical3A_886 = vector.broadcast %shift_right_logical3A_885 : i32 to vector<16xi32>
    %shift_right_logical3A_887 = arith.shrui %mul3A_884, %shift_right_logical3A_886 : vector<16xi32>
    %mul3A_888 = arith.constant 9 : i32
    %mul3A_889 = vector.broadcast %mul3A_888 : i32 to vector<16xi32>
    %mul3A_890 = arith.muli %shift_right_logical3A_887, %mul3A_889 : vector<16xi32>
    %sub3A_891 = arith.subi %add3A_881, %mul3A_890 : vector<16xi32>
    %gather3A_892 = tpu.vector_load_idx %arg5[%shift_right_logical3A_887] : memref<128xi32, #tpu.memory_space<vmem>>[vector<16xi32>], vector<16xi32>,
    %mul3A_893 = arith.constant 9 : i32
    %mul3A_894 = vector.broadcast %mul3A_893 : i32 to vector<16xi32>
    %mul3A_895 = arith.muli %gather3A_892, %mul3A_894 : vector<16xi32>
    %add3A_896 = arith.addi %mul3A_895, %sub3A_891 : vector<16xi32>
    %swap3A_897 = arith.constant 704 : index
    %swap3A_898 = tpu.vector_load %arg6[%swap3A_897] {strides = array<i32>} : memref<1152xi32, #tpu.memory_space<vmem>>, vector<16xi32>,
    tpu.vector_store %arg6[%swap3A_897], %add3A_896 {strides = array<i32>} : memref<1152xi32, #tpu.memory_space<vmem>>, vector<16xi32>,
    %add3A_899 = arith.constant 720 : i32
    %add3A_900 = vector.broadcast %add3A_899 : i32 to vector<16xi32>
    %add3A_901 = arith.addi %iota3A, %add3A_900 : vector<16xi32>
    %mul3A_902 = arith.constant 7282 : i32
    %mul3A_903 = vector.broadcast %mul3A_902 : i32 to vector<16xi32>
    %mul3A_904 = arith.muli %add3A_901, %mul3A_903 : vector<16xi32>
    %shift_right_logical3A_905 = arith.constant 16 : i32
    %shift_right_logical3A_906 = vector.broadcast %shift_right_logical3A_905 : i32 to vector<16xi32>
    %shift_right_logical3A_907 = arith.shrui %mul3A_904, %shift_right_logical3A_906 : vector<16xi32>
    %mul3A_908 = arith.constant 9 : i32
    %mul3A_909 = vector.broadcast %mul3A_908 : i32 to vector<16xi32>
    %mul3A_910 = arith.muli %shift_right_logical3A_907, %mul3A_909 : vector<16xi32>
    %sub3A_911 = arith.subi %add3A_901, %mul3A_910 : vector<16xi32>
    %gather3A_912 = tpu.vector_load_idx %arg5[%shift_right_logical3A_907] : memref<128xi32, #tpu.memory_space<vmem>>[vector<16xi32>], vector<16xi32>,
    %mul3A_913 = arith.constant 9 : i32
    %mul3A_914 = vector.broadcast %mul3A_913 : i32 to vector<16xi32>
    %mul3A_915 = arith.muli %gather3A_912, %mul3A_914 : vector<16xi32>
    %add3A_916 = arith.addi %mul3A_915, %sub3A_911 : vector<16xi32>
    %swap3A_917 = arith.constant 720 : index
    %swap3A_918 = tpu.vector_load %arg6[%swap3A_917] {strides = array<i32>} : memref<1152xi32, #tpu.memory_space<vmem>>, vector<16xi32>,
    tpu.vector_store %arg6[%swap3A_917], %add3A_916 {strides = array<i32>} : memref<1152xi32, #tpu.memory_space<vmem>>, vector<16xi32>,
    %add3A_919 = arith.constant 736 : i32
    %add3A_920 = vector.broadcast %add3A_919 : i32 to vector<16xi32>
    %add3A_921 = arith.addi %iota3A, %add3A_920 : vector<16xi32>
    %mul3A_922 = arith.constant 7282 : i32
    %mul3A_923 = vector.broadcast %mul3A_922 : i32 to vector<16xi32>
    %mul3A_924 = arith.muli %add3A_921, %mul3A_923 : vector<16xi32>
    %shift_right_logical3A_925 = arith.constant 16 : i32
    %shift_right_logical3A_926 = vector.broadcast %shift_right_logical3A_925 : i32 to vector<16xi32>
    %shift_right_logical3A_927 = arith.shrui %mul3A_924, %shift_right_logical3A_926 : vector<16xi32>
    %mul3A_928 = arith.constant 9 : i32
    %mul3A_929 = vector.broadcast %mul3A_928 : i32 to vector<16xi32>
    %mul3A_930 = arith.muli %shift_right_logical3A_927, %mul3A_929 : vector<16xi32>
    %sub3A_931 = arith.subi %add3A_921, %mul3A_930 : vector<16xi32>
    %gather3A_932 = tpu.vector_load_idx %arg5[%shift_right_logical3A_927] : memref<128xi32, #tpu.memory_space<vmem>>[vector<16xi32>], vector<16xi32>,
    %mul3A_933 = arith.constant 9 : i32
    %mul3A_934 = vector.broadcast %mul3A_933 : i32 to vector<16xi32>
    %mul3A_935 = arith.muli %gather3A_932, %mul3A_934 : vector<16xi32>
    %add3A_936 = arith.addi %mul3A_935, %sub3A_931 : vector<16xi32>
    %swap3A_937 = arith.constant 736 : index
    %swap3A_938 = tpu.vector_load %arg6[%swap3A_937] {strides = array<i32>} : memref<1152xi32, #tpu.memory_space<vmem>>, vector<16xi32>,
    tpu.vector_store %arg6[%swap3A_937], %add3A_936 {strides = array<i32>} : memref<1152xi32, #tpu.memory_space<vmem>>, vector<16xi32>,
    %add3A_939 = arith.constant 752 : i32
    %add3A_940 = vector.broadcast %add3A_939 : i32 to vector<16xi32>
    %add3A_941 = arith.addi %iota3A, %add3A_940 : vector<16xi32>
    %mul3A_942 = arith.constant 7282 : i32
    %mul3A_943 = vector.broadcast %mul3A_942 : i32 to vector<16xi32>
    %mul3A_944 = arith.muli %add3A_941, %mul3A_943 : vector<16xi32>
    %shift_right_logical3A_945 = arith.constant 16 : i32
    %shift_right_logical3A_946 = vector.broadcast %shift_right_logical3A_945 : i32 to vector<16xi32>
    %shift_right_logical3A_947 = arith.shrui %mul3A_944, %shift_right_logical3A_946 : vector<16xi32>
    %mul3A_948 = arith.constant 9 : i32
    %mul3A_949 = vector.broadcast %mul3A_948 : i32 to vector<16xi32>
    %mul3A_950 = arith.muli %shift_right_logical3A_947, %mul3A_949 : vector<16xi32>
    %sub3A_951 = arith.subi %add3A_941, %mul3A_950 : vector<16xi32>
    %gather3A_952 = tpu.vector_load_idx %arg5[%shift_right_logical3A_947] : memref<128xi32, #tpu.memory_space<vmem>>[vector<16xi32>], vector<16xi32>,
    %mul3A_953 = arith.constant 9 : i32
    %mul3A_954 = vector.broadcast %mul3A_953 : i32 to vector<16xi32>
    %mul3A_955 = arith.muli %gather3A_952, %mul3A_954 : vector<16xi32>
    %add3A_956 = arith.addi %mul3A_955, %sub3A_951 : vector<16xi32>
    %swap3A_957 = arith.constant 752 : index
    %swap3A_958 = tpu.vector_load %arg6[%swap3A_957] {strides = array<i32>} : memref<1152xi32, #tpu.memory_space<vmem>>, vector<16xi32>,
    tpu.vector_store %arg6[%swap3A_957], %add3A_956 {strides = array<i32>} : memref<1152xi32, #tpu.memory_space<vmem>>, vector<16xi32>,
    %add3A_959 = arith.constant 768 : i32
    %add3A_960 = vector.broadcast %add3A_959 : i32 to vector<16xi32>
    %add3A_961 = arith.addi %iota3A, %add3A_960 : vector<16xi32>
    %mul3A_962 = arith.constant 7282 : i32
    %mul3A_963 = vector.broadcast %mul3A_962 : i32 to vector<16xi32>
    %mul3A_964 = arith.muli %add3A_961, %mul3A_963 : vector<16xi32>
    %shift_right_logical3A_965 = arith.constant 16 : i32
    %shift_right_logical3A_966 = vector.broadcast %shift_right_logical3A_965 : i32 to vector<16xi32>
    %shift_right_logical3A_967 = arith.shrui %mul3A_964, %shift_right_logical3A_966 : vector<16xi32>
    %mul3A_968 = arith.constant 9 : i32
    %mul3A_969 = vector.broadcast %mul3A_968 : i32 to vector<16xi32>
    %mul3A_970 = arith.muli %shift_right_logical3A_967, %mul3A_969 : vector<16xi32>
    %sub3A_971 = arith.subi %add3A_961, %mul3A_970 : vector<16xi32>
    %gather3A_972 = tpu.vector_load_idx %arg5[%shift_right_logical3A_967] : memref<128xi32, #tpu.memory_space<vmem>>[vector<16xi32>], vector<16xi32>,
    %mul3A_973 = arith.constant 9 : i32
    %mul3A_974 = vector.broadcast %mul3A_973 : i32 to vector<16xi32>
    %mul3A_975 = arith.muli %gather3A_972, %mul3A_974 : vector<16xi32>
    %add3A_976 = arith.addi %mul3A_975, %sub3A_971 : vector<16xi32>
    %swap3A_977 = arith.constant 768 : index
    %swap3A_978 = tpu.vector_load %arg6[%swap3A_977] {strides = array<i32>} : memref<1152xi32, #tpu.memory_space<vmem>>, vector<16xi32>,
    tpu.vector_store %arg6[%swap3A_977], %add3A_976 {strides = array<i32>} : memref<1152xi32, #tpu.memory_space<vmem>>, vector<16xi32>,
    %add3A_979 = arith.constant 784 : i32
    %add3A_980 = vector.broadcast %add3A_979 : i32 to vector<16xi32>
    %add3A_981 = arith.addi %iota3A, %add3A_980 : vector<16xi32>
    %mul3A_982 = arith.constant 7282 : i32
    %mul3A_983 = vector.broadcast %mul3A_982 : i32 to vector<16xi32>
    %mul3A_984 = arith.muli %add3A_981, %mul3A_983 : vector<16xi32>
    %shift_right_logical3A_985 = arith.constant 16 : i32
    %shift_right_logical3A_986 = vector.broadcast %shift_right_logical3A_985 : i32 to vector<16xi32>
    %shift_right_logical3A_987 = arith.shrui %mul3A_984, %shift_right_logical3A_986 : vector<16xi32>
    %mul3A_988 = arith.constant 9 : i32
    %mul3A_989 = vector.broadcast %mul3A_988 : i32 to vector<16xi32>
    %mul3A_990 = arith.muli %shift_right_logical3A_987, %mul3A_989 : vector<16xi32>
    %sub3A_991 = arith.subi %add3A_981, %mul3A_990 : vector<16xi32>
    %gather3A_992 = tpu.vector_load_idx %arg5[%shift_right_logical3A_987] : memref<128xi32, #tpu.memory_space<vmem>>[vector<16xi32>], vector<16xi32>,
    %mul3A_993 = arith.constant 9 : i32
    %mul3A_994 = vector.broadcast %mul3A_993 : i32 to vector<16xi32>
    %mul3A_995 = arith.muli %gather3A_992, %mul3A_994 : vector<16xi32>
    %add3A_996 = arith.addi %mul3A_995, %sub3A_991 : vector<16xi32>
    %swap3A_997 = arith.constant 784 : index
    %swap3A_998 = tpu.vector_load %arg6[%swap3A_997] {strides = array<i32>} : memref<1152xi32, #tpu.memory_space<vmem>>, vector<16xi32>,
    tpu.vector_store %arg6[%swap3A_997], %add3A_996 {strides = array<i32>} : memref<1152xi32, #tpu.memory_space<vmem>>, vector<16xi32>,
    %add3A_999 = arith.constant 800 : i32
    %add3A_1000 = vector.broadcast %add3A_999 : i32 to vector<16xi32>
    %add3A_1001 = arith.addi %iota3A, %add3A_1000 : vector<16xi32>
    %mul3A_1002 = arith.constant 7282 : i32
    %mul3A_1003 = vector.broadcast %mul3A_1002 : i32 to vector<16xi32>
    %mul3A_1004 = arith.muli %add3A_1001, %mul3A_1003 : vector<16xi32>
    %shift_right_logical3A_1005 = arith.constant 16 : i32
    %shift_right_logical3A_1006 = vector.broadcast %shift_right_logical3A_1005 : i32 to vector<16xi32>
    %shift_right_logical3A_1007 = arith.shrui %mul3A_1004, %shift_right_logical3A_1006 : vector<16xi32>
    %mul3A_1008 = arith.constant 9 : i32
    %mul3A_1009 = vector.broadcast %mul3A_1008 : i32 to vector<16xi32>
    %mul3A_1010 = arith.muli %shift_right_logical3A_1007, %mul3A_1009 : vector<16xi32>
    %sub3A_1011 = arith.subi %add3A_1001, %mul3A_1010 : vector<16xi32>
    %gather3A_1012 = tpu.vector_load_idx %arg5[%shift_right_logical3A_1007] : memref<128xi32, #tpu.memory_space<vmem>>[vector<16xi32>], vector<16xi32>,
    %mul3A_1013 = arith.constant 9 : i32
    %mul3A_1014 = vector.broadcast %mul3A_1013 : i32 to vector<16xi32>
    %mul3A_1015 = arith.muli %gather3A_1012, %mul3A_1014 : vector<16xi32>
    %add3A_1016 = arith.addi %mul3A_1015, %sub3A_1011 : vector<16xi32>
    %swap3A_1017 = arith.constant 800 : index
    %swap3A_1018 = tpu.vector_load %arg6[%swap3A_1017] {strides = array<i32>} : memref<1152xi32, #tpu.memory_space<vmem>>, vector<16xi32>,
    tpu.vector_store %arg6[%swap3A_1017], %add3A_1016 {strides = array<i32>} : memref<1152xi32, #tpu.memory_space<vmem>>, vector<16xi32>,
    %add3A_1019 = arith.constant 816 : i32
    %add3A_1020 = vector.broadcast %add3A_1019 : i32 to vector<16xi32>
    %add3A_1021 = arith.addi %iota3A, %add3A_1020 : vector<16xi32>
    %mul3A_1022 = arith.constant 7282 : i32
    %mul3A_1023 = vector.broadcast %mul3A_1022 : i32 to vector<16xi32>
    %mul3A_1024 = arith.muli %add3A_1021, %mul3A_1023 : vector<16xi32>
    %shift_right_logical3A_1025 = arith.constant 16 : i32
    %shift_right_logical3A_1026 = vector.broadcast %shift_right_logical3A_1025 : i32 to vector<16xi32>
    %shift_right_logical3A_1027 = arith.shrui %mul3A_1024, %shift_right_logical3A_1026 : vector<16xi32>
    %mul3A_1028 = arith.constant 9 : i32
    %mul3A_1029 = vector.broadcast %mul3A_1028 : i32 to vector<16xi32>
    %mul3A_1030 = arith.muli %shift_right_logical3A_1027, %mul3A_1029 : vector<16xi32>
    %sub3A_1031 = arith.subi %add3A_1021, %mul3A_1030 : vector<16xi32>
    %gather3A_1032 = tpu.vector_load_idx %arg5[%shift_right_logical3A_1027] : memref<128xi32, #tpu.memory_space<vmem>>[vector<16xi32>], vector<16xi32>,
    %mul3A_1033 = arith.constant 9 : i32
    %mul3A_1034 = vector.broadcast %mul3A_1033 : i32 to vector<16xi32>
    %mul3A_1035 = arith.muli %gather3A_1032, %mul3A_1034 : vector<16xi32>
    %add3A_1036 = arith.addi %mul3A_1035, %sub3A_1031 : vector<16xi32>
    %swap3A_1037 = arith.constant 816 : index
    %swap3A_1038 = tpu.vector_load %arg6[%swap3A_1037] {strides = array<i32>} : memref<1152xi32, #tpu.memory_space<vmem>>, vector<16xi32>,
    tpu.vector_store %arg6[%swap3A_1037], %add3A_1036 {strides = array<i32>} : memref<1152xi32, #tpu.memory_space<vmem>>, vector<16xi32>,
    %add3A_1039 = arith.constant 832 : i32
    %add3A_1040 = vector.broadcast %add3A_1039 : i32 to vector<16xi32>
    %add3A_1041 = arith.addi %iota3A, %add3A_1040 : vector<16xi32>
    %mul3A_1042 = arith.constant 7282 : i32
    %mul3A_1043 = vector.broadcast %mul3A_1042 : i32 to vector<16xi32>
    %mul3A_1044 = arith.muli %add3A_1041, %mul3A_1043 : vector<16xi32>
    %shift_right_logical3A_1045 = arith.constant 16 : i32
    %shift_right_logical3A_1046 = vector.broadcast %shift_right_logical3A_1045 : i32 to vector<16xi32>
    %shift_right_logical3A_1047 = arith.shrui %mul3A_1044, %shift_right_logical3A_1046 : vector<16xi32>
    %mul3A_1048 = arith.constant 9 : i32
    %mul3A_1049 = vector.broadcast %mul3A_1048 : i32 to vector<16xi32>
    %mul3A_1050 = arith.muli %shift_right_logical3A_1047, %mul3A_1049 : vector<16xi32>
    %sub3A_1051 = arith.subi %add3A_1041, %mul3A_1050 : vector<16xi32>
    %gather3A_1052 = tpu.vector_load_idx %arg5[%shift_right_logical3A_1047] : memref<128xi32, #tpu.memory_space<vmem>>[vector<16xi32>], vector<16xi32>,
    %mul3A_1053 = arith.constant 9 : i32
    %mul3A_1054 = vector.broadcast %mul3A_1053 : i32 to vector<16xi32>
    %mul3A_1055 = arith.muli %gather3A_1052, %mul3A_1054 : vector<16xi32>
    %add3A_1056 = arith.addi %mul3A_1055, %sub3A_1051 : vector<16xi32>
    %swap3A_1057 = arith.constant 832 : index
    %swap3A_1058 = tpu.vector_load %arg6[%swap3A_1057] {strides = array<i32>} : memref<1152xi32, #tpu.memory_space<vmem>>, vector<16xi32>,
    tpu.vector_store %arg6[%swap3A_1057], %add3A_1056 {strides = array<i32>} : memref<1152xi32, #tpu.memory_space<vmem>>, vector<16xi32>,
    %add3A_1059 = arith.constant 848 : i32
    %add3A_1060 = vector.broadcast %add3A_1059 : i32 to vector<16xi32>
    %add3A_1061 = arith.addi %iota3A, %add3A_1060 : vector<16xi32>
    %mul3A_1062 = arith.constant 7282 : i32
    %mul3A_1063 = vector.broadcast %mul3A_1062 : i32 to vector<16xi32>
    %mul3A_1064 = arith.muli %add3A_1061, %mul3A_1063 : vector<16xi32>
    %shift_right_logical3A_1065 = arith.constant 16 : i32
    %shift_right_logical3A_1066 = vector.broadcast %shift_right_logical3A_1065 : i32 to vector<16xi32>
    %shift_right_logical3A_1067 = arith.shrui %mul3A_1064, %shift_right_logical3A_1066 : vector<16xi32>
    %mul3A_1068 = arith.constant 9 : i32
    %mul3A_1069 = vector.broadcast %mul3A_1068 : i32 to vector<16xi32>
    %mul3A_1070 = arith.muli %shift_right_logical3A_1067, %mul3A_1069 : vector<16xi32>
    %sub3A_1071 = arith.subi %add3A_1061, %mul3A_1070 : vector<16xi32>
    %gather3A_1072 = tpu.vector_load_idx %arg5[%shift_right_logical3A_1067] : memref<128xi32, #tpu.memory_space<vmem>>[vector<16xi32>], vector<16xi32>,
    %mul3A_1073 = arith.constant 9 : i32
    %mul3A_1074 = vector.broadcast %mul3A_1073 : i32 to vector<16xi32>
    %mul3A_1075 = arith.muli %gather3A_1072, %mul3A_1074 : vector<16xi32>
    %add3A_1076 = arith.addi %mul3A_1075, %sub3A_1071 : vector<16xi32>
    %swap3A_1077 = arith.constant 848 : index
    %swap3A_1078 = tpu.vector_load %arg6[%swap3A_1077] {strides = array<i32>} : memref<1152xi32, #tpu.memory_space<vmem>>, vector<16xi32>,
    tpu.vector_store %arg6[%swap3A_1077], %add3A_1076 {strides = array<i32>} : memref<1152xi32, #tpu.memory_space<vmem>>, vector<16xi32>,
    %add3A_1079 = arith.constant 864 : i32
    %add3A_1080 = vector.broadcast %add3A_1079 : i32 to vector<16xi32>
    %add3A_1081 = arith.addi %iota3A, %add3A_1080 : vector<16xi32>
    %mul3A_1082 = arith.constant 7282 : i32
    %mul3A_1083 = vector.broadcast %mul3A_1082 : i32 to vector<16xi32>
    %mul3A_1084 = arith.muli %add3A_1081, %mul3A_1083 : vector<16xi32>
    %shift_right_logical3A_1085 = arith.constant 16 : i32
    %shift_right_logical3A_1086 = vector.broadcast %shift_right_logical3A_1085 : i32 to vector<16xi32>
    %shift_right_logical3A_1087 = arith.shrui %mul3A_1084, %shift_right_logical3A_1086 : vector<16xi32>
    %mul3A_1088 = arith.constant 9 : i32
    %mul3A_1089 = vector.broadcast %mul3A_1088 : i32 to vector<16xi32>
    %mul3A_1090 = arith.muli %shift_right_logical3A_1087, %mul3A_1089 : vector<16xi32>
    %sub3A_1091 = arith.subi %add3A_1081, %mul3A_1090 : vector<16xi32>
    %gather3A_1092 = tpu.vector_load_idx %arg5[%shift_right_logical3A_1087] : memref<128xi32, #tpu.memory_space<vmem>>[vector<16xi32>], vector<16xi32>,
    %mul3A_1093 = arith.constant 9 : i32
    %mul3A_1094 = vector.broadcast %mul3A_1093 : i32 to vector<16xi32>
    %mul3A_1095 = arith.muli %gather3A_1092, %mul3A_1094 : vector<16xi32>
    %add3A_1096 = arith.addi %mul3A_1095, %sub3A_1091 : vector<16xi32>
    %swap3A_1097 = arith.constant 864 : index
    %swap3A_1098 = tpu.vector_load %arg6[%swap3A_1097] {strides = array<i32>} : memref<1152xi32, #tpu.memory_space<vmem>>, vector<16xi32>,
    tpu.vector_store %arg6[%swap3A_1097], %add3A_1096 {strides = array<i32>} : memref<1152xi32, #tpu.memory_space<vmem>>, vector<16xi32>,
    %add3A_1099 = arith.constant 880 : i32
    %add3A_1100 = vector.broadcast %add3A_1099 : i32 to vector<16xi32>
    %add3A_1101 = arith.addi %iota3A, %add3A_1100 : vector<16xi32>
    %mul3A_1102 = arith.constant 7282 : i32
    %mul3A_1103 = vector.broadcast %mul3A_1102 : i32 to vector<16xi32>
    %mul3A_1104 = arith.muli %add3A_1101, %mul3A_1103 : vector<16xi32>
    %shift_right_logical3A_1105 = arith.constant 16 : i32
    %shift_right_logical3A_1106 = vector.broadcast %shift_right_logical3A_1105 : i32 to vector<16xi32>
    %shift_right_logical3A_1107 = arith.shrui %mul3A_1104, %shift_right_logical3A_1106 : vector<16xi32>
    %mul3A_1108 = arith.constant 9 : i32
    %mul3A_1109 = vector.broadcast %mul3A_1108 : i32 to vector<16xi32>
    %mul3A_1110 = arith.muli %shift_right_logical3A_1107, %mul3A_1109 : vector<16xi32>
    %sub3A_1111 = arith.subi %add3A_1101, %mul3A_1110 : vector<16xi32>
    %gather3A_1112 = tpu.vector_load_idx %arg5[%shift_right_logical3A_1107] : memref<128xi32, #tpu.memory_space<vmem>>[vector<16xi32>], vector<16xi32>,
    %mul3A_1113 = arith.constant 9 : i32
    %mul3A_1114 = vector.broadcast %mul3A_1113 : i32 to vector<16xi32>
    %mul3A_1115 = arith.muli %gather3A_1112, %mul3A_1114 : vector<16xi32>
    %add3A_1116 = arith.addi %mul3A_1115, %sub3A_1111 : vector<16xi32>
    %swap3A_1117 = arith.constant 880 : index
    %swap3A_1118 = tpu.vector_load %arg6[%swap3A_1117] {strides = array<i32>} : memref<1152xi32, #tpu.memory_space<vmem>>, vector<16xi32>,
    tpu.vector_store %arg6[%swap3A_1117], %add3A_1116 {strides = array<i32>} : memref<1152xi32, #tpu.memory_space<vmem>>, vector<16xi32>,
    %add3A_1119 = arith.constant 896 : i32
    %add3A_1120 = vector.broadcast %add3A_1119 : i32 to vector<16xi32>
    %add3A_1121 = arith.addi %iota3A, %add3A_1120 : vector<16xi32>
    %mul3A_1122 = arith.constant 7282 : i32
    %mul3A_1123 = vector.broadcast %mul3A_1122 : i32 to vector<16xi32>
    %mul3A_1124 = arith.muli %add3A_1121, %mul3A_1123 : vector<16xi32>
    %shift_right_logical3A_1125 = arith.constant 16 : i32
    %shift_right_logical3A_1126 = vector.broadcast %shift_right_logical3A_1125 : i32 to vector<16xi32>
    %shift_right_logical3A_1127 = arith.shrui %mul3A_1124, %shift_right_logical3A_1126 : vector<16xi32>
    %mul3A_1128 = arith.constant 9 : i32
    %mul3A_1129 = vector.broadcast %mul3A_1128 : i32 to vector<16xi32>
    %mul3A_1130 = arith.muli %shift_right_logical3A_1127, %mul3A_1129 : vector<16xi32>
    %sub3A_1131 = arith.subi %add3A_1121, %mul3A_1130 : vector<16xi32>
    %gather3A_1132 = tpu.vector_load_idx %arg5[%shift_right_logical3A_1127] : memref<128xi32, #tpu.memory_space<vmem>>[vector<16xi32>], vector<16xi32>,
    %mul3A_1133 = arith.constant 9 : i32
    %mul3A_1134 = vector.broadcast %mul3A_1133 : i32 to vector<16xi32>
    %mul3A_1135 = arith.muli %gather3A_1132, %mul3A_1134 : vector<16xi32>
    %add3A_1136 = arith.addi %mul3A_1135, %sub3A_1131 : vector<16xi32>
    %swap3A_1137 = arith.constant 896 : index
    %swap3A_1138 = tpu.vector_load %arg6[%swap3A_1137] {strides = array<i32>} : memref<1152xi32, #tpu.memory_space<vmem>>, vector<16xi32>,
    tpu.vector_store %arg6[%swap3A_1137], %add3A_1136 {strides = array<i32>} : memref<1152xi32, #tpu.memory_space<vmem>>, vector<16xi32>,
    %add3A_1139 = arith.constant 912 : i32
    %add3A_1140 = vector.broadcast %add3A_1139 : i32 to vector<16xi32>
    %add3A_1141 = arith.addi %iota3A, %add3A_1140 : vector<16xi32>
    %mul3A_1142 = arith.constant 7282 : i32
    %mul3A_1143 = vector.broadcast %mul3A_1142 : i32 to vector<16xi32>
    %mul3A_1144 = arith.muli %add3A_1141, %mul3A_1143 : vector<16xi32>
    %shift_right_logical3A_1145 = arith.constant 16 : i32
    %shift_right_logical3A_1146 = vector.broadcast %shift_right_logical3A_1145 : i32 to vector<16xi32>
    %shift_right_logical3A_1147 = arith.shrui %mul3A_1144, %shift_right_logical3A_1146 : vector<16xi32>
    %mul3A_1148 = arith.constant 9 : i32
    %mul3A_1149 = vector.broadcast %mul3A_1148 : i32 to vector<16xi32>
    %mul3A_1150 = arith.muli %shift_right_logical3A_1147, %mul3A_1149 : vector<16xi32>
    %sub3A_1151 = arith.subi %add3A_1141, %mul3A_1150 : vector<16xi32>
    %gather3A_1152 = tpu.vector_load_idx %arg5[%shift_right_logical3A_1147] : memref<128xi32, #tpu.memory_space<vmem>>[vector<16xi32>], vector<16xi32>,
    %mul3A_1153 = arith.constant 9 : i32
    %mul3A_1154 = vector.broadcast %mul3A_1153 : i32 to vector<16xi32>
    %mul3A_1155 = arith.muli %gather3A_1152, %mul3A_1154 : vector<16xi32>
    %add3A_1156 = arith.addi %mul3A_1155, %sub3A_1151 : vector<16xi32>
    %swap3A_1157 = arith.constant 912 : index
    %swap3A_1158 = tpu.vector_load %arg6[%swap3A_1157] {strides = array<i32>} : memref<1152xi32, #tpu.memory_space<vmem>>, vector<16xi32>,
    tpu.vector_store %arg6[%swap3A_1157], %add3A_1156 {strides = array<i32>} : memref<1152xi32, #tpu.memory_space<vmem>>, vector<16xi32>,
    %add3A_1159 = arith.constant 928 : i32
    %add3A_1160 = vector.broadcast %add3A_1159 : i32 to vector<16xi32>
    %add3A_1161 = arith.addi %iota3A, %add3A_1160 : vector<16xi32>
    %mul3A_1162 = arith.constant 7282 : i32
    %mul3A_1163 = vector.broadcast %mul3A_1162 : i32 to vector<16xi32>
    %mul3A_1164 = arith.muli %add3A_1161, %mul3A_1163 : vector<16xi32>
    %shift_right_logical3A_1165 = arith.constant 16 : i32
    %shift_right_logical3A_1166 = vector.broadcast %shift_right_logical3A_1165 : i32 to vector<16xi32>
    %shift_right_logical3A_1167 = arith.shrui %mul3A_1164, %shift_right_logical3A_1166 : vector<16xi32>
    %mul3A_1168 = arith.constant 9 : i32
    %mul3A_1169 = vector.broadcast %mul3A_1168 : i32 to vector<16xi32>
    %mul3A_1170 = arith.muli %shift_right_logical3A_1167, %mul3A_1169 : vector<16xi32>
    %sub3A_1171 = arith.subi %add3A_1161, %mul3A_1170 : vector<16xi32>
    %gather3A_1172 = tpu.vector_load_idx %arg5[%shift_right_logical3A_1167] : memref<128xi32, #tpu.memory_space<vmem>>[vector<16xi32>], vector<16xi32>,
    %mul3A_1173 = arith.constant 9 : i32
    %mul3A_1174 = vector.broadcast %mul3A_1173 : i32 to vector<16xi32>
    %mul3A_1175 = arith.muli %gather3A_1172, %mul3A_1174 : vector<16xi32>
    %add3A_1176 = arith.addi %mul3A_1175, %sub3A_1171 : vector<16xi32>
    %swap3A_1177 = arith.constant 928 : index
    %swap3A_1178 = tpu.vector_load %arg6[%swap3A_1177] {strides = array<i32>} : memref<1152xi32, #tpu.memory_space<vmem>>, vector<16xi32>,
    tpu.vector_store %arg6[%swap3A_1177], %add3A_1176 {strides = array<i32>} : memref<1152xi32, #tpu.memory_space<vmem>>, vector<16xi32>,
    %add3A_1179 = arith.constant 944 : i32
    %add3A_1180 = vector.broadcast %add3A_1179 : i32 to vector<16xi32>
    %add3A_1181 = arith.addi %iota3A, %add3A_1180 : vector<16xi32>
    %mul3A_1182 = arith.constant 7282 : i32
    %mul3A_1183 = vector.broadcast %mul3A_1182 : i32 to vector<16xi32>
    %mul3A_1184 = arith.muli %add3A_1181, %mul3A_1183 : vector<16xi32>
    %shift_right_logical3A_1185 = arith.constant 16 : i32
    %shift_right_logical3A_1186 = vector.broadcast %shift_right_logical3A_1185 : i32 to vector<16xi32>
    %shift_right_logical3A_1187 = arith.shrui %mul3A_1184, %shift_right_logical3A_1186 : vector<16xi32>
    %mul3A_1188 = arith.constant 9 : i32
    %mul3A_1189 = vector.broadcast %mul3A_1188 : i32 to vector<16xi32>
    %mul3A_1190 = arith.muli %shift_right_logical3A_1187, %mul3A_1189 : vector<16xi32>
    %sub3A_1191 = arith.subi %add3A_1181, %mul3A_1190 : vector<16xi32>
    %gather3A_1192 = tpu.vector_load_idx %arg5[%shift_right_logical3A_1187] : memref<128xi32, #tpu.memory_space<vmem>>[vector<16xi32>], vector<16xi32>,
    %mul3A_1193 = arith.constant 9 : i32
    %mul3A_1194 = vector.broadcast %mul3A_1193 : i32 to vector<16xi32>
    %mul3A_1195 = arith.muli %gather3A_1192, %mul3A_1194 : vector<16xi32>
    %add3A_1196 = arith.addi %mul3A_1195, %sub3A_1191 : vector<16xi32>
    %swap3A_1197 = arith.constant 944 : index
    %swap3A_1198 = tpu.vector_load %arg6[%swap3A_1197] {strides = array<i32>} : memref<1152xi32, #tpu.memory_space<vmem>>, vector<16xi32>,
    tpu.vector_store %arg6[%swap3A_1197], %add3A_1196 {strides = array<i32>} : memref<1152xi32, #tpu.memory_space<vmem>>, vector<16xi32>,
    %add3A_1199 = arith.constant 960 : i32
    %add3A_1200 = vector.broadcast %add3A_1199 : i32 to vector<16xi32>
    %add3A_1201 = arith.addi %iota3A, %add3A_1200 : vector<16xi32>
    %mul3A_1202 = arith.constant 7282 : i32
    %mul3A_1203 = vector.broadcast %mul3A_1202 : i32 to vector<16xi32>
    %mul3A_1204 = arith.muli %add3A_1201, %mul3A_1203 : vector<16xi32>
    %shift_right_logical3A_1205 = arith.constant 16 : i32
    %shift_right_logical3A_1206 = vector.broadcast %shift_right_logical3A_1205 : i32 to vector<16xi32>
    %shift_right_logical3A_1207 = arith.shrui %mul3A_1204, %shift_right_logical3A_1206 : vector<16xi32>
    %mul3A_1208 = arith.constant 9 : i32
    %mul3A_1209 = vector.broadcast %mul3A_1208 : i32 to vector<16xi32>
    %mul3A_1210 = arith.muli %shift_right_logical3A_1207, %mul3A_1209 : vector<16xi32>
    %sub3A_1211 = arith.subi %add3A_1201, %mul3A_1210 : vector<16xi32>
    %gather3A_1212 = tpu.vector_load_idx %arg5[%shift_right_logical3A_1207] : memref<128xi32, #tpu.memory_space<vmem>>[vector<16xi32>], vector<16xi32>,
    %mul3A_1213 = arith.constant 9 : i32
    %mul3A_1214 = vector.broadcast %mul3A_1213 : i32 to vector<16xi32>
    %mul3A_1215 = arith.muli %gather3A_1212, %mul3A_1214 : vector<16xi32>
    %add3A_1216 = arith.addi %mul3A_1215, %sub3A_1211 : vector<16xi32>
    %swap3A_1217 = arith.constant 960 : index
    %swap3A_1218 = tpu.vector_load %arg6[%swap3A_1217] {strides = array<i32>} : memref<1152xi32, #tpu.memory_space<vmem>>, vector<16xi32>,
    tpu.vector_store %arg6[%swap3A_1217], %add3A_1216 {strides = array<i32>} : memref<1152xi32, #tpu.memory_space<vmem>>, vector<16xi32>,
    %add3A_1219 = arith.constant 976 : i32
    %add3A_1220 = vector.broadcast %add3A_1219 : i32 to vector<16xi32>
    %add3A_1221 = arith.addi %iota3A, %add3A_1220 : vector<16xi32>
    %mul3A_1222 = arith.constant 7282 : i32
    %mul3A_1223 = vector.broadcast %mul3A_1222 : i32 to vector<16xi32>
    %mul3A_1224 = arith.muli %add3A_1221, %mul3A_1223 : vector<16xi32>
    %shift_right_logical3A_1225 = arith.constant 16 : i32
    %shift_right_logical3A_1226 = vector.broadcast %shift_right_logical3A_1225 : i32 to vector<16xi32>
    %shift_right_logical3A_1227 = arith.shrui %mul3A_1224, %shift_right_logical3A_1226 : vector<16xi32>
    %mul3A_1228 = arith.constant 9 : i32
    %mul3A_1229 = vector.broadcast %mul3A_1228 : i32 to vector<16xi32>
    %mul3A_1230 = arith.muli %shift_right_logical3A_1227, %mul3A_1229 : vector<16xi32>
    %sub3A_1231 = arith.subi %add3A_1221, %mul3A_1230 : vector<16xi32>
    %gather3A_1232 = tpu.vector_load_idx %arg5[%shift_right_logical3A_1227] : memref<128xi32, #tpu.memory_space<vmem>>[vector<16xi32>], vector<16xi32>,
    %mul3A_1233 = arith.constant 9 : i32
    %mul3A_1234 = vector.broadcast %mul3A_1233 : i32 to vector<16xi32>
    %mul3A_1235 = arith.muli %gather3A_1232, %mul3A_1234 : vector<16xi32>
    %add3A_1236 = arith.addi %mul3A_1235, %sub3A_1231 : vector<16xi32>
    %swap3A_1237 = arith.constant 976 : index
    %swap3A_1238 = tpu.vector_load %arg6[%swap3A_1237] {strides = array<i32>} : memref<1152xi32, #tpu.memory_space<vmem>>, vector<16xi32>,
    tpu.vector_store %arg6[%swap3A_1237], %add3A_1236 {strides = array<i32>} : memref<1152xi32, #tpu.memory_space<vmem>>, vector<16xi32>,
    %add3A_1239 = arith.constant 992 : i32
    %add3A_1240 = vector.broadcast %add3A_1239 : i32 to vector<16xi32>
    %add3A_1241 = arith.addi %iota3A, %add3A_1240 : vector<16xi32>
    %mul3A_1242 = arith.constant 7282 : i32
    %mul3A_1243 = vector.broadcast %mul3A_1242 : i32 to vector<16xi32>
    %mul3A_1244 = arith.muli %add3A_1241, %mul3A_1243 : vector<16xi32>
    %shift_right_logical3A_1245 = arith.constant 16 : i32
    %shift_right_logical3A_1246 = vector.broadcast %shift_right_logical3A_1245 : i32 to vector<16xi32>
    %shift_right_logical3A_1247 = arith.shrui %mul3A_1244, %shift_right_logical3A_1246 : vector<16xi32>
    %mul3A_1248 = arith.constant 9 : i32
    %mul3A_1249 = vector.broadcast %mul3A_1248 : i32 to vector<16xi32>
    %mul3A_1250 = arith.muli %shift_right_logical3A_1247, %mul3A_1249 : vector<16xi32>
    %sub3A_1251 = arith.subi %add3A_1241, %mul3A_1250 : vector<16xi32>
    %gather3A_1252 = tpu.vector_load_idx %arg5[%shift_right_logical3A_1247] : memref<128xi32, #tpu.memory_space<vmem>>[vector<16xi32>], vector<16xi32>,
    %mul3A_1253 = arith.constant 9 : i32
    %mul3A_1254 = vector.broadcast %mul3A_1253 : i32 to vector<16xi32>
    %mul3A_1255 = arith.muli %gather3A_1252, %mul3A_1254 : vector<16xi32>
    %add3A_1256 = arith.addi %mul3A_1255, %sub3A_1251 : vector<16xi32>
    %swap3A_1257 = arith.constant 992 : index
    %swap3A_1258 = tpu.vector_load %arg6[%swap3A_1257] {strides = array<i32>} : memref<1152xi32, #tpu.memory_space<vmem>>, vector<16xi32>,
    tpu.vector_store %arg6[%swap3A_1257], %add3A_1256 {strides = array<i32>} : memref<1152xi32, #tpu.memory_space<vmem>>, vector<16xi32>,
    %add3A_1259 = arith.constant 1008 : i32
    %add3A_1260 = vector.broadcast %add3A_1259 : i32 to vector<16xi32>
    %add3A_1261 = arith.addi %iota3A, %add3A_1260 : vector<16xi32>
    %mul3A_1262 = arith.constant 7282 : i32
    %mul3A_1263 = vector.broadcast %mul3A_1262 : i32 to vector<16xi32>
    %mul3A_1264 = arith.muli %add3A_1261, %mul3A_1263 : vector<16xi32>
    %shift_right_logical3A_1265 = arith.constant 16 : i32
    %shift_right_logical3A_1266 = vector.broadcast %shift_right_logical3A_1265 : i32 to vector<16xi32>
    %shift_right_logical3A_1267 = arith.shrui %mul3A_1264, %shift_right_logical3A_1266 : vector<16xi32>
    %mul3A_1268 = arith.constant 9 : i32
    %mul3A_1269 = vector.broadcast %mul3A_1268 : i32 to vector<16xi32>
    %mul3A_1270 = arith.muli %shift_right_logical3A_1267, %mul3A_1269 : vector<16xi32>
    %sub3A_1271 = arith.subi %add3A_1261, %mul3A_1270 : vector<16xi32>
    %gather3A_1272 = tpu.vector_load_idx %arg5[%shift_right_logical3A_1267] : memref<128xi32, #tpu.memory_space<vmem>>[vector<16xi32>], vector<16xi32>,
    %mul3A_1273 = arith.constant 9 : i32
    %mul3A_1274 = vector.broadcast %mul3A_1273 : i32 to vector<16xi32>
    %mul3A_1275 = arith.muli %gather3A_1272, %mul3A_1274 : vector<16xi32>
    %add3A_1276 = arith.addi %mul3A_1275, %sub3A_1271 : vector<16xi32>
    %swap3A_1277 = arith.constant 1008 : index
    %swap3A_1278 = tpu.vector_load %arg6[%swap3A_1277] {strides = array<i32>} : memref<1152xi32, #tpu.memory_space<vmem>>, vector<16xi32>,
    tpu.vector_store %arg6[%swap3A_1277], %add3A_1276 {strides = array<i32>} : memref<1152xi32, #tpu.memory_space<vmem>>, vector<16xi32>,
    %add3A_1279 = arith.constant 1024 : i32
    %add3A_1280 = vector.broadcast %add3A_1279 : i32 to vector<16xi32>
    %add3A_1281 = arith.addi %iota3A, %add3A_1280 : vector<16xi32>
    %mul3A_1282 = arith.constant 7282 : i32
    %mul3A_1283 = vector.broadcast %mul3A_1282 : i32 to vector<16xi32>
    %mul3A_1284 = arith.muli %add3A_1281, %mul3A_1283 : vector<16xi32>
    %shift_right_logical3A_1285 = arith.constant 16 : i32
    %shift_right_logical3A_1286 = vector.broadcast %shift_right_logical3A_1285 : i32 to vector<16xi32>
    %shift_right_logical3A_1287 = arith.shrui %mul3A_1284, %shift_right_logical3A_1286 : vector<16xi32>
    %mul3A_1288 = arith.constant 9 : i32
    %mul3A_1289 = vector.broadcast %mul3A_1288 : i32 to vector<16xi32>
    %mul3A_1290 = arith.muli %shift_right_logical3A_1287, %mul3A_1289 : vector<16xi32>
    %sub3A_1291 = arith.subi %add3A_1281, %mul3A_1290 : vector<16xi32>
    %gather3A_1292 = tpu.vector_load_idx %arg5[%shift_right_logical3A_1287] : memref<128xi32, #tpu.memory_space<vmem>>[vector<16xi32>], vector<16xi32>,
    %mul3A_1293 = arith.constant 9 : i32
    %mul3A_1294 = vector.broadcast %mul3A_1293 : i32 to vector<16xi32>
    %mul3A_1295 = arith.muli %gather3A_1292, %mul3A_1294 : vector<16xi32>
    %add3A_1296 = arith.addi %mul3A_1295, %sub3A_1291 : vector<16xi32>
    %swap3A_1297 = arith.constant 1024 : index
    %swap3A_1298 = tpu.vector_load %arg6[%swap3A_1297] {strides = array<i32>} : memref<1152xi32, #tpu.memory_space<vmem>>, vector<16xi32>,
    tpu.vector_store %arg6[%swap3A_1297], %add3A_1296 {strides = array<i32>} : memref<1152xi32, #tpu.memory_space<vmem>>, vector<16xi32>,
    %add3A_1299 = arith.constant 1040 : i32
    %add3A_1300 = vector.broadcast %add3A_1299 : i32 to vector<16xi32>
    %add3A_1301 = arith.addi %iota3A, %add3A_1300 : vector<16xi32>
    %mul3A_1302 = arith.constant 7282 : i32
    %mul3A_1303 = vector.broadcast %mul3A_1302 : i32 to vector<16xi32>
    %mul3A_1304 = arith.muli %add3A_1301, %mul3A_1303 : vector<16xi32>
    %shift_right_logical3A_1305 = arith.constant 16 : i32
    %shift_right_logical3A_1306 = vector.broadcast %shift_right_logical3A_1305 : i32 to vector<16xi32>
    %shift_right_logical3A_1307 = arith.shrui %mul3A_1304, %shift_right_logical3A_1306 : vector<16xi32>
    %mul3A_1308 = arith.constant 9 : i32
    %mul3A_1309 = vector.broadcast %mul3A_1308 : i32 to vector<16xi32>
    %mul3A_1310 = arith.muli %shift_right_logical3A_1307, %mul3A_1309 : vector<16xi32>
    %sub3A_1311 = arith.subi %add3A_1301, %mul3A_1310 : vector<16xi32>
    %gather3A_1312 = tpu.vector_load_idx %arg5[%shift_right_logical3A_1307] : memref<128xi32, #tpu.memory_space<vmem>>[vector<16xi32>], vector<16xi32>,
    %mul3A_1313 = arith.constant 9 : i32
    %mul3A_1314 = vector.broadcast %mul3A_1313 : i32 to vector<16xi32>
    %mul3A_1315 = arith.muli %gather3A_1312, %mul3A_1314 : vector<16xi32>
    %add3A_1316 = arith.addi %mul3A_1315, %sub3A_1311 : vector<16xi32>
    %swap3A_1317 = arith.constant 1040 : index
    %swap3A_1318 = tpu.vector_load %arg6[%swap3A_1317] {strides = array<i32>} : memref<1152xi32, #tpu.memory_space<vmem>>, vector<16xi32>,
    tpu.vector_store %arg6[%swap3A_1317], %add3A_1316 {strides = array<i32>} : memref<1152xi32, #tpu.memory_space<vmem>>, vector<16xi32>,
    %add3A_1319 = arith.constant 1056 : i32
    %add3A_1320 = vector.broadcast %add3A_1319 : i32 to vector<16xi32>
    %add3A_1321 = arith.addi %iota3A, %add3A_1320 : vector<16xi32>
    %mul3A_1322 = arith.constant 7282 : i32
    %mul3A_1323 = vector.broadcast %mul3A_1322 : i32 to vector<16xi32>
    %mul3A_1324 = arith.muli %add3A_1321, %mul3A_1323 : vector<16xi32>
    %shift_right_logical3A_1325 = arith.constant 16 : i32
    %shift_right_logical3A_1326 = vector.broadcast %shift_right_logical3A_1325 : i32 to vector<16xi32>
    %shift_right_logical3A_1327 = arith.shrui %mul3A_1324, %shift_right_logical3A_1326 : vector<16xi32>
    %mul3A_1328 = arith.constant 9 : i32
    %mul3A_1329 = vector.broadcast %mul3A_1328 : i32 to vector<16xi32>
    %mul3A_1330 = arith.muli %shift_right_logical3A_1327, %mul3A_1329 : vector<16xi32>
    %sub3A_1331 = arith.subi %add3A_1321, %mul3A_1330 : vector<16xi32>
    %gather3A_1332 = tpu.vector_load_idx %arg5[%shift_right_logical3A_1327] : memref<128xi32, #tpu.memory_space<vmem>>[vector<16xi32>], vector<16xi32>,
    %mul3A_1333 = arith.constant 9 : i32
    %mul3A_1334 = vector.broadcast %mul3A_1333 : i32 to vector<16xi32>
    %mul3A_1335 = arith.muli %gather3A_1332, %mul3A_1334 : vector<16xi32>
    %add3A_1336 = arith.addi %mul3A_1335, %sub3A_1331 : vector<16xi32>
    %swap3A_1337 = arith.constant 1056 : index
    %swap3A_1338 = tpu.vector_load %arg6[%swap3A_1337] {strides = array<i32>} : memref<1152xi32, #tpu.memory_space<vmem>>, vector<16xi32>,
    tpu.vector_store %arg6[%swap3A_1337], %add3A_1336 {strides = array<i32>} : memref<1152xi32, #tpu.memory_space<vmem>>, vector<16xi32>,
    %add3A_1339 = arith.constant 1072 : i32
    %add3A_1340 = vector.broadcast %add3A_1339 : i32 to vector<16xi32>
    %add3A_1341 = arith.addi %iota3A, %add3A_1340 : vector<16xi32>
    %mul3A_1342 = arith.constant 7282 : i32
    %mul3A_1343 = vector.broadcast %mul3A_1342 : i32 to vector<16xi32>
    %mul3A_1344 = arith.muli %add3A_1341, %mul3A_1343 : vector<16xi32>
    %shift_right_logical3A_1345 = arith.constant 16 : i32
    %shift_right_logical3A_1346 = vector.broadcast %shift_right_logical3A_1345 : i32 to vector<16xi32>
    %shift_right_logical3A_1347 = arith.shrui %mul3A_1344, %shift_right_logical3A_1346 : vector<16xi32>
    %mul3A_1348 = arith.constant 9 : i32
    %mul3A_1349 = vector.broadcast %mul3A_1348 : i32 to vector<16xi32>
    %mul3A_1350 = arith.muli %shift_right_logical3A_1347, %mul3A_1349 : vector<16xi32>
    %sub3A_1351 = arith.subi %add3A_1341, %mul3A_1350 : vector<16xi32>
    %gather3A_1352 = tpu.vector_load_idx %arg5[%shift_right_logical3A_1347] : memref<128xi32, #tpu.memory_space<vmem>>[vector<16xi32>], vector<16xi32>,
    %mul3A_1353 = arith.constant 9 : i32
    %mul3A_1354 = vector.broadcast %mul3A_1353 : i32 to vector<16xi32>
    %mul3A_1355 = arith.muli %gather3A_1352, %mul3A_1354 : vector<16xi32>
    %add3A_1356 = arith.addi %mul3A_1355, %sub3A_1351 : vector<16xi32>
    %swap3A_1357 = arith.constant 1072 : index
    %swap3A_1358 = tpu.vector_load %arg6[%swap3A_1357] {strides = array<i32>} : memref<1152xi32, #tpu.memory_space<vmem>>, vector<16xi32>,
    tpu.vector_store %arg6[%swap3A_1357], %add3A_1356 {strides = array<i32>} : memref<1152xi32, #tpu.memory_space<vmem>>, vector<16xi32>,
    %add3A_1359 = arith.constant 1088 : i32
    %add3A_1360 = vector.broadcast %add3A_1359 : i32 to vector<16xi32>
    %add3A_1361 = arith.addi %iota3A, %add3A_1360 : vector<16xi32>
    %mul3A_1362 = arith.constant 7282 : i32
    %mul3A_1363 = vector.broadcast %mul3A_1362 : i32 to vector<16xi32>
    %mul3A_1364 = arith.muli %add3A_1361, %mul3A_1363 : vector<16xi32>
    %shift_right_logical3A_1365 = arith.constant 16 : i32
    %shift_right_logical3A_1366 = vector.broadcast %shift_right_logical3A_1365 : i32 to vector<16xi32>
    %shift_right_logical3A_1367 = arith.shrui %mul3A_1364, %shift_right_logical3A_1366 : vector<16xi32>
    %mul3A_1368 = arith.constant 9 : i32
    %mul3A_1369 = vector.broadcast %mul3A_1368 : i32 to vector<16xi32>
    %mul3A_1370 = arith.muli %shift_right_logical3A_1367, %mul3A_1369 : vector<16xi32>
    %sub3A_1371 = arith.subi %add3A_1361, %mul3A_1370 : vector<16xi32>
    %gather3A_1372 = tpu.vector_load_idx %arg5[%shift_right_logical3A_1367] : memref<128xi32, #tpu.memory_space<vmem>>[vector<16xi32>], vector<16xi32>,
    %mul3A_1373 = arith.constant 9 : i32
    %mul3A_1374 = vector.broadcast %mul3A_1373 : i32 to vector<16xi32>
    %mul3A_1375 = arith.muli %gather3A_1372, %mul3A_1374 : vector<16xi32>
    %add3A_1376 = arith.addi %mul3A_1375, %sub3A_1371 : vector<16xi32>
    %swap3A_1377 = arith.constant 1088 : index
    %swap3A_1378 = tpu.vector_load %arg6[%swap3A_1377] {strides = array<i32>} : memref<1152xi32, #tpu.memory_space<vmem>>, vector<16xi32>,
    tpu.vector_store %arg6[%swap3A_1377], %add3A_1376 {strides = array<i32>} : memref<1152xi32, #tpu.memory_space<vmem>>, vector<16xi32>,
    %add3A_1379 = arith.constant 1104 : i32
    %add3A_1380 = vector.broadcast %add3A_1379 : i32 to vector<16xi32>
    %add3A_1381 = arith.addi %iota3A, %add3A_1380 : vector<16xi32>
    %mul3A_1382 = arith.constant 7282 : i32
    %mul3A_1383 = vector.broadcast %mul3A_1382 : i32 to vector<16xi32>
    %mul3A_1384 = arith.muli %add3A_1381, %mul3A_1383 : vector<16xi32>
    %shift_right_logical3A_1385 = arith.constant 16 : i32
    %shift_right_logical3A_1386 = vector.broadcast %shift_right_logical3A_1385 : i32 to vector<16xi32>
    %shift_right_logical3A_1387 = arith.shrui %mul3A_1384, %shift_right_logical3A_1386 : vector<16xi32>
    %mul3A_1388 = arith.constant 9 : i32
    %mul3A_1389 = vector.broadcast %mul3A_1388 : i32 to vector<16xi32>
    %mul3A_1390 = arith.muli %shift_right_logical3A_1387, %mul3A_1389 : vector<16xi32>
    %sub3A_1391 = arith.subi %add3A_1381, %mul3A_1390 : vector<16xi32>
    %gather3A_1392 = tpu.vector_load_idx %arg5[%shift_right_logical3A_1387] : memref<128xi32, #tpu.memory_space<vmem>>[vector<16xi32>], vector<16xi32>,
    %mul3A_1393 = arith.constant 9 : i32
    %mul3A_1394 = vector.broadcast %mul3A_1393 : i32 to vector<16xi32>
    %mul3A_1395 = arith.muli %gather3A_1392, %mul3A_1394 : vector<16xi32>
    %add3A_1396 = arith.addi %mul3A_1395, %sub3A_1391 : vector<16xi32>
    %swap3A_1397 = arith.constant 1104 : index
    %swap3A_1398 = tpu.vector_load %arg6[%swap3A_1397] {strides = array<i32>} : memref<1152xi32, #tpu.memory_space<vmem>>, vector<16xi32>,
    tpu.vector_store %arg6[%swap3A_1397], %add3A_1396 {strides = array<i32>} : memref<1152xi32, #tpu.memory_space<vmem>>, vector<16xi32>,
    %add3A_1399 = arith.constant 1120 : i32
    %add3A_1400 = vector.broadcast %add3A_1399 : i32 to vector<16xi32>
    %add3A_1401 = arith.addi %iota3A, %add3A_1400 : vector<16xi32>
    %mul3A_1402 = arith.constant 7282 : i32
    %mul3A_1403 = vector.broadcast %mul3A_1402 : i32 to vector<16xi32>
    %mul3A_1404 = arith.muli %add3A_1401, %mul3A_1403 : vector<16xi32>
    %shift_right_logical3A_1405 = arith.constant 16 : i32
    %shift_right_logical3A_1406 = vector.broadcast %shift_right_logical3A_1405 : i32 to vector<16xi32>
    %shift_right_logical3A_1407 = arith.shrui %mul3A_1404, %shift_right_logical3A_1406 : vector<16xi32>
    %mul3A_1408 = arith.constant 9 : i32
    %mul3A_1409 = vector.broadcast %mul3A_1408 : i32 to vector<16xi32>
    %mul3A_1410 = arith.muli %shift_right_logical3A_1407, %mul3A_1409 : vector<16xi32>
    %sub3A_1411 = arith.subi %add3A_1401, %mul3A_1410 : vector<16xi32>
    %gather3A_1412 = tpu.vector_load_idx %arg5[%shift_right_logical3A_1407] : memref<128xi32, #tpu.memory_space<vmem>>[vector<16xi32>], vector<16xi32>,
    %mul3A_1413 = arith.constant 9 : i32
    %mul3A_1414 = vector.broadcast %mul3A_1413 : i32 to vector<16xi32>
    %mul3A_1415 = arith.muli %gather3A_1412, %mul3A_1414 : vector<16xi32>
    %add3A_1416 = arith.addi %mul3A_1415, %sub3A_1411 : vector<16xi32>
    %swap3A_1417 = arith.constant 1120 : index
    %swap3A_1418 = tpu.vector_load %arg6[%swap3A_1417] {strides = array<i32>} : memref<1152xi32, #tpu.memory_space<vmem>>, vector<16xi32>,
    tpu.vector_store %arg6[%swap3A_1417], %add3A_1416 {strides = array<i32>} : memref<1152xi32, #tpu.memory_space<vmem>>, vector<16xi32>,
    %add3A_1419 = arith.constant 1136 : i32
    %add3A_1420 = vector.broadcast %add3A_1419 : i32 to vector<16xi32>
    %add3A_1421 = arith.addi %iota3A, %add3A_1420 : vector<16xi32>
    %mul3A_1422 = arith.constant 7282 : i32
    %mul3A_1423 = vector.broadcast %mul3A_1422 : i32 to vector<16xi32>
    %mul3A_1424 = arith.muli %add3A_1421, %mul3A_1423 : vector<16xi32>
    %shift_right_logical3A_1425 = arith.constant 16 : i32
    %shift_right_logical3A_1426 = vector.broadcast %shift_right_logical3A_1425 : i32 to vector<16xi32>
    %shift_right_logical3A_1427 = arith.shrui %mul3A_1424, %shift_right_logical3A_1426 : vector<16xi32>
    %mul3A_1428 = arith.constant 9 : i32
    %mul3A_1429 = vector.broadcast %mul3A_1428 : i32 to vector<16xi32>
    %mul3A_1430 = arith.muli %shift_right_logical3A_1427, %mul3A_1429 : vector<16xi32>
    %sub3A_1431 = arith.subi %add3A_1421, %mul3A_1430 : vector<16xi32>
    %gather3A_1432 = tpu.vector_load_idx %arg5[%shift_right_logical3A_1427] : memref<128xi32, #tpu.memory_space<vmem>>[vector<16xi32>], vector<16xi32>,
    %mul3A_1433 = arith.constant 9 : i32
    %mul3A_1434 = vector.broadcast %mul3A_1433 : i32 to vector<16xi32>
    %mul3A_1435 = arith.muli %gather3A_1432, %mul3A_1434 : vector<16xi32>
    %add3A_1436 = arith.addi %mul3A_1435, %sub3A_1431 : vector<16xi32>
    %swap3A_1437 = arith.constant 1136 : index
    %swap3A_1438 = tpu.vector_load %arg6[%swap3A_1437] {strides = array<i32>} : memref<1152xi32, #tpu.memory_space<vmem>>, vector<16xi32>,
    tpu.vector_store %arg6[%swap3A_1437], %add3A_1436 {strides = array<i32>} : memref<1152xi32, #tpu.memory_space<vmem>>, vector<16xi32>,
    %mul3A_1439 = arith.constant 1152 : i32
    %mul3A_1440 = arith.muli %add3A, %mul3A_1439 : i32
    %dma_start3A = arith.constant 0 : i32
    %dma_start3A_1441 = arith.constant 0 : i32
    %dma_start3A_1442 = arith.constant 0 : i32
    %dma_start3A_1443 = tpu.memref_slice %arg7[%dma_start3A, %dma_start3A_1441, %dma_start3A_1442] : memref<6x128x128xf32, #tpu.memory_space<vmem>> -> memref<1x128x128xf32, #tpu.memory_space<vmem>>
    %dma_start3A_1444 = tpu.memref_squeeze %dma_start3A_1443 : memref<1x128x128xf32, #tpu.memory_space<vmem>> -> memref<128x128xf32, #tpu.memory_space<vmem>>
    %dma_start3A_1445 = arith.constant 0 : i32
    %dma_start3A_1446 = tpu.memref_slice %arg6[%dma_start3A_1445] : memref<1152xi32, #tpu.memory_space<vmem>> -> memref<128xi32, #tpu.memory_space<vmem>>
    %dma_start3A_1447 = arith.constant 0 : i32
    %dma_start3A_1448 = arith.constant 0 : i32
    %dma_start3A_1449 = tpu.memref_slice %arg2[%dma_start3A_1447, %dma_start3A_1448] : memref<900000x128xf32, #tpu.memory_space<hbm>> -> memref<900000x128xf32, #tpu.memory_space<hbm>>
    tpu.enqueue_indirect_dma source(%dma_start3A_1449 : memref<900000x128xf32, #tpu.memory_space<hbm>>) target(%dma_start3A_1444 : memref<128x128xf32, #tpu.memory_space<vmem>>) offsets(%dma_start3A_1446 : memref<128xi32, #tpu.memory_space<vmem>>) semaphore(%arg8 : memref<!tpu.dma_semaphore, #tpu.memory_space<semaphore_mem>>)
    %dma_start3A_1450 = arith.constant 1 : i32
    %dma_start3A_1451 = arith.constant 0 : i32
    %dma_start3A_1452 = arith.constant 0 : i32
    %dma_start3A_1453 = tpu.memref_slice %arg7[%dma_start3A_1450, %dma_start3A_1451, %dma_start3A_1452] : memref<6x128x128xf32, #tpu.memory_space<vmem>> -> memref<1x128x128xf32, #tpu.memory_space<vmem>>
    %dma_start3A_1454 = tpu.memref_squeeze %dma_start3A_1453 : memref<1x128x128xf32, #tpu.memory_space<vmem>> -> memref<128x128xf32, #tpu.memory_space<vmem>>
    %dma_start3A_1455 = arith.constant 128 : i32
    %dma_start3A_1456 = tpu.memref_slice %arg6[%dma_start3A_1455] : memref<1152xi32, #tpu.memory_space<vmem>> -> memref<128xi32, #tpu.memory_space<vmem>>
    %dma_start3A_1457 = arith.constant 0 : i32
    %dma_start3A_1458 = arith.constant 0 : i32
    %dma_start3A_1459 = tpu.memref_slice %arg2[%dma_start3A_1457, %dma_start3A_1458] : memref<900000x128xf32, #tpu.memory_space<hbm>> -> memref<900000x128xf32, #tpu.memory_space<hbm>>
    tpu.enqueue_indirect_dma source(%dma_start3A_1459 : memref<900000x128xf32, #tpu.memory_space<hbm>>) target(%dma_start3A_1454 : memref<128x128xf32, #tpu.memory_space<vmem>>) offsets(%dma_start3A_1456 : memref<128xi32, #tpu.memory_space<vmem>>) semaphore(%arg8 : memref<!tpu.dma_semaphore, #tpu.memory_space<semaphore_mem>>)
    %dma_start3A_1460 = arith.constant 2 : i32
    %dma_start3A_1461 = arith.constant 0 : i32
    %dma_start3A_1462 = arith.constant 0 : i32
    %dma_start3A_1463 = tpu.memref_slice %arg7[%dma_start3A_1460, %dma_start3A_1461, %dma_start3A_1462] : memref<6x128x128xf32, #tpu.memory_space<vmem>> -> memref<1x128x128xf32, #tpu.memory_space<vmem>>
    %dma_start3A_1464 = tpu.memref_squeeze %dma_start3A_1463 : memref<1x128x128xf32, #tpu.memory_space<vmem>> -> memref<128x128xf32, #tpu.memory_space<vmem>>
    %dma_start3A_1465 = arith.constant 256 : i32
    %dma_start3A_1466 = tpu.memref_slice %arg6[%dma_start3A_1465] : memref<1152xi32, #tpu.memory_space<vmem>> -> memref<128xi32, #tpu.memory_space<vmem>>
    %dma_start3A_1467 = arith.constant 0 : i32
    %dma_start3A_1468 = arith.constant 0 : i32
    %dma_start3A_1469 = tpu.memref_slice %arg2[%dma_start3A_1467, %dma_start3A_1468] : memref<900000x128xf32, #tpu.memory_space<hbm>> -> memref<900000x128xf32, #tpu.memory_space<hbm>>
    tpu.enqueue_indirect_dma source(%dma_start3A_1469 : memref<900000x128xf32, #tpu.memory_space<hbm>>) target(%dma_start3A_1464 : memref<128x128xf32, #tpu.memory_space<vmem>>) offsets(%dma_start3A_1466 : memref<128xi32, #tpu.memory_space<vmem>>) semaphore(%arg8 : memref<!tpu.dma_semaphore, #tpu.memory_space<semaphore_mem>>)
    %dma_start3A_1470 = arith.constant 3 : i32
    %dma_start3A_1471 = arith.constant 0 : i32
    %dma_start3A_1472 = arith.constant 0 : i32
    %dma_start3A_1473 = tpu.memref_slice %arg7[%dma_start3A_1470, %dma_start3A_1471, %dma_start3A_1472] : memref<6x128x128xf32, #tpu.memory_space<vmem>> -> memref<1x128x128xf32, #tpu.memory_space<vmem>>
    %dma_start3A_1474 = tpu.memref_squeeze %dma_start3A_1473 : memref<1x128x128xf32, #tpu.memory_space<vmem>> -> memref<128x128xf32, #tpu.memory_space<vmem>>
    %dma_start3A_1475 = arith.constant 384 : i32
    %dma_start3A_1476 = tpu.memref_slice %arg6[%dma_start3A_1475] : memref<1152xi32, #tpu.memory_space<vmem>> -> memref<128xi32, #tpu.memory_space<vmem>>
    %dma_start3A_1477 = arith.constant 0 : i32
    %dma_start3A_1478 = arith.constant 0 : i32
    %dma_start3A_1479 = tpu.memref_slice %arg2[%dma_start3A_1477, %dma_start3A_1478] : memref<900000x128xf32, #tpu.memory_space<hbm>> -> memref<900000x128xf32, #tpu.memory_space<hbm>>
    tpu.enqueue_indirect_dma source(%dma_start3A_1479 : memref<900000x128xf32, #tpu.memory_space<hbm>>) target(%dma_start3A_1474 : memref<128x128xf32, #tpu.memory_space<vmem>>) offsets(%dma_start3A_1476 : memref<128xi32, #tpu.memory_space<vmem>>) semaphore(%arg8 : memref<!tpu.dma_semaphore, #tpu.memory_space<semaphore_mem>>)
    %dma_wait3A = arith.constant 0 : i32
    %dma_wait3A_1480 = arith.constant 0 : i32
    %dma_wait3A_1481 = arith.constant 0 : i32
    %dma_wait3A_1482 = tpu.memref_slice %arg7[%dma_wait3A, %dma_wait3A_1480, %dma_wait3A_1481] : memref<6x128x128xf32, #tpu.memory_space<vmem>> -> memref<1x128x128xf32, #tpu.memory_space<vmem>>
    %dma_wait3A_1483 = tpu.memref_squeeze %dma_wait3A_1482 : memref<1x128x128xf32, #tpu.memory_space<vmem>> -> memref<128x128xf32, #tpu.memory_space<vmem>>
    %dma_wait3A_1484 = arith.constant 0 : i32
    %dma_wait3A_1485 = tpu.memref_slice %arg6[%dma_wait3A_1484] : memref<1152xi32, #tpu.memory_space<vmem>> -> memref<128xi32, #tpu.memory_space<vmem>>
    %dma_wait3A_1486 = arith.constant 0 : i32
    %dma_wait3A_1487 = arith.constant 0 : i32
    %dma_wait3A_1488 = tpu.memref_slice %arg2[%dma_wait3A_1486, %dma_wait3A_1487] : memref<900000x128xf32, #tpu.memory_space<hbm>> -> memref<900000x128xf32, #tpu.memory_space<hbm>>
    tpu.wait_indirect_dma semaphore(%arg8 : memref<!tpu.dma_semaphore, #tpu.memory_space<semaphore_mem>>) src(%dma_wait3A_1488 : memref<900000x128xf32, #tpu.memory_space<hbm>>) dst(%dma_wait3A_1483 : memref<128x128xf32, #tpu.memory_space<vmem>>)
    %add3A_1489 = arith.constant 0 : i32
    %add3A_1490 = arith.addi %mul3A_1440, %add3A_1489 : i32
    %dma_start3A_1491 = arith.constant 0 : i32
    %dma_start3A_1492 = arith.constant 0 : i32
    %dma_start3A_1493 = arith.constant 0 : i32
    %dma_start3A_1494 = tpu.memref_slice %arg7[%dma_start3A_1491, %dma_start3A_1492, %dma_start3A_1493] : memref<6x128x128xf32, #tpu.memory_space<vmem>> -> memref<1x128x128xf32, #tpu.memory_space<vmem>>
    %dma_start3A_1495 = tpu.memref_squeeze %dma_start3A_1494 : memref<1x128x128xf32, #tpu.memory_space<vmem>> -> memref<128x128xf32, #tpu.memory_space<vmem>>
    %dma_start3A_1496 = arith.constant 0 : i32
    %dma_start3A_1497 = tpu.memref_slice %arg4[%add3A_1490, %dma_start3A_1496] : memref<36864x128xf32, #tpu.memory_space<hbm>> -> memref<128x128xf32, #tpu.memory_space<hbm>>
    %dma_start3A_1498 = arith.constant 0 : i32
    %dma_start3A_1499 = tpu.memref_slice %arg4[%add3A_1490, %dma_start3A_1498] : memref<36864x128xf32, #tpu.memory_space<hbm>> -> memref<128x128xf32, #tpu.memory_space<hbm>>
    %dma_start3A_1500 = arith.constant 0 : i32
    %dma_start3A_1501 = arith.constant 0 : i32
    %dma_start3A_1502 = tpu.memref_slice %arg7[%dma_start3A_1491, %dma_start3A_1500, %dma_start3A_1501] : memref<6x128x128xf32, #tpu.memory_space<vmem>> -> memref<1x128x128xf32, #tpu.memory_space<vmem>>
    %dma_start3A_1503 = tpu.memref_squeeze %dma_start3A_1502 : memref<1x128x128xf32, #tpu.memory_space<vmem>> -> memref<128x128xf32, #tpu.memory_space<vmem>>
    tpu.enqueue_dma source(%dma_start3A_1503 : memref<128x128xf32, #tpu.memory_space<vmem>>) target(%dma_start3A_1499 : memref<128x128xf32, #tpu.memory_space<hbm>>) target_semaphore(%arg9 : memref<!tpu.dma_semaphore, #tpu.memory_space<semaphore_mem>>)
    %dma_start3A_1504 = arith.constant 4 : i32
    %dma_start3A_1505 = arith.constant 0 : i32
    %dma_start3A_1506 = arith.constant 0 : i32
    %dma_start3A_1507 = tpu.memref_slice %arg7[%dma_start3A_1504, %dma_start3A_1505, %dma_start3A_1506] : memref<6x128x128xf32, #tpu.memory_space<vmem>> -> memref<1x128x128xf32, #tpu.memory_space<vmem>>
    %dma_start3A_1508 = tpu.memref_squeeze %dma_start3A_1507 : memref<1x128x128xf32, #tpu.memory_space<vmem>> -> memref<128x128xf32, #tpu.memory_space<vmem>>
    %dma_start3A_1509 = arith.constant 512 : i32
    %dma_start3A_1510 = tpu.memref_slice %arg6[%dma_start3A_1509] : memref<1152xi32, #tpu.memory_space<vmem>> -> memref<128xi32, #tpu.memory_space<vmem>>
    %dma_start3A_1511 = arith.constant 0 : i32
    %dma_start3A_1512 = arith.constant 0 : i32
    %dma_start3A_1513 = tpu.memref_slice %arg2[%dma_start3A_1511, %dma_start3A_1512] : memref<900000x128xf32, #tpu.memory_space<hbm>> -> memref<900000x128xf32, #tpu.memory_space<hbm>>
    tpu.enqueue_indirect_dma source(%dma_start3A_1513 : memref<900000x128xf32, #tpu.memory_space<hbm>>) target(%dma_start3A_1508 : memref<128x128xf32, #tpu.memory_space<vmem>>) offsets(%dma_start3A_1510 : memref<128xi32, #tpu.memory_space<vmem>>) semaphore(%arg8 : memref<!tpu.dma_semaphore, #tpu.memory_space<semaphore_mem>>)
    %dma_wait3A_1514 = arith.constant 1 : i32
    %dma_wait3A_1515 = arith.constant 0 : i32
    %dma_wait3A_1516 = arith.constant 0 : i32
    %dma_wait3A_1517 = tpu.memref_slice %arg7[%dma_wait3A_1514, %dma_wait3A_1515, %dma_wait3A_1516] : memref<6x128x128xf32, #tpu.memory_space<vmem>> -> memref<1x128x128xf32, #tpu.memory_space<vmem>>
    %dma_wait3A_1518 = tpu.memref_squeeze %dma_wait3A_1517 : memref<1x128x128xf32, #tpu.memory_space<vmem>> -> memref<128x128xf32, #tpu.memory_space<vmem>>
    %dma_wait3A_1519 = arith.constant 128 : i32
    %dma_wait3A_1520 = tpu.memref_slice %arg6[%dma_wait3A_1519] : memref<1152xi32, #tpu.memory_space<vmem>> -> memref<128xi32, #tpu.memory_space<vmem>>
    %dma_wait3A_1521 = arith.constant 0 : i32
    %dma_wait3A_1522 = arith.constant 0 : i32
    %dma_wait3A_1523 = tpu.memref_slice %arg2[%dma_wait3A_1521, %dma_wait3A_1522] : memref<900000x128xf32, #tpu.memory_space<hbm>> -> memref<900000x128xf32, #tpu.memory_space<hbm>>
    tpu.wait_indirect_dma semaphore(%arg8 : memref<!tpu.dma_semaphore, #tpu.memory_space<semaphore_mem>>) src(%dma_wait3A_1523 : memref<900000x128xf32, #tpu.memory_space<hbm>>) dst(%dma_wait3A_1518 : memref<128x128xf32, #tpu.memory_space<vmem>>)
    %add3A_1524 = arith.constant 128 : i32
    %add3A_1525 = arith.addi %mul3A_1440, %add3A_1524 : i32
    %dma_start3A_1526 = arith.constant 1 : i32
    %dma_start3A_1527 = arith.constant 0 : i32
    %dma_start3A_1528 = arith.constant 0 : i32
    %dma_start3A_1529 = tpu.memref_slice %arg7[%dma_start3A_1526, %dma_start3A_1527, %dma_start3A_1528] : memref<6x128x128xf32, #tpu.memory_space<vmem>> -> memref<1x128x128xf32, #tpu.memory_space<vmem>>
    %dma_start3A_1530 = tpu.memref_squeeze %dma_start3A_1529 : memref<1x128x128xf32, #tpu.memory_space<vmem>> -> memref<128x128xf32, #tpu.memory_space<vmem>>
    %dma_start3A_1531 = arith.constant 0 : i32
    %dma_start3A_1532 = tpu.memref_slice %arg4[%add3A_1525, %dma_start3A_1531] : memref<36864x128xf32, #tpu.memory_space<hbm>> -> memref<128x128xf32, #tpu.memory_space<hbm>>
    %dma_start3A_1533 = arith.constant 0 : i32
    %dma_start3A_1534 = tpu.memref_slice %arg4[%add3A_1525, %dma_start3A_1533] : memref<36864x128xf32, #tpu.memory_space<hbm>> -> memref<128x128xf32, #tpu.memory_space<hbm>>
    %dma_start3A_1535 = arith.constant 0 : i32
    %dma_start3A_1536 = arith.constant 0 : i32
    %dma_start3A_1537 = tpu.memref_slice %arg7[%dma_start3A_1526, %dma_start3A_1535, %dma_start3A_1536] : memref<6x128x128xf32, #tpu.memory_space<vmem>> -> memref<1x128x128xf32, #tpu.memory_space<vmem>>
    %dma_start3A_1538 = tpu.memref_squeeze %dma_start3A_1537 : memref<1x128x128xf32, #tpu.memory_space<vmem>> -> memref<128x128xf32, #tpu.memory_space<vmem>>
    tpu.enqueue_dma source(%dma_start3A_1538 : memref<128x128xf32, #tpu.memory_space<vmem>>) target(%dma_start3A_1534 : memref<128x128xf32, #tpu.memory_space<hbm>>) target_semaphore(%arg9 : memref<!tpu.dma_semaphore, #tpu.memory_space<semaphore_mem>>)
    %dma_start3A_1539 = arith.constant 5 : i32
    %dma_start3A_1540 = arith.constant 0 : i32
    %dma_start3A_1541 = arith.constant 0 : i32
    %dma_start3A_1542 = tpu.memref_slice %arg7[%dma_start3A_1539, %dma_start3A_1540, %dma_start3A_1541] : memref<6x128x128xf32, #tpu.memory_space<vmem>> -> memref<1x128x128xf32, #tpu.memory_space<vmem>>
    %dma_start3A_1543 = tpu.memref_squeeze %dma_start3A_1542 : memref<1x128x128xf32, #tpu.memory_space<vmem>> -> memref<128x128xf32, #tpu.memory_space<vmem>>
    %dma_start3A_1544 = arith.constant 640 : i32
    %dma_start3A_1545 = tpu.memref_slice %arg6[%dma_start3A_1544] : memref<1152xi32, #tpu.memory_space<vmem>> -> memref<128xi32, #tpu.memory_space<vmem>>
    %dma_start3A_1546 = arith.constant 0 : i32
    %dma_start3A_1547 = arith.constant 0 : i32
    %dma_start3A_1548 = tpu.memref_slice %arg2[%dma_start3A_1546, %dma_start3A_1547] : memref<900000x128xf32, #tpu.memory_space<hbm>> -> memref<900000x128xf32, #tpu.memory_space<hbm>>
    tpu.enqueue_indirect_dma source(%dma_start3A_1548 : memref<900000x128xf32, #tpu.memory_space<hbm>>) target(%dma_start3A_1543 : memref<128x128xf32, #tpu.memory_space<vmem>>) offsets(%dma_start3A_1545 : memref<128xi32, #tpu.memory_space<vmem>>) semaphore(%arg8 : memref<!tpu.dma_semaphore, #tpu.memory_space<semaphore_mem>>)
    %dma_wait3A_1549 = arith.constant 2 : i32
    %dma_wait3A_1550 = arith.constant 0 : i32
    %dma_wait3A_1551 = arith.constant 0 : i32
    %dma_wait3A_1552 = tpu.memref_slice %arg7[%dma_wait3A_1549, %dma_wait3A_1550, %dma_wait3A_1551] : memref<6x128x128xf32, #tpu.memory_space<vmem>> -> memref<1x128x128xf32, #tpu.memory_space<vmem>>
    %dma_wait3A_1553 = tpu.memref_squeeze %dma_wait3A_1552 : memref<1x128x128xf32, #tpu.memory_space<vmem>> -> memref<128x128xf32, #tpu.memory_space<vmem>>
    %dma_wait3A_1554 = arith.constant 256 : i32
    %dma_wait3A_1555 = tpu.memref_slice %arg6[%dma_wait3A_1554] : memref<1152xi32, #tpu.memory_space<vmem>> -> memref<128xi32, #tpu.memory_space<vmem>>
    %dma_wait3A_1556 = arith.constant 0 : i32
    %dma_wait3A_1557 = arith.constant 0 : i32
    %dma_wait3A_1558 = tpu.memref_slice %arg2[%dma_wait3A_1556, %dma_wait3A_1557] : memref<900000x128xf32, #tpu.memory_space<hbm>> -> memref<900000x128xf32, #tpu.memory_space<hbm>>
    tpu.wait_indirect_dma semaphore(%arg8 : memref<!tpu.dma_semaphore, #tpu.memory_space<semaphore_mem>>) src(%dma_wait3A_1558 : memref<900000x128xf32, #tpu.memory_space<hbm>>) dst(%dma_wait3A_1553 : memref<128x128xf32, #tpu.memory_space<vmem>>)
    %add3A_1559 = arith.constant 256 : i32
    %add3A_1560 = arith.addi %mul3A_1440, %add3A_1559 : i32
    %dma_start3A_1561 = arith.constant 2 : i32
    %dma_start3A_1562 = arith.constant 0 : i32
    %dma_start3A_1563 = arith.constant 0 : i32
    %dma_start3A_1564 = tpu.memref_slice %arg7[%dma_start3A_1561, %dma_start3A_1562, %dma_start3A_1563] : memref<6x128x128xf32, #tpu.memory_space<vmem>> -> memref<1x128x128xf32, #tpu.memory_space<vmem>>
    %dma_start3A_1565 = tpu.memref_squeeze %dma_start3A_1564 : memref<1x128x128xf32, #tpu.memory_space<vmem>> -> memref<128x128xf32, #tpu.memory_space<vmem>>
    %dma_start3A_1566 = arith.constant 0 : i32
    %dma_start3A_1567 = tpu.memref_slice %arg4[%add3A_1560, %dma_start3A_1566] : memref<36864x128xf32, #tpu.memory_space<hbm>> -> memref<128x128xf32, #tpu.memory_space<hbm>>
    %dma_start3A_1568 = arith.constant 0 : i32
    %dma_start3A_1569 = tpu.memref_slice %arg4[%add3A_1560, %dma_start3A_1568] : memref<36864x128xf32, #tpu.memory_space<hbm>> -> memref<128x128xf32, #tpu.memory_space<hbm>>
    %dma_start3A_1570 = arith.constant 0 : i32
    %dma_start3A_1571 = arith.constant 0 : i32
    %dma_start3A_1572 = tpu.memref_slice %arg7[%dma_start3A_1561, %dma_start3A_1570, %dma_start3A_1571] : memref<6x128x128xf32, #tpu.memory_space<vmem>> -> memref<1x128x128xf32, #tpu.memory_space<vmem>>
    %dma_start3A_1573 = tpu.memref_squeeze %dma_start3A_1572 : memref<1x128x128xf32, #tpu.memory_space<vmem>> -> memref<128x128xf32, #tpu.memory_space<vmem>>
    tpu.enqueue_dma source(%dma_start3A_1573 : memref<128x128xf32, #tpu.memory_space<vmem>>) target(%dma_start3A_1569 : memref<128x128xf32, #tpu.memory_space<hbm>>) target_semaphore(%arg9 : memref<!tpu.dma_semaphore, #tpu.memory_space<semaphore_mem>>)
    %dma_wait3A_1574 = arith.constant 0 : i32
    %dma_wait3A_1575 = arith.constant 0 : i32
    %dma_wait3A_1576 = arith.constant 0 : i32
    %dma_wait3A_1577 = tpu.memref_slice %arg7[%dma_wait3A_1574, %dma_wait3A_1575, %dma_wait3A_1576] : memref<6x128x128xf32, #tpu.memory_space<vmem>> -> memref<1x128x128xf32, #tpu.memory_space<vmem>>
    %dma_wait3A_1578 = tpu.memref_squeeze %dma_wait3A_1577 : memref<1x128x128xf32, #tpu.memory_space<vmem>> -> memref<128x128xf32, #tpu.memory_space<vmem>>
    %dma_wait3A_1579 = arith.constant 0 : i32
    %dma_wait3A_1580 = tpu.memref_slice %arg4[%add3A_1490, %dma_wait3A_1579] : memref<36864x128xf32, #tpu.memory_space<hbm>> -> memref<128x128xf32, #tpu.memory_space<hbm>>
    %dma_wait3A_1581 = arith.constant 0 : i32
    %dma_wait3A_1582 = tpu.memref_slice %arg4[%add3A_1490, %dma_wait3A_1581] : memref<36864x128xf32, #tpu.memory_space<hbm>> -> memref<128x128xf32, #tpu.memory_space<hbm>>
    %dma_wait3A_1583 = arith.constant 0 : i32
    %dma_wait3A_1584 = arith.constant 0 : i32
    %dma_wait3A_1585 = tpu.memref_slice %arg7[%dma_wait3A_1574, %dma_wait3A_1583, %dma_wait3A_1584] : memref<6x128x128xf32, #tpu.memory_space<vmem>> -> memref<1x128x128xf32, #tpu.memory_space<vmem>>
    %dma_wait3A_1586 = tpu.memref_squeeze %dma_wait3A_1585 : memref<1x128x128xf32, #tpu.memory_space<vmem>> -> memref<128x128xf32, #tpu.memory_space<vmem>>
    tpu.wait_dma2 semaphore(%arg9 : memref<!tpu.dma_semaphore, #tpu.memory_space<semaphore_mem>>) src(%dma_wait3A_1586 : memref<128x128xf32, #tpu.memory_space<vmem>>) dst(%dma_wait3A_1582 : memref<128x128xf32, #tpu.memory_space<hbm>>)
    %dma_start3A_1587 = arith.constant 0 : i32
    %dma_start3A_1588 = arith.constant 0 : i32
    %dma_start3A_1589 = arith.constant 0 : i32
    %dma_start3A_1590 = tpu.memref_slice %arg7[%dma_start3A_1587, %dma_start3A_1588, %dma_start3A_1589] : memref<6x128x128xf32, #tpu.memory_space<vmem>> -> memref<1x128x128xf32, #tpu.memory_space<vmem>>
    %dma_start3A_1591 = tpu.memref_squeeze %dma_start3A_1590 : memref<1x128x128xf32, #tpu.memory_space<vmem>> -> memref<128x128xf32, #tpu.memory_space<vmem>>
    %dma_start3A_1592 = arith.constant 768 : i32
    %dma_start3A_1593 = tpu.memref_slice %arg6[%dma_start3A_1592] : memref<1152xi32, #tpu.memory_space<vmem>> -> memref<128xi32, #tpu.memory_space<vmem>>
    %dma_start3A_1594 = arith.constant 0 : i32
    %dma_start3A_1595 = arith.constant 0 : i32
    %dma_start3A_1596 = tpu.memref_slice %arg2[%dma_start3A_1594, %dma_start3A_1595] : memref<900000x128xf32, #tpu.memory_space<hbm>> -> memref<900000x128xf32, #tpu.memory_space<hbm>>
    tpu.enqueue_indirect_dma source(%dma_start3A_1596 : memref<900000x128xf32, #tpu.memory_space<hbm>>) target(%dma_start3A_1591 : memref<128x128xf32, #tpu.memory_space<vmem>>) offsets(%dma_start3A_1593 : memref<128xi32, #tpu.memory_space<vmem>>) semaphore(%arg8 : memref<!tpu.dma_semaphore, #tpu.memory_space<semaphore_mem>>)
    %dma_wait3A_1597 = arith.constant 3 : i32
    %dma_wait3A_1598 = arith.constant 0 : i32
    %dma_wait3A_1599 = arith.constant 0 : i32
    %dma_wait3A_1600 = tpu.memref_slice %arg7[%dma_wait3A_1597, %dma_wait3A_1598, %dma_wait3A_1599] : memref<6x128x128xf32, #tpu.memory_space<vmem>> -> memref<1x128x128xf32, #tpu.memory_space<vmem>>
    %dma_wait3A_1601 = tpu.memref_squeeze %dma_wait3A_1600 : memref<1x128x128xf32, #tpu.memory_space<vmem>> -> memref<128x128xf32, #tpu.memory_space<vmem>>
    %dma_wait3A_1602 = arith.constant 384 : i32
    %dma_wait3A_1603 = tpu.memref_slice %arg6[%dma_wait3A_1602] : memref<1152xi32, #tpu.memory_space<vmem>> -> memref<128xi32, #tpu.memory_space<vmem>>
    %dma_wait3A_1604 = arith.constant 0 : i32
    %dma_wait3A_1605 = arith.constant 0 : i32
    %dma_wait3A_1606 = tpu.memref_slice %arg2[%dma_wait3A_1604, %dma_wait3A_1605] : memref<900000x128xf32, #tpu.memory_space<hbm>> -> memref<900000x128xf32, #tpu.memory_space<hbm>>
    tpu.wait_indirect_dma semaphore(%arg8 : memref<!tpu.dma_semaphore, #tpu.memory_space<semaphore_mem>>) src(%dma_wait3A_1606 : memref<900000x128xf32, #tpu.memory_space<hbm>>) dst(%dma_wait3A_1601 : memref<128x128xf32, #tpu.memory_space<vmem>>)
    %add3A_1607 = arith.constant 384 : i32
    %add3A_1608 = arith.addi %mul3A_1440, %add3A_1607 : i32
    %dma_start3A_1609 = arith.constant 3 : i32
    %dma_start3A_1610 = arith.constant 0 : i32
    %dma_start3A_1611 = arith.constant 0 : i32
    %dma_start3A_1612 = tpu.memref_slice %arg7[%dma_start3A_1609, %dma_start3A_1610, %dma_start3A_1611] : memref<6x128x128xf32, #tpu.memory_space<vmem>> -> memref<1x128x128xf32, #tpu.memory_space<vmem>>
    %dma_start3A_1613 = tpu.memref_squeeze %dma_start3A_1612 : memref<1x128x128xf32, #tpu.memory_space<vmem>> -> memref<128x128xf32, #tpu.memory_space<vmem>>
    %dma_start3A_1614 = arith.constant 0 : i32
    %dma_start3A_1615 = tpu.memref_slice %arg4[%add3A_1608, %dma_start3A_1614] : memref<36864x128xf32, #tpu.memory_space<hbm>> -> memref<128x128xf32, #tpu.memory_space<hbm>>
    %dma_start3A_1616 = arith.constant 0 : i32
    %dma_start3A_1617 = tpu.memref_slice %arg4[%add3A_1608, %dma_start3A_1616] : memref<36864x128xf32, #tpu.memory_space<hbm>> -> memref<128x128xf32, #tpu.memory_space<hbm>>
    %dma_start3A_1618 = arith.constant 0 : i32
    %dma_start3A_1619 = arith.constant 0 : i32
    %dma_start3A_1620 = tpu.memref_slice %arg7[%dma_start3A_1609, %dma_start3A_1618, %dma_start3A_1619] : memref<6x128x128xf32, #tpu.memory_space<vmem>> -> memref<1x128x128xf32, #tpu.memory_space<vmem>>
    %dma_start3A_1621 = tpu.memref_squeeze %dma_start3A_1620 : memref<1x128x128xf32, #tpu.memory_space<vmem>> -> memref<128x128xf32, #tpu.memory_space<vmem>>
    tpu.enqueue_dma source(%dma_start3A_1621 : memref<128x128xf32, #tpu.memory_space<vmem>>) target(%dma_start3A_1617 : memref<128x128xf32, #tpu.memory_space<hbm>>) target_semaphore(%arg9 : memref<!tpu.dma_semaphore, #tpu.memory_space<semaphore_mem>>)
    %dma_wait3A_1622 = arith.constant 1 : i32
    %dma_wait3A_1623 = arith.constant 0 : i32
    %dma_wait3A_1624 = arith.constant 0 : i32
    %dma_wait3A_1625 = tpu.memref_slice %arg7[%dma_wait3A_1622, %dma_wait3A_1623, %dma_wait3A_1624] : memref<6x128x128xf32, #tpu.memory_space<vmem>> -> memref<1x128x128xf32, #tpu.memory_space<vmem>>
    %dma_wait3A_1626 = tpu.memref_squeeze %dma_wait3A_1625 : memref<1x128x128xf32, #tpu.memory_space<vmem>> -> memref<128x128xf32, #tpu.memory_space<vmem>>
    %dma_wait3A_1627 = arith.constant 0 : i32
    %dma_wait3A_1628 = tpu.memref_slice %arg4[%add3A_1525, %dma_wait3A_1627] : memref<36864x128xf32, #tpu.memory_space<hbm>> -> memref<128x128xf32, #tpu.memory_space<hbm>>
    %dma_wait3A_1629 = arith.constant 0 : i32
    %dma_wait3A_1630 = tpu.memref_slice %arg4[%add3A_1525, %dma_wait3A_1629] : memref<36864x128xf32, #tpu.memory_space<hbm>> -> memref<128x128xf32, #tpu.memory_space<hbm>>
    %dma_wait3A_1631 = arith.constant 0 : i32
    %dma_wait3A_1632 = arith.constant 0 : i32
    %dma_wait3A_1633 = tpu.memref_slice %arg7[%dma_wait3A_1622, %dma_wait3A_1631, %dma_wait3A_1632] : memref<6x128x128xf32, #tpu.memory_space<vmem>> -> memref<1x128x128xf32, #tpu.memory_space<vmem>>
    %dma_wait3A_1634 = tpu.memref_squeeze %dma_wait3A_1633 : memref<1x128x128xf32, #tpu.memory_space<vmem>> -> memref<128x128xf32, #tpu.memory_space<vmem>>
    tpu.wait_dma2 semaphore(%arg9 : memref<!tpu.dma_semaphore, #tpu.memory_space<semaphore_mem>>) src(%dma_wait3A_1634 : memref<128x128xf32, #tpu.memory_space<vmem>>) dst(%dma_wait3A_1630 : memref<128x128xf32, #tpu.memory_space<hbm>>)
    %dma_start3A_1635 = arith.constant 1 : i32
    %dma_start3A_1636 = arith.constant 0 : i32
    %dma_start3A_1637 = arith.constant 0 : i32
    %dma_start3A_1638 = tpu.memref_slice %arg7[%dma_start3A_1635, %dma_start3A_1636, %dma_start3A_1637] : memref<6x128x128xf32, #tpu.memory_space<vmem>> -> memref<1x128x128xf32, #tpu.memory_space<vmem>>
    %dma_start3A_1639 = tpu.memref_squeeze %dma_start3A_1638 : memref<1x128x128xf32, #tpu.memory_space<vmem>> -> memref<128x128xf32, #tpu.memory_space<vmem>>
    %dma_start3A_1640 = arith.constant 896 : i32
    %dma_start3A_1641 = tpu.memref_slice %arg6[%dma_start3A_1640] : memref<1152xi32, #tpu.memory_space<vmem>> -> memref<128xi32, #tpu.memory_space<vmem>>
    %dma_start3A_1642 = arith.constant 0 : i32
    %dma_start3A_1643 = arith.constant 0 : i32
    %dma_start3A_1644 = tpu.memref_slice %arg2[%dma_start3A_1642, %dma_start3A_1643] : memref<900000x128xf32, #tpu.memory_space<hbm>> -> memref<900000x128xf32, #tpu.memory_space<hbm>>
    tpu.enqueue_indirect_dma source(%dma_start3A_1644 : memref<900000x128xf32, #tpu.memory_space<hbm>>) target(%dma_start3A_1639 : memref<128x128xf32, #tpu.memory_space<vmem>>) offsets(%dma_start3A_1641 : memref<128xi32, #tpu.memory_space<vmem>>) semaphore(%arg8 : memref<!tpu.dma_semaphore, #tpu.memory_space<semaphore_mem>>)
    %dma_wait3A_1645 = arith.constant 4 : i32
    %dma_wait3A_1646 = arith.constant 0 : i32
    %dma_wait3A_1647 = arith.constant 0 : i32
    %dma_wait3A_1648 = tpu.memref_slice %arg7[%dma_wait3A_1645, %dma_wait3A_1646, %dma_wait3A_1647] : memref<6x128x128xf32, #tpu.memory_space<vmem>> -> memref<1x128x128xf32, #tpu.memory_space<vmem>>
    %dma_wait3A_1649 = tpu.memref_squeeze %dma_wait3A_1648 : memref<1x128x128xf32, #tpu.memory_space<vmem>> -> memref<128x128xf32, #tpu.memory_space<vmem>>
    %dma_wait3A_1650 = arith.constant 512 : i32
    %dma_wait3A_1651 = tpu.memref_slice %arg6[%dma_wait3A_1650] : memref<1152xi32, #tpu.memory_space<vmem>> -> memref<128xi32, #tpu.memory_space<vmem>>
    %dma_wait3A_1652 = arith.constant 0 : i32
    %dma_wait3A_1653 = arith.constant 0 : i32
    %dma_wait3A_1654 = tpu.memref_slice %arg2[%dma_wait3A_1652, %dma_wait3A_1653] : memref<900000x128xf32, #tpu.memory_space<hbm>> -> memref<900000x128xf32, #tpu.memory_space<hbm>>
    tpu.wait_indirect_dma semaphore(%arg8 : memref<!tpu.dma_semaphore, #tpu.memory_space<semaphore_mem>>) src(%dma_wait3A_1654 : memref<900000x128xf32, #tpu.memory_space<hbm>>) dst(%dma_wait3A_1649 : memref<128x128xf32, #tpu.memory_space<vmem>>)
    %add3A_1655 = arith.constant 512 : i32
    %add3A_1656 = arith.addi %mul3A_1440, %add3A_1655 : i32
    %dma_start3A_1657 = arith.constant 4 : i32
    %dma_start3A_1658 = arith.constant 0 : i32
    %dma_start3A_1659 = arith.constant 0 : i32
    %dma_start3A_1660 = tpu.memref_slice %arg7[%dma_start3A_1657, %dma_start3A_1658, %dma_start3A_1659] : memref<6x128x128xf32, #tpu.memory_space<vmem>> -> memref<1x128x128xf32, #tpu.memory_space<vmem>>
    %dma_start3A_1661 = tpu.memref_squeeze %dma_start3A_1660 : memref<1x128x128xf32, #tpu.memory_space<vmem>> -> memref<128x128xf32, #tpu.memory_space<vmem>>
    %dma_start3A_1662 = arith.constant 0 : i32
    %dma_start3A_1663 = tpu.memref_slice %arg4[%add3A_1656, %dma_start3A_1662] : memref<36864x128xf32, #tpu.memory_space<hbm>> -> memref<128x128xf32, #tpu.memory_space<hbm>>
    %dma_start3A_1664 = arith.constant 0 : i32
    %dma_start3A_1665 = tpu.memref_slice %arg4[%add3A_1656, %dma_start3A_1664] : memref<36864x128xf32, #tpu.memory_space<hbm>> -> memref<128x128xf32, #tpu.memory_space<hbm>>
    %dma_start3A_1666 = arith.constant 0 : i32
    %dma_start3A_1667 = arith.constant 0 : i32
    %dma_start3A_1668 = tpu.memref_slice %arg7[%dma_start3A_1657, %dma_start3A_1666, %dma_start3A_1667] : memref<6x128x128xf32, #tpu.memory_space<vmem>> -> memref<1x128x128xf32, #tpu.memory_space<vmem>>
    %dma_start3A_1669 = tpu.memref_squeeze %dma_start3A_1668 : memref<1x128x128xf32, #tpu.memory_space<vmem>> -> memref<128x128xf32, #tpu.memory_space<vmem>>
    tpu.enqueue_dma source(%dma_start3A_1669 : memref<128x128xf32, #tpu.memory_space<vmem>>) target(%dma_start3A_1665 : memref<128x128xf32, #tpu.memory_space<hbm>>) target_semaphore(%arg9 : memref<!tpu.dma_semaphore, #tpu.memory_space<semaphore_mem>>)
    %dma_wait3A_1670 = arith.constant 2 : i32
    %dma_wait3A_1671 = arith.constant 0 : i32
    %dma_wait3A_1672 = arith.constant 0 : i32
    %dma_wait3A_1673 = tpu.memref_slice %arg7[%dma_wait3A_1670, %dma_wait3A_1671, %dma_wait3A_1672] : memref<6x128x128xf32, #tpu.memory_space<vmem>> -> memref<1x128x128xf32, #tpu.memory_space<vmem>>
    %dma_wait3A_1674 = tpu.memref_squeeze %dma_wait3A_1673 : memref<1x128x128xf32, #tpu.memory_space<vmem>> -> memref<128x128xf32, #tpu.memory_space<vmem>>
    %dma_wait3A_1675 = arith.constant 0 : i32
    %dma_wait3A_1676 = tpu.memref_slice %arg4[%add3A_1560, %dma_wait3A_1675] : memref<36864x128xf32, #tpu.memory_space<hbm>> -> memref<128x128xf32, #tpu.memory_space<hbm>>
    %dma_wait3A_1677 = arith.constant 0 : i32
    %dma_wait3A_1678 = tpu.memref_slice %arg4[%add3A_1560, %dma_wait3A_1677] : memref<36864x128xf32, #tpu.memory_space<hbm>> -> memref<128x128xf32, #tpu.memory_space<hbm>>
    %dma_wait3A_1679 = arith.constant 0 : i32
    %dma_wait3A_1680 = arith.constant 0 : i32
    %dma_wait3A_1681 = tpu.memref_slice %arg7[%dma_wait3A_1670, %dma_wait3A_1679, %dma_wait3A_1680] : memref<6x128x128xf32, #tpu.memory_space<vmem>> -> memref<1x128x128xf32, #tpu.memory_space<vmem>>
    %dma_wait3A_1682 = tpu.memref_squeeze %dma_wait3A_1681 : memref<1x128x128xf32, #tpu.memory_space<vmem>> -> memref<128x128xf32, #tpu.memory_space<vmem>>
    tpu.wait_dma2 semaphore(%arg9 : memref<!tpu.dma_semaphore, #tpu.memory_space<semaphore_mem>>) src(%dma_wait3A_1682 : memref<128x128xf32, #tpu.memory_space<vmem>>) dst(%dma_wait3A_1678 : memref<128x128xf32, #tpu.memory_space<hbm>>)
    %dma_start3A_1683 = arith.constant 2 : i32
    %dma_start3A_1684 = arith.constant 0 : i32
    %dma_start3A_1685 = arith.constant 0 : i32
    %dma_start3A_1686 = tpu.memref_slice %arg7[%dma_start3A_1683, %dma_start3A_1684, %dma_start3A_1685] : memref<6x128x128xf32, #tpu.memory_space<vmem>> -> memref<1x128x128xf32, #tpu.memory_space<vmem>>
    %dma_start3A_1687 = tpu.memref_squeeze %dma_start3A_1686 : memref<1x128x128xf32, #tpu.memory_space<vmem>> -> memref<128x128xf32, #tpu.memory_space<vmem>>
    %dma_start3A_1688 = arith.constant 1024 : i32
    %dma_start3A_1689 = tpu.memref_slice %arg6[%dma_start3A_1688] : memref<1152xi32, #tpu.memory_space<vmem>> -> memref<128xi32, #tpu.memory_space<vmem>>
    %dma_start3A_1690 = arith.constant 0 : i32
    %dma_start3A_1691 = arith.constant 0 : i32
    %dma_start3A_1692 = tpu.memref_slice %arg2[%dma_start3A_1690, %dma_start3A_1691] : memref<900000x128xf32, #tpu.memory_space<hbm>> -> memref<900000x128xf32, #tpu.memory_space<hbm>>
    tpu.enqueue_indirect_dma source(%dma_start3A_1692 : memref<900000x128xf32, #tpu.memory_space<hbm>>) target(%dma_start3A_1687 : memref<128x128xf32, #tpu.memory_space<vmem>>) offsets(%dma_start3A_1689 : memref<128xi32, #tpu.memory_space<vmem>>) semaphore(%arg8 : memref<!tpu.dma_semaphore, #tpu.memory_space<semaphore_mem>>)
    %dma_wait3A_1693 = arith.constant 5 : i32
    %dma_wait3A_1694 = arith.constant 0 : i32
    %dma_wait3A_1695 = arith.constant 0 : i32
    %dma_wait3A_1696 = tpu.memref_slice %arg7[%dma_wait3A_1693, %dma_wait3A_1694, %dma_wait3A_1695] : memref<6x128x128xf32, #tpu.memory_space<vmem>> -> memref<1x128x128xf32, #tpu.memory_space<vmem>>
    %dma_wait3A_1697 = tpu.memref_squeeze %dma_wait3A_1696 : memref<1x128x128xf32, #tpu.memory_space<vmem>> -> memref<128x128xf32, #tpu.memory_space<vmem>>
    %dma_wait3A_1698 = arith.constant 640 : i32
    %dma_wait3A_1699 = tpu.memref_slice %arg6[%dma_wait3A_1698] : memref<1152xi32, #tpu.memory_space<vmem>> -> memref<128xi32, #tpu.memory_space<vmem>>
    %dma_wait3A_1700 = arith.constant 0 : i32
    %dma_wait3A_1701 = arith.constant 0 : i32
    %dma_wait3A_1702 = tpu.memref_slice %arg2[%dma_wait3A_1700, %dma_wait3A_1701] : memref<900000x128xf32, #tpu.memory_space<hbm>> -> memref<900000x128xf32, #tpu.memory_space<hbm>>
    tpu.wait_indirect_dma semaphore(%arg8 : memref<!tpu.dma_semaphore, #tpu.memory_space<semaphore_mem>>) src(%dma_wait3A_1702 : memref<900000x128xf32, #tpu.memory_space<hbm>>) dst(%dma_wait3A_1697 : memref<128x128xf32, #tpu.memory_space<vmem>>)
    %add3A_1703 = arith.constant 640 : i32
    %add3A_1704 = arith.addi %mul3A_1440, %add3A_1703 : i32
    %dma_start3A_1705 = arith.constant 5 : i32
    %dma_start3A_1706 = arith.constant 0 : i32
    %dma_start3A_1707 = arith.constant 0 : i32
    %dma_start3A_1708 = tpu.memref_slice %arg7[%dma_start3A_1705, %dma_start3A_1706, %dma_start3A_1707] : memref<6x128x128xf32, #tpu.memory_space<vmem>> -> memref<1x128x128xf32, #tpu.memory_space<vmem>>
    %dma_start3A_1709 = tpu.memref_squeeze %dma_start3A_1708 : memref<1x128x128xf32, #tpu.memory_space<vmem>> -> memref<128x128xf32, #tpu.memory_space<vmem>>
    %dma_start3A_1710 = arith.constant 0 : i32
    %dma_start3A_1711 = tpu.memref_slice %arg4[%add3A_1704, %dma_start3A_1710] : memref<36864x128xf32, #tpu.memory_space<hbm>> -> memref<128x128xf32, #tpu.memory_space<hbm>>
    %dma_start3A_1712 = arith.constant 0 : i32
    %dma_start3A_1713 = tpu.memref_slice %arg4[%add3A_1704, %dma_start3A_1712] : memref<36864x128xf32, #tpu.memory_space<hbm>> -> memref<128x128xf32, #tpu.memory_space<hbm>>
    %dma_start3A_1714 = arith.constant 0 : i32
    %dma_start3A_1715 = arith.constant 0 : i32
    %dma_start3A_1716 = tpu.memref_slice %arg7[%dma_start3A_1705, %dma_start3A_1714, %dma_start3A_1715] : memref<6x128x128xf32, #tpu.memory_space<vmem>> -> memref<1x128x128xf32, #tpu.memory_space<vmem>>
    %dma_start3A_1717 = tpu.memref_squeeze %dma_start3A_1716 : memref<1x128x128xf32, #tpu.memory_space<vmem>> -> memref<128x128xf32, #tpu.memory_space<vmem>>
    tpu.enqueue_dma source(%dma_start3A_1717 : memref<128x128xf32, #tpu.memory_space<vmem>>) target(%dma_start3A_1713 : memref<128x128xf32, #tpu.memory_space<hbm>>) target_semaphore(%arg9 : memref<!tpu.dma_semaphore, #tpu.memory_space<semaphore_mem>>)
    %dma_wait3A_1718 = arith.constant 0 : i32
    %dma_wait3A_1719 = arith.constant 0 : i32
    %dma_wait3A_1720 = arith.constant 0 : i32
    %dma_wait3A_1721 = tpu.memref_slice %arg7[%dma_wait3A_1718, %dma_wait3A_1719, %dma_wait3A_1720] : memref<6x128x128xf32, #tpu.memory_space<vmem>> -> memref<1x128x128xf32, #tpu.memory_space<vmem>>
    %dma_wait3A_1722 = tpu.memref_squeeze %dma_wait3A_1721 : memref<1x128x128xf32, #tpu.memory_space<vmem>> -> memref<128x128xf32, #tpu.memory_space<vmem>>
    %dma_wait3A_1723 = arith.constant 768 : i32
    %dma_wait3A_1724 = tpu.memref_slice %arg6[%dma_wait3A_1723] : memref<1152xi32, #tpu.memory_space<vmem>> -> memref<128xi32, #tpu.memory_space<vmem>>
    %dma_wait3A_1725 = arith.constant 0 : i32
    %dma_wait3A_1726 = arith.constant 0 : i32
    %dma_wait3A_1727 = tpu.memref_slice %arg2[%dma_wait3A_1725, %dma_wait3A_1726] : memref<900000x128xf32, #tpu.memory_space<hbm>> -> memref<900000x128xf32, #tpu.memory_space<hbm>>
    tpu.wait_indirect_dma semaphore(%arg8 : memref<!tpu.dma_semaphore, #tpu.memory_space<semaphore_mem>>) src(%dma_wait3A_1727 : memref<900000x128xf32, #tpu.memory_space<hbm>>) dst(%dma_wait3A_1722 : memref<128x128xf32, #tpu.memory_space<vmem>>)
    %add3A_1728 = arith.constant 768 : i32
    %add3A_1729 = arith.addi %mul3A_1440, %add3A_1728 : i32
    %dma_start3A_1730 = arith.constant 0 : i32
    %dma_start3A_1731 = arith.constant 0 : i32
    %dma_start3A_1732 = arith.constant 0 : i32
    %dma_start3A_1733 = tpu.memref_slice %arg7[%dma_start3A_1730, %dma_start3A_1731, %dma_start3A_1732] : memref<6x128x128xf32, #tpu.memory_space<vmem>> -> memref<1x128x128xf32, #tpu.memory_space<vmem>>
    %dma_start3A_1734 = tpu.memref_squeeze %dma_start3A_1733 : memref<1x128x128xf32, #tpu.memory_space<vmem>> -> memref<128x128xf32, #tpu.memory_space<vmem>>
    %dma_start3A_1735 = arith.constant 0 : i32
    %dma_start3A_1736 = tpu.memref_slice %arg4[%add3A_1729, %dma_start3A_1735] : memref<36864x128xf32, #tpu.memory_space<hbm>> -> memref<128x128xf32, #tpu.memory_space<hbm>>
    %dma_start3A_1737 = arith.constant 0 : i32
    %dma_start3A_1738 = tpu.memref_slice %arg4[%add3A_1729, %dma_start3A_1737] : memref<36864x128xf32, #tpu.memory_space<hbm>> -> memref<128x128xf32, #tpu.memory_space<hbm>>
    %dma_start3A_1739 = arith.constant 0 : i32
    %dma_start3A_1740 = arith.constant 0 : i32
    %dma_start3A_1741 = tpu.memref_slice %arg7[%dma_start3A_1730, %dma_start3A_1739, %dma_start3A_1740] : memref<6x128x128xf32, #tpu.memory_space<vmem>> -> memref<1x128x128xf32, #tpu.memory_space<vmem>>
    %dma_start3A_1742 = tpu.memref_squeeze %dma_start3A_1741 : memref<1x128x128xf32, #tpu.memory_space<vmem>> -> memref<128x128xf32, #tpu.memory_space<vmem>>
    tpu.enqueue_dma source(%dma_start3A_1742 : memref<128x128xf32, #tpu.memory_space<vmem>>) target(%dma_start3A_1738 : memref<128x128xf32, #tpu.memory_space<hbm>>) target_semaphore(%arg9 : memref<!tpu.dma_semaphore, #tpu.memory_space<semaphore_mem>>)
    %dma_wait3A_1743 = arith.constant 1 : i32
    %dma_wait3A_1744 = arith.constant 0 : i32
    %dma_wait3A_1745 = arith.constant 0 : i32
    %dma_wait3A_1746 = tpu.memref_slice %arg7[%dma_wait3A_1743, %dma_wait3A_1744, %dma_wait3A_1745] : memref<6x128x128xf32, #tpu.memory_space<vmem>> -> memref<1x128x128xf32, #tpu.memory_space<vmem>>
    %dma_wait3A_1747 = tpu.memref_squeeze %dma_wait3A_1746 : memref<1x128x128xf32, #tpu.memory_space<vmem>> -> memref<128x128xf32, #tpu.memory_space<vmem>>
    %dma_wait3A_1748 = arith.constant 896 : i32
    %dma_wait3A_1749 = tpu.memref_slice %arg6[%dma_wait3A_1748] : memref<1152xi32, #tpu.memory_space<vmem>> -> memref<128xi32, #tpu.memory_space<vmem>>
    %dma_wait3A_1750 = arith.constant 0 : i32
    %dma_wait3A_1751 = arith.constant 0 : i32
    %dma_wait3A_1752 = tpu.memref_slice %arg2[%dma_wait3A_1750, %dma_wait3A_1751] : memref<900000x128xf32, #tpu.memory_space<hbm>> -> memref<900000x128xf32, #tpu.memory_space<hbm>>
    tpu.wait_indirect_dma semaphore(%arg8 : memref<!tpu.dma_semaphore, #tpu.memory_space<semaphore_mem>>) src(%dma_wait3A_1752 : memref<900000x128xf32, #tpu.memory_space<hbm>>) dst(%dma_wait3A_1747 : memref<128x128xf32, #tpu.memory_space<vmem>>)
    %add3A_1753 = arith.constant 896 : i32
    %add3A_1754 = arith.addi %mul3A_1440, %add3A_1753 : i32
    %dma_start3A_1755 = arith.constant 1 : i32
    %dma_start3A_1756 = arith.constant 0 : i32
    %dma_start3A_1757 = arith.constant 0 : i32
    %dma_start3A_1758 = tpu.memref_slice %arg7[%dma_start3A_1755, %dma_start3A_1756, %dma_start3A_1757] : memref<6x128x128xf32, #tpu.memory_space<vmem>> -> memref<1x128x128xf32, #tpu.memory_space<vmem>>
    %dma_start3A_1759 = tpu.memref_squeeze %dma_start3A_1758 : memref<1x128x128xf32, #tpu.memory_space<vmem>> -> memref<128x128xf32, #tpu.memory_space<vmem>>
    %dma_start3A_1760 = arith.constant 0 : i32
    %dma_start3A_1761 = tpu.memref_slice %arg4[%add3A_1754, %dma_start3A_1760] : memref<36864x128xf32, #tpu.memory_space<hbm>> -> memref<128x128xf32, #tpu.memory_space<hbm>>
    %dma_start3A_1762 = arith.constant 0 : i32
    %dma_start3A_1763 = tpu.memref_slice %arg4[%add3A_1754, %dma_start3A_1762] : memref<36864x128xf32, #tpu.memory_space<hbm>> -> memref<128x128xf32, #tpu.memory_space<hbm>>
    %dma_start3A_1764 = arith.constant 0 : i32
    %dma_start3A_1765 = arith.constant 0 : i32
    %dma_start3A_1766 = tpu.memref_slice %arg7[%dma_start3A_1755, %dma_start3A_1764, %dma_start3A_1765] : memref<6x128x128xf32, #tpu.memory_space<vmem>> -> memref<1x128x128xf32, #tpu.memory_space<vmem>>
    %dma_start3A_1767 = tpu.memref_squeeze %dma_start3A_1766 : memref<1x128x128xf32, #tpu.memory_space<vmem>> -> memref<128x128xf32, #tpu.memory_space<vmem>>
    tpu.enqueue_dma source(%dma_start3A_1767 : memref<128x128xf32, #tpu.memory_space<vmem>>) target(%dma_start3A_1763 : memref<128x128xf32, #tpu.memory_space<hbm>>) target_semaphore(%arg9 : memref<!tpu.dma_semaphore, #tpu.memory_space<semaphore_mem>>)
    %dma_wait3A_1768 = arith.constant 2 : i32
    %dma_wait3A_1769 = arith.constant 0 : i32
    %dma_wait3A_1770 = arith.constant 0 : i32
    %dma_wait3A_1771 = tpu.memref_slice %arg7[%dma_wait3A_1768, %dma_wait3A_1769, %dma_wait3A_1770] : memref<6x128x128xf32, #tpu.memory_space<vmem>> -> memref<1x128x128xf32, #tpu.memory_space<vmem>>
    %dma_wait3A_1772 = tpu.memref_squeeze %dma_wait3A_1771 : memref<1x128x128xf32, #tpu.memory_space<vmem>> -> memref<128x128xf32, #tpu.memory_space<vmem>>
    %dma_wait3A_1773 = arith.constant 1024 : i32
    %dma_wait3A_1774 = tpu.memref_slice %arg6[%dma_wait3A_1773] : memref<1152xi32, #tpu.memory_space<vmem>> -> memref<128xi32, #tpu.memory_space<vmem>>
    %dma_wait3A_1775 = arith.constant 0 : i32
    %dma_wait3A_1776 = arith.constant 0 : i32
    %dma_wait3A_1777 = tpu.memref_slice %arg2[%dma_wait3A_1775, %dma_wait3A_1776] : memref<900000x128xf32, #tpu.memory_space<hbm>> -> memref<900000x128xf32, #tpu.memory_space<hbm>>
    tpu.wait_indirect_dma semaphore(%arg8 : memref<!tpu.dma_semaphore, #tpu.memory_space<semaphore_mem>>) src(%dma_wait3A_1777 : memref<900000x128xf32, #tpu.memory_space<hbm>>) dst(%dma_wait3A_1772 : memref<128x128xf32, #tpu.memory_space<vmem>>)
    %add3A_1778 = arith.constant 1024 : i32
    %add3A_1779 = arith.addi %mul3A_1440, %add3A_1778 : i32
    %dma_start3A_1780 = arith.constant 2 : i32
    %dma_start3A_1781 = arith.constant 0 : i32
    %dma_start3A_1782 = arith.constant 0 : i32
    %dma_start3A_1783 = tpu.memref_slice %arg7[%dma_start3A_1780, %dma_start3A_1781, %dma_start3A_1782] : memref<6x128x128xf32, #tpu.memory_space<vmem>> -> memref<1x128x128xf32, #tpu.memory_space<vmem>>
    %dma_start3A_1784 = tpu.memref_squeeze %dma_start3A_1783 : memref<1x128x128xf32, #tpu.memory_space<vmem>> -> memref<128x128xf32, #tpu.memory_space<vmem>>
    %dma_start3A_1785 = arith.constant 0 : i32
    %dma_start3A_1786 = tpu.memref_slice %arg4[%add3A_1779, %dma_start3A_1785] : memref<36864x128xf32, #tpu.memory_space<hbm>> -> memref<128x128xf32, #tpu.memory_space<hbm>>
    %dma_start3A_1787 = arith.constant 0 : i32
    %dma_start3A_1788 = tpu.memref_slice %arg4[%add3A_1779, %dma_start3A_1787] : memref<36864x128xf32, #tpu.memory_space<hbm>> -> memref<128x128xf32, #tpu.memory_space<hbm>>
    %dma_start3A_1789 = arith.constant 0 : i32
    %dma_start3A_1790 = arith.constant 0 : i32
    %dma_start3A_1791 = tpu.memref_slice %arg7[%dma_start3A_1780, %dma_start3A_1789, %dma_start3A_1790] : memref<6x128x128xf32, #tpu.memory_space<vmem>> -> memref<1x128x128xf32, #tpu.memory_space<vmem>>
    %dma_start3A_1792 = tpu.memref_squeeze %dma_start3A_1791 : memref<1x128x128xf32, #tpu.memory_space<vmem>> -> memref<128x128xf32, #tpu.memory_space<vmem>>
    tpu.enqueue_dma source(%dma_start3A_1792 : memref<128x128xf32, #tpu.memory_space<vmem>>) target(%dma_start3A_1788 : memref<128x128xf32, #tpu.memory_space<hbm>>) target_semaphore(%arg9 : memref<!tpu.dma_semaphore, #tpu.memory_space<semaphore_mem>>)
    %dma_wait3A_1793 = arith.constant 3 : i32
    %dma_wait3A_1794 = arith.constant 0 : i32
    %dma_wait3A_1795 = arith.constant 0 : i32
    %dma_wait3A_1796 = tpu.memref_slice %arg7[%dma_wait3A_1793, %dma_wait3A_1794, %dma_wait3A_1795] : memref<6x128x128xf32, #tpu.memory_space<vmem>> -> memref<1x128x128xf32, #tpu.memory_space<vmem>>
    %dma_wait3A_1797 = tpu.memref_squeeze %dma_wait3A_1796 : memref<1x128x128xf32, #tpu.memory_space<vmem>> -> memref<128x128xf32, #tpu.memory_space<vmem>>
    %dma_wait3A_1798 = arith.constant 0 : i32
    %dma_wait3A_1799 = tpu.memref_slice %arg4[%add3A_1608, %dma_wait3A_1798] : memref<36864x128xf32, #tpu.memory_space<hbm>> -> memref<128x128xf32, #tpu.memory_space<hbm>>
    %dma_wait3A_1800 = arith.constant 0 : i32
    %dma_wait3A_1801 = tpu.memref_slice %arg4[%add3A_1608, %dma_wait3A_1800] : memref<36864x128xf32, #tpu.memory_space<hbm>> -> memref<128x128xf32, #tpu.memory_space<hbm>>
    %dma_wait3A_1802 = arith.constant 0 : i32
    %dma_wait3A_1803 = arith.constant 0 : i32
    %dma_wait3A_1804 = tpu.memref_slice %arg7[%dma_wait3A_1793, %dma_wait3A_1802, %dma_wait3A_1803] : memref<6x128x128xf32, #tpu.memory_space<vmem>> -> memref<1x128x128xf32, #tpu.memory_space<vmem>>
    %dma_wait3A_1805 = tpu.memref_squeeze %dma_wait3A_1804 : memref<1x128x128xf32, #tpu.memory_space<vmem>> -> memref<128x128xf32, #tpu.memory_space<vmem>>
    tpu.wait_dma2 semaphore(%arg9 : memref<!tpu.dma_semaphore, #tpu.memory_space<semaphore_mem>>) src(%dma_wait3A_1805 : memref<128x128xf32, #tpu.memory_space<vmem>>) dst(%dma_wait3A_1801 : memref<128x128xf32, #tpu.memory_space<hbm>>)
    %dma_wait3A_1806 = arith.constant 4 : i32
    %dma_wait3A_1807 = arith.constant 0 : i32
    %dma_wait3A_1808 = arith.constant 0 : i32
    %dma_wait3A_1809 = tpu.memref_slice %arg7[%dma_wait3A_1806, %dma_wait3A_1807, %dma_wait3A_1808] : memref<6x128x128xf32, #tpu.memory_space<vmem>> -> memref<1x128x128xf32, #tpu.memory_space<vmem>>
    %dma_wait3A_1810 = tpu.memref_squeeze %dma_wait3A_1809 : memref<1x128x128xf32, #tpu.memory_space<vmem>> -> memref<128x128xf32, #tpu.memory_space<vmem>>
    %dma_wait3A_1811 = arith.constant 0 : i32
    %dma_wait3A_1812 = tpu.memref_slice %arg4[%add3A_1656, %dma_wait3A_1811] : memref<36864x128xf32, #tpu.memory_space<hbm>> -> memref<128x128xf32, #tpu.memory_space<hbm>>
    %dma_wait3A_1813 = arith.constant 0 : i32
    %dma_wait3A_1814 = tpu.memref_slice %arg4[%add3A_1656, %dma_wait3A_1813] : memref<36864x128xf32, #tpu.memory_space<hbm>> -> memref<128x128xf32, #tpu.memory_space<hbm>>
    %dma_wait3A_1815 = arith.constant 0 : i32
    %dma_wait3A_1816 = arith.constant 0 : i32
    %dma_wait3A_1817 = tpu.memref_slice %arg7[%dma_wait3A_1806, %dma_wait3A_1815, %dma_wait3A_1816] : memref<6x128x128xf32, #tpu.memory_space<vmem>> -> memref<1x128x128xf32, #tpu.memory_space<vmem>>
    %dma_wait3A_1818 = tpu.memref_squeeze %dma_wait3A_1817 : memref<1x128x128xf32, #tpu.memory_space<vmem>> -> memref<128x128xf32, #tpu.memory_space<vmem>>
    tpu.wait_dma2 semaphore(%arg9 : memref<!tpu.dma_semaphore, #tpu.memory_space<semaphore_mem>>) src(%dma_wait3A_1818 : memref<128x128xf32, #tpu.memory_space<vmem>>) dst(%dma_wait3A_1814 : memref<128x128xf32, #tpu.memory_space<hbm>>)
    %dma_wait3A_1819 = arith.constant 5 : i32
    %dma_wait3A_1820 = arith.constant 0 : i32
    %dma_wait3A_1821 = arith.constant 0 : i32
    %dma_wait3A_1822 = tpu.memref_slice %arg7[%dma_wait3A_1819, %dma_wait3A_1820, %dma_wait3A_1821] : memref<6x128x128xf32, #tpu.memory_space<vmem>> -> memref<1x128x128xf32, #tpu.memory_space<vmem>>
    %dma_wait3A_1823 = tpu.memref_squeeze %dma_wait3A_1822 : memref<1x128x128xf32, #tpu.memory_space<vmem>> -> memref<128x128xf32, #tpu.memory_space<vmem>>
    %dma_wait3A_1824 = arith.constant 0 : i32
    %dma_wait3A_1825 = tpu.memref_slice %arg4[%add3A_1704, %dma_wait3A_1824] : memref<36864x128xf32, #tpu.memory_space<hbm>> -> memref<128x128xf32, #tpu.memory_space<hbm>>
    %dma_wait3A_1826 = arith.constant 0 : i32
    %dma_wait3A_1827 = tpu.memref_slice %arg4[%add3A_1704, %dma_wait3A_1826] : memref<36864x128xf32, #tpu.memory_space<hbm>> -> memref<128x128xf32, #tpu.memory_space<hbm>>
    %dma_wait3A_1828 = arith.constant 0 : i32
    %dma_wait3A_1829 = arith.constant 0 : i32
    %dma_wait3A_1830 = tpu.memref_slice %arg7[%dma_wait3A_1819, %dma_wait3A_1828, %dma_wait3A_1829] : memref<6x128x128xf32, #tpu.memory_space<vmem>> -> memref<1x128x128xf32, #tpu.memory_space<vmem>>
    %dma_wait3A_1831 = tpu.memref_squeeze %dma_wait3A_1830 : memref<1x128x128xf32, #tpu.memory_space<vmem>> -> memref<128x128xf32, #tpu.memory_space<vmem>>
    tpu.wait_dma2 semaphore(%arg9 : memref<!tpu.dma_semaphore, #tpu.memory_space<semaphore_mem>>) src(%dma_wait3A_1831 : memref<128x128xf32, #tpu.memory_space<vmem>>) dst(%dma_wait3A_1827 : memref<128x128xf32, #tpu.memory_space<hbm>>)
    %dma_wait3A_1832 = arith.constant 0 : i32
    %dma_wait3A_1833 = arith.constant 0 : i32
    %dma_wait3A_1834 = arith.constant 0 : i32
    %dma_wait3A_1835 = tpu.memref_slice %arg7[%dma_wait3A_1832, %dma_wait3A_1833, %dma_wait3A_1834] : memref<6x128x128xf32, #tpu.memory_space<vmem>> -> memref<1x128x128xf32, #tpu.memory_space<vmem>>
    %dma_wait3A_1836 = tpu.memref_squeeze %dma_wait3A_1835 : memref<1x128x128xf32, #tpu.memory_space<vmem>> -> memref<128x128xf32, #tpu.memory_space<vmem>>
    %dma_wait3A_1837 = arith.constant 0 : i32
    %dma_wait3A_1838 = tpu.memref_slice %arg4[%add3A_1729, %dma_wait3A_1837] : memref<36864x128xf32, #tpu.memory_space<hbm>> -> memref<128x128xf32, #tpu.memory_space<hbm>>
    %dma_wait3A_1839 = arith.constant 0 : i32
    %dma_wait3A_1840 = tpu.memref_slice %arg4[%add3A_1729, %dma_wait3A_1839] : memref<36864x128xf32, #tpu.memory_space<hbm>> -> memref<128x128xf32, #tpu.memory_space<hbm>>
    %dma_wait3A_1841 = arith.constant 0 : i32
    %dma_wait3A_1842 = arith.constant 0 : i32
    %dma_wait3A_1843 = tpu.memref_slice %arg7[%dma_wait3A_1832, %dma_wait3A_1841, %dma_wait3A_1842] : memref<6x128x128xf32, #tpu.memory_space<vmem>> -> memref<1x128x128xf32, #tpu.memory_space<vmem>>
    %dma_wait3A_1844 = tpu.memref_squeeze %dma_wait3A_1843 : memref<1x128x128xf32, #tpu.memory_space<vmem>> -> memref<128x128xf32, #tpu.memory_space<vmem>>
    tpu.wait_dma2 semaphore(%arg9 : memref<!tpu.dma_semaphore, #tpu.memory_space<semaphore_mem>>) src(%dma_wait3A_1844 : memref<128x128xf32, #tpu.memory_space<vmem>>) dst(%dma_wait3A_1840 : memref<128x128xf32, #tpu.memory_space<hbm>>)
    %dma_wait3A_1845 = arith.constant 1 : i32
    %dma_wait3A_1846 = arith.constant 0 : i32
    %dma_wait3A_1847 = arith.constant 0 : i32
    %dma_wait3A_1848 = tpu.memref_slice %arg7[%dma_wait3A_1845, %dma_wait3A_1846, %dma_wait3A_1847] : memref<6x128x128xf32, #tpu.memory_space<vmem>> -> memref<1x128x128xf32, #tpu.memory_space<vmem>>
    %dma_wait3A_1849 = tpu.memref_squeeze %dma_wait3A_1848 : memref<1x128x128xf32, #tpu.memory_space<vmem>> -> memref<128x128xf32, #tpu.memory_space<vmem>>
    %dma_wait3A_1850 = arith.constant 0 : i32
    %dma_wait3A_1851 = tpu.memref_slice %arg4[%add3A_1754, %dma_wait3A_1850] : memref<36864x128xf32, #tpu.memory_space<hbm>> -> memref<128x128xf32, #tpu.memory_space<hbm>>
    %dma_wait3A_1852 = arith.constant 0 : i32
    %dma_wait3A_1853 = tpu.memref_slice %arg4[%add3A_1754, %dma_wait3A_1852] : memref<36864x128xf32, #tpu.memory_space<hbm>> -> memref<128x128xf32, #tpu.memory_space<hbm>>
    %dma_wait3A_1854 = arith.constant 0 : i32
    %dma_wait3A_1855 = arith.constant 0 : i32
    %dma_wait3A_1856 = tpu.memref_slice %arg7[%dma_wait3A_1845, %dma_wait3A_1854, %dma_wait3A_1855] : memref<6x128x128xf32, #tpu.memory_space<vmem>> -> memref<1x128x128xf32, #tpu.memory_space<vmem>>
    %dma_wait3A_1857 = tpu.memref_squeeze %dma_wait3A_1856 : memref<1x128x128xf32, #tpu.memory_space<vmem>> -> memref<128x128xf32, #tpu.memory_space<vmem>>
    tpu.wait_dma2 semaphore(%arg9 : memref<!tpu.dma_semaphore, #tpu.memory_space<semaphore_mem>>) src(%dma_wait3A_1857 : memref<128x128xf32, #tpu.memory_space<vmem>>) dst(%dma_wait3A_1853 : memref<128x128xf32, #tpu.memory_space<hbm>>)
    %dma_wait3A_1858 = arith.constant 2 : i32
    %dma_wait3A_1859 = arith.constant 0 : i32
    %dma_wait3A_1860 = arith.constant 0 : i32
    %dma_wait3A_1861 = tpu.memref_slice %arg7[%dma_wait3A_1858, %dma_wait3A_1859, %dma_wait3A_1860] : memref<6x128x128xf32, #tpu.memory_space<vmem>> -> memref<1x128x128xf32, #tpu.memory_space<vmem>>
    %dma_wait3A_1862 = tpu.memref_squeeze %dma_wait3A_1861 : memref<1x128x128xf32, #tpu.memory_space<vmem>> -> memref<128x128xf32, #tpu.memory_space<vmem>>
    %dma_wait3A_1863 = arith.constant 0 : i32
    %dma_wait3A_1864 = tpu.memref_slice %arg4[%add3A_1779, %dma_wait3A_1863] : memref<36864x128xf32, #tpu.memory_space<hbm>> -> memref<128x128xf32, #tpu.memory_space<hbm>>
    %dma_wait3A_1865 = arith.constant 0 : i32
    %dma_wait3A_1866 = tpu.memref_slice %arg4[%add3A_1779, %dma_wait3A_1865] : memref<36864x128xf32, #tpu.memory_space<hbm>> -> memref<128x128xf32, #tpu.memory_space<hbm>>
    %dma_wait3A_1867 = arith.constant 0 : i32
    %dma_wait3A_1868 = arith.constant 0 : i32
    %dma_wait3A_1869 = tpu.memref_slice %arg7[%dma_wait3A_1858, %dma_wait3A_1867, %dma_wait3A_1868] : memref<6x128x128xf32, #tpu.memory_space<vmem>> -> memref<1x128x128xf32, #tpu.memory_space<vmem>>
    %dma_wait3A_1870 = tpu.memref_squeeze %dma_wait3A_1869 : memref<1x128x128xf32, #tpu.memory_space<vmem>> -> memref<128x128xf32, #tpu.memory_space<vmem>>
    tpu.wait_dma2 semaphore(%arg9 : memref<!tpu.dma_semaphore, #tpu.memory_space<semaphore_mem>>) src(%dma_wait3A_1870 : memref<128x128xf32, #tpu.memory_space<vmem>>) dst(%dma_wait3A_1866 : memref<128x128xf32, #tpu.memory_space<hbm>>)
    return
  }
}

</mosaic_0001>

<sc_bundles>
// kernel: kernel.3.cloned.1.call-start
scs
__scs_entry_jumppad:
0x0: {  	(pc) =	sbr.rel $0x88, $3  }
0x1: {  	(tag) =	ssettag $0x0;
	lr =	simm.s32 $0x1  }
0x2: {  	[smem:$0x3F9F] =	sst lr;
	_ =	strace $0xD0000000  }
0x3: {  	_ = 	snop  }
0x4: {  	_ = 	snop  }
0x5: {  	_ = 	snop  }
0x6: {  	_ = 	snop  }
0x7: {  	_ = 	snop  }
__scs_overlays_trampoline_lowered:
0x8: {  	[smem:$0x3FAE] =	sst s0  }
0x9: {  	[smem:$0x3FAF] =	sst s1  }
0xa: {  	[smem:$0x3FB0] =	sst s2  }
0xb: {  	[smem:$0x3FB1] =	sst s3  }
0xc: {  	[smem:$0x3FB2] =	sst s4  }
0xd: {  	[smem:$0x3FB3] =	sst s5  }
0xe: {  	[smem:$0x3FB4] =	sst s6  }
0xf: {  	[smem:$0x3FB5] =	sst s7  }
0x10: {  	[smem:$0x3FB6] =	sst s8  }
0x11: {  	[smem:$0x3FB7] =	sst s9;
	s0 =	simm.s32 @!p0 $0x0  }
0x12: {  	s1 =	sld [smem:$0x3F9D];
	s0 =	simm.s32 @p0 $0x1  }
0x13: {  	[smem:$0x3FB8] =	sst s0;
	s0 =	simm.s32 @!p1 $0x0  }
0x14: {  	s2 =	sld [smem:$0x3F9C];
	s0 =	simm.s32 @p1 $0x1  }
0x15: {  	[smem:$0x3FB9] =	sst s0;
	s0 =	simm.s32 @!p2 $0x0  }
0x16: {  	s3 =	sld [smem:$0x3FDB];
	s0 =	simm.s32 @p2 $0x1  }
0x17: {  	s4 =	simm.s32 $0x1BF5;
	[smem:$0x3FBB] =	sst s0  }
0x18: {  	s0 =	sld [smem:$0x3F9E];
	_ =	swait.ge [sflag:s4], $0x0  }
0x19: {  	s7 =	sld [smem:$0x3F9F]  }
0x1a: {  	s8 =	sadd.s32 $0xFFFFE003, lr  }
0x1b: {  	s9 =	sadd.s32 $0xFFFFFEF7, lr;
	s5 =	simm.s32 $0xFFFFFFFF;
	p2 =	slt.u32 s8, $0xFFFFF086  }
0x1c: {  	p1 =	slt.u32 s9, $0xF7A;
	s5 =	simm.s32 @!p2 $0x0  }
0x1d: {  	s5 =	simm.s32 @p1 $0x1;
	p0 =	seq.s32 s7, s2  }
0x1e: {  	s7 =	smul.u32 @!p0 $0xF7A, s2;
	p2 =	seq.s32 @!p0 s5, $0x0  }
0x1f: {  	s9 =	smul.u32 $0xF7A, s1;
	s8 =	simm.s32 @!p0 $0x1BF5;
	p2 =	por !p2, p0  }
0x20: {  	[sflag:s8] =	ssyncset.s32 @!p0 $0xFFFFF086;
	s6 =	sadd.s32 @!p0 s3, s7;
	s7 =	simm.s32 @!p0 $0x108  }
0x21: {  	s3 =	sadd.s32 s3, s9;
	s6 =	sadd.s32 @!p0 $0x88, s6;
	s7 =	simm.s32 @p2 $0x1082  }
0x22: {  	[simem:s7], [sflag:s8] =	dma.local @!p0 [hbm:s6], $0xF7A  }
0x23: {  	s9 =	sor.u32 $0xD0000000, s2;
	s6 =	simm.s32 $0x108;
	_ =	swait.ge @!p0 [sflag:s8], $0x0  }
0x24: {  	s3 =	sadd.s32 $0x88, s3;
	s6 =	simm.s32 @!p1 $0x1082;
	[sflag:s4] =	ssyncset.s32 $0xFFFFF086  }
0x25: {  	[simem:s6], [sflag:s4] =	dma.local [hbm:s3], $0xF7A  }
0x26: {  	[smem:$0x3F9F] =	sst s1;
	(tag) =	ssettag s2;
	_ =	strace s9  }
0x27: {  	s1 =	sld [smem:$0x3FAF]  }
0x28: {  	s2 =	sld [smem:$0x3FB0]  }
0x29: {  	s4 =	sld [smem:$0x3FB2]  }
0x2a: {  	p0 =	seq.s32 s5, $0x0;
	s5 =	sld [smem:$0x3FB3]  }
0x2b: {  	s6 =	sld [smem:$0x3FB4]  }
0x2c: {  	s7 =	sld [smem:$0x3FB5]  }
0x2d: {  	s3 =	simm.s32 $0x108;
	s8 =	sld [smem:$0x3FB6]  }
0x2e: {  	s3 =	simm.s32 @!p0 $0x1082;
	s9 =	sld [smem:$0x3FB7]  }
0x2f: {  	lr =	sadd.s32 s0, s3;
	s0 =	sld [smem:$0x3FAE]  }
0x30: {  	s3 =	sld [smem:$0x3FB1]  }
0x31: {  	[smem:$0x3FBA] =	sst s10  }
0x32: {  	s10 =	sld [smem:$0x3FB8];
	_ =	sdelay $0x3  }
0x33: {  	p0 =	seq.s32 s10, $0x1;
	s10 =	sld [smem:$0x3FBA];
	_ =	sdelay $0x3  }
0x34: {  	[smem:$0x3FBA] =	sst s10  }
0x35: {  	s10 =	sld [smem:$0x3FB9];
	_ =	sdelay $0x3  }
0x36: {  	p1 =	seq.s32 s10, $0x1;
	s10 =	sld [smem:$0x3FBA];
	_ =	sdelay $0x3  }
0x37: {  	[smem:$0x3FBA] =	sst s10  }
0x38: {  	s10 =	sld [smem:$0x3FBB]  }
0x39: {  	_ = 	snop;
	(pc) =	sbr.ind lr, $3  }
0x3a: {  	_ = 	snop  }
0x3b: {  	_ = 	snop  }
0x3c: {  	p2 =	seq.s32 s10, $0x1;
	s10 =	sld [smem:$0x3FBA]  }
0x3d: {  	_ =	shalt  }
0x3e: {  	_ =	shalt  }
0x3f: {  	_ =	shalt  }
0x40: {  	_ =	shalt  }
0x41: {  	_ =	shalt  }
0x42: {  	_ =	shalt  }
0x43: {  	_ =	shalt  }
0x44: {  	_ =	shalt  }
0x45: {  	_ =	shalt  }
0x46: {  	_ =	shalt  }
0x47: {  	_ =	shalt  }
0x48: {  	_ =	shalt  }
0x49: {  	_ =	shalt  }
0x4a: {  	_ =	shalt  }
0x4b: {  	_ =	shalt  }
0x4c: {  	_ =	shalt  }
0x4d: {  	_ =	shalt  }
0x4e: {  	_ =	shalt  }
0x4f: {  	_ =	shalt  }
0x50: {  	_ =	shalt  }
0x51: {  	_ =	shalt  }
0x52: {  	_ =	shalt  }
0x53: {  	_ =	shalt  }
0x54: {  	_ =	shalt  }
0x55: {  	_ =	shalt  }
0x56: {  	_ =	shalt  }
0x57: {  	_ =	shalt  }
0x58: {  	_ =	shalt  }
0x59: {  	_ =	shalt  }
0x5a: {  	_ =	shalt  }
0x5b: {  	_ =	shalt  }
0x5c: {  	_ =	shalt  }
0x5d: {  	_ =	shalt  }
0x5e: {  	_ =	shalt  }
0x5f: {  	_ =	shalt  }
0x60: {  	_ =	shalt  }
0x61: {  	_ =	shalt  }
0x62: {  	_ =	shalt  }
0x63: {  	_ =	shalt  }
0x64: {  	_ =	shalt  }
0x65: {  	_ =	shalt  }
0x66: {  	_ =	shalt  }
0x67: {  	_ =	shalt  }
0x68: {  	_ =	shalt  }
0x69: {  	_ =	shalt  }
0x6a: {  	_ =	shalt  }
0x6b: {  	_ =	shalt  }
0x6c: {  	_ =	shalt  }
0x6d: {  	_ =	shalt  }
0x6e: {  	_ =	shalt  }
0x6f: {  	_ =	shalt  }
0x70: {  	_ =	shalt  }
0x71: {  	_ =	shalt  }
0x72: {  	_ =	shalt  }
0x73: {  	_ =	shalt  }
0x74: {  	_ =	shalt  }
0x75: {  	_ =	shalt  }
0x76: {  	_ =	shalt  }
0x77: {  	_ =	shalt  }
0x78: {  	_ =	shalt  }
0x79: {  	_ =	shalt  }
0x7a: {  	_ =	shalt  }
0x7b: {  	_ =	shalt  }
0x7c: {  	_ =	shalt  }
0x7d: {  	_ =	shalt  }
0x7e: {  	_ =	shalt  }
0x7f: {  	_ =	shalt  }
0x80: {  	_ =	shalt  }
0x81: {  	_ =	shalt  }
0x82: {  	_ =	shalt  }
0x83: {  	_ =	shalt  }
0x84: {  	_ =	shalt  }
0x85: {  	_ =	shalt  }
0x86: {  	_ =	shalt  }
0x87: {  	_ =	shalt  }
.Lfunc_end0:
.L_simem_size_0:
called_computation_lowered:
.L_overlay_start_0:
0x88: {  	s2 =	sld [smem:$0x3FD9]  }
0x89: {  	s3 =	sld [smem:$0x3FFE];
	_ =	sdelay $0x1  }
0x8a: {  	s1 =	srdreg.scid  }
0x8b: {  	s0 =	sand.u32 $0x1, s1  }
0x8c: {  	s18 =	sshll.u32 s0, $0xA;
	s2 =	sadd.s32 s3, s2  }
0x8d: {  	s2 =	sadd.s32 s2, s18  }
0x8e: {  	[smem:$0x3FC6] =	sst s2  }
0x8f: {  	_ = 	snop  }
0x90: {  	s2 =	sld [smem:$0x3FC9]  }
0x91: {  	s19 =	sld [smem:$0x3FC8]  }
0x92: {  	s4 =	sld [smem:$0x3FD0];
	(tm) =	ssettm $0x1  }
0x93: {  	s5 =	sld [smem:$0x3FFB];
	_ =	sdelay $0x3  }
0x94: {  	_ =	strace s5  }
0x95: {  	s5 =	sld [smem:$0x3FFC];
	_ =	sdelay $0x3  }
0x96: {  	_ =	strace s5  }
0x97: {  	s5 =	sld [smem:$0x3FFD];
	_ =	sdelay $0x3  }
0x98: {  	_ =	strace s5  }
0x99: {  	_ =	strace $0x8FFFFFFF  }
0x9a: {  	s20 =	sld [smem:$0x3FDB];
	_ =	sdelay $0x1  }
0x9b: {  	s6 =	simm.s32 $_scs_section_size  }
0x9c: {  	s7 =	simm.s32 $_size__tile_overlayer_lowered;
	s8 =	simm.s32 $_tile_overlayer_lowered  }
0x9d: {  	s23 =	simm.s32 $0x1BFF;
	s22 =	sshll.u32 s8, $0x1;
	s5 =	sadd.s32 s6, s20  }
0x9e: {  	s9 =	simm.s32 $0x0;
	s21 =	sshll.u32 s7, $0x1;
	s7 =	sadd.s32 s22, s5  }
0x9f: {  	[timem:s9], [sflag:s23] =	dma.local [hbm:s7], s21  }
0xa0: {  	_ =	swait.ge [sflag:s23], s21  }
0xa1: {  	s6 =	ssub.s32 $0x0, s21;
	[sflag:s23] =	ssyncset.done $0x0  }
0xa2: {  	[sflag:s23] =	ssyncadd.s32 s6;
	_ =	sdelay $0x1  }
0xa3: {  	s24 =	simm.s32 $0x1B8B  }
0xa4: {  	_ =	swait.ge [sflag:s24], $0x1  }
0xa5: {  	[sflag:s24] =	ssyncset.done $0x0  }
0xa6: {  	s25 =	simm.s32 $0x1B8E;
	[sflag:s24] =	ssyncadd.s32 $0xFFFFFFFF  }
0xa7: {  	s26 =	simm.s32 $execute0_lowered;
	[smem:$0x3FD2] =	sst s25  }
0xa8: {  	s6 =	sshll.u32 s26, $0x1;
	_ =	strace $0x80000046;
	[dreg:$0x1] =	wrdreg $0xFFFFFFFF  }
0xa9: {  	s28 =	simm.s32 $_size_execute0_lowered;
	s5 =	sadd.s32 s5, s6;
	[dreg:$0x0] =	wrdreg $0x0  }
0xaa: {  	s6 =	sshll.u32 s28, $0x1;
	[dreg:$0x2] =	wrdreg s5  }
0xab: {  	[dreg:$0x3] =	wrdreg s6  }
0xac: {  	[dreg:$0x4] =	wrdreg $0xC0  }
0xad: {  	_ =	task [dreg:s9], $0x5FFFF  }
0xae: {  	[dreg:$0x1] =	wrdreg $0xFFFFFFFF  }
0xaf: {  	[dreg:$0x0] =	wrdreg $0x60  }
0xb0: {  	[dreg:$0x2] =	wrdreg s19  }
0xb1: {  	[dreg:$0x3] =	wrdreg s2  }
0xb2: {  	[dreg:$0x4] =	wrdreg s4  }
0xb3: {  	[dreg:$0x5] =	wrdreg $0x9  }
0xb4: {  	_ =	task.clear_ibuf [dreg:s9], $0x6FFFF;
	_ =	strace $0x90000046  }
0xb5: {  	s29 =	simm.s32 $0x9;
	_ =	strace $0x80000048  }
0xb6: {  	_ =	swait.ge [sflag:s29], $0x1  }
0xb7: {  	[sflag:s29] =	ssyncadd.s32 $0xFFFFFFFF  }
0xb8: {  	_ =	strace $0x90000048  }
0xb9: {  	_ =	sfence  }
0xba: {  	s30 =	sld [smem:$0x0];
	_ =	sdelay $0x2  }
0xbb: {  	s31 =	sshll.u32 s1, $0xD;
	s1 =	sshrl.u32 s1, $0x2  }
0xbc: {  	s3 =	sand.u32 $0x4000, s31;
	s1 =	sadd.s32 s1, s30  }
0xbd: {  	s0 =	sor.u32 s3, s0;
	s1 =	sshll.u32 s1, $0x11  }
0xbe: {  	s0 =	sor.u32 s1, s0  }
0xbf: {  	s0 =	sadd.s32 $0x8F2B, s0  }
0xc0: {  	[sflag:s0] =	ssyncadd.remote.s32 $0x1  }
0xc1: {  	_ =	sfence.sel $0xFFFF  }
0xc2: {  	[dreg:$0x0] =	wrdreg $0xFFFFFFFF;
	(pc) =	sbr.abs _section_cstart, $3  }
0xc3: {  	[dreg:$0x1] =	wrdreg $0xFFFFFFFF  }
0xc4: {  	_ =	task.clear_ibuf [dreg:s9], $0x2FFFF;
	_ =	strace $0x9FFFFFFF  }
0xc5: {  	(tm) =	ssettm $0x7FFFFFFF  }
tec
execute0_lowered:
.L_overlay_start_1:
0x0: {  	(tag) =	ssettag $0x1  }
0x1: {  	v0 =	vimm.s32 $0x76543210;
	v1 =	vimm.s32 $0x65432108  }
0x2: {  	vm1 =	vcmask $0x2300;
	v4 =	vimm.s32 $0x2020101;
	vm0 =	vcmask $0xF00  }
0x3: {  	v5 =	vimm.s32 $0x43210876;
	v6 =	vimm.s32 $0x32108765;
	v7 =	vimm.s32 $0x21087654  }
0x4: {  	vm2 =	vcmask $0x2B10;
	v8 =	vimm.s32 $0x10876543;
	v9 =	vimm.s32 $0x8765432  }
0x5: {  	vm3 =	vcmask $0x3310;
	vm4 =	vcmask $0x1700;
	v11 =	vimm.s32 $0x9090908  }
0x6: {  	vm5 =	vcmask $0x3B18;
	v15 =	vimm.s32 $0xB0A0A0A;
	vm6 =	vcmask $0x2710  }
0x7: {  	vm7 =	vcmask $0x2F10;
	vm9 =	vcmask $0x1300;
	vm8 =	vcmask $0x3714  }
0x8: {  	vm10 =	vcmask $0x1B00;
	v18 =	vimm.s32 $0x7E;
	v19 =	vimm.s32 $0x7F  }
0x9: {  	v0 =	vunpack.c.l.s4.s8 v0;
	v1 =	vunpack.c.l.s4.s8 v1;
	v5 =	vunpack.c.l.s4.s8 v5  }
0xa: {  	v6 =	vunpack.c.l.s4.s8 v6;
	v7 =	vunpack.c.l.s4.s8 v7;
	v8 =	vunpack.c.l.s4.s8 v8  }
0xb: {  	v9 =	vunpack.c.l.s4.s8 v9;
	v11 =	vunpack.c.0.s8.s32 v11;
	v18 =	vsel vm9, $0x7C, v18  }
0xc: {  	v0 =	vunpack.c.0.s8.s32 v0;
	v2 =	vunpack.c.0.s8.s32 v1;
	v1 =	vimm.s32 $0x1  }
0xd: {  	v10 =	vunpack.c.0.s8.s32 v5;
	v5 =	vimm.s32 $0x5;
	v6 =	vunpack.c.0.s8.s32 v6  }
0xe: {  	v12 =	vunpack.c.0.s8.s32 v7;
	v13 =	vunpack.c.0.s8.s32 v8;
	v14 =	vunpack.c.0.s8.s32 v9  }
0xf: {  	v8 =	vimm.s32 $0x7;
	v5 =	vsel vm0, $0x3, v5;
	v3 =	vcombine.low v0, v2  }
0x10: {  	v1 =	vsel vm1, $0x0, v1;
	v7 =	vcombine.low v6, v12;
	v5 =	vsel vm3, $0x4, v5  }
0x11: {  	[tilespmem:$0x1FEF0] =	vst v1;
	v1 =	vand.u32 $0xF, v3;
	v3 =	vunpack.c.0.s8.s32 v4;
	v4 =	vimm.s32 $0x54321087  }
0x12: {  	[tilespmem:$0x1FF10] =	vst v5;
	v5 =	vand.u32 $0xF, v7;
	v7 =	vimm.s32 $0x87654321;
	v4 =	vunpack.c.l.s4.s8 v4  }
0x13: {  	v8 =	vsel vm4, $0x5, v8;
	v7 =	vunpack.c.l.s4.s8 v7;
	v3 =	vnsel vm0, $0x3, v3  }
0x14: {  	v9 =	vcombine.low v13, v14;
	v4 =	vunpack.c.0.s8.s32 v4;
	v3 =	vsel vm2, $0x2, v3  }
0x15: {  	v19 =	vsel vm10, $0x7E, v19;
	v16 =	vunpack.c.0.s8.s32 v7;
	v7 =	vsel vm5, $0x6, v8;
	[tilespmem:$0x1FF00] =	vst v3  }
0x16: {  	v11 =	vnsel vm0, $0xA, v11;
	[tilespmem:$0x1FF20] =	vst v7;
	v7 =	vand.u32 $0xF, v9;
	v3 =	vcombine.low v4, v10  }
0x17: {  	v9 =	vand.u32 $0xF, v16;
	v2 =	vcombine.low v2, v4;
	v4 =	vunpack.c.0.s8.s32 v15  }
0x18: {  	v18 =	vsel vm8, $0x7D, v18;
	v9 =	vcombine.low v9, v0;
	v0 =	vsel vm6, $0x9, v11  }
0x19: {  	v8 =	vlaneseq.u32;
	[tilespmem:$0x1FF30] =	vst v0;
	v0 =	vnsel vm0, $0xC, v4;
	v4 =	vimm.s32 $0xE  }
0x1a: {  	v8 =	vshrl.u32 v8, $0x3;
	v4 =	vsel vm9, $0xC, v4;
	v0 =	vsel vm7, $0xB, v0  }
0x1b: {  	v11 =	vand.u32 $0xF, v2;
	v2 =	vcombine.low v10, v6;
	[tilespmem:$0x1FF40] =	vst v0;
	v0 =	vsel vm8, $0xD, v4  }
0x1c: {  	v20 =	vadd.s32 $0x7, v8;
	v21 =	vadd.s32 $0x17, v8;
	[tilespmem:$0x1FF50] =	vst v0;
	v0 =	vcombine.low v14, v16  }
0x1d: {  	v6 =	vcombine.low v12, v13;
	v13 =	vand.u32 $0xF, v2;
	v2 =	vimm.s32 $0x12121111  }
0x1e: {  	v2 =	vunpack.c.0.s8.s32 v2;
	v17 =	vand.u32 $0xF, v0;
	v0 =	vimm.s32 $0x11  }
0x1f: {  	v22 =	vadd.s32 $0x27, v8;
	v23 =	vadd.s32 $0x37, v8;
	v0 =	vsel vm1, $0x10, v0  }
0x20: {  	v24 =	vadd.s32 $0x47, v8;
	v10 =	vimm.s32 $0x75;
	[tilespmem:$0x1FF70] =	vst v0;
	v0 =	vnsel vm0, $0x13, v2  }
0x21: {  	v15 =	vand.u32 $0xF, v6;
	v4 =	vimm.s32 $0xF;
	v0 =	vsel vm2, $0x12, v0  }
0x22: {  	v4 =	vsel vm10, $0xE, v4;
	v2 =	vimm.s32 $0x19191918;
	[tilespmem:$0x1FF80] =	vst v0;
	v0 =	vimm.s32 $0x15  }
0x23: {  	[tilespmem:$0x1FF60] =	vst v4;
	v4 =	vimm.s32 $0x17;
	v2 =	vunpack.c.0.s8.s32 v2;
	v0 =	vsel vm0, $0x13, v0  }
0x24: {  	v6 =	vimm.s32 $0x1B1A1A1A;
	v4 =	vsel vm4, $0x15, v4;
	v0 =	vsel vm3, $0x14, v0  }
0x25: {  	v6 =	vunpack.c.0.s8.s32 v6;
	v2 =	vnsel vm0, $0x1A, v2;
	[tilespmem:$0x1FF90] =	vst v0;
	v0 =	vsel vm5, $0x16, v4  }
0x26: {  	v3 =	vand.u32 $0xF, v3;
	v10 =	vsel vm0, $0x73, v10;
	[tilespmem:$0x1FFA0] =	vst v0;
	v0 =	vsel vm6, $0x19, v2  }
0x27: {  	v12 =	vimm.s32 $0x79797978;
	v10 =	vsel vm3, $0x74, v10;
	[tilespmem:$0x1FFB0] =	vst v0;
	v0 =	vnsel vm0, $0x1C, v6  }
0x28: {  	v14 =	vunpack.c.0.s8.s32 v12;
	v2 =	vimm.s32 $0x1E;
	v0 =	vsel vm7, $0x1B, v0  }
0x29: {  	v12 =	vimm.s32 $0x77;
	v16 =	vimm.s32 $0x7B7A7A7A;
	[tilespmem:$0x1FFC0] =	vst v0;
	v0 =	vsel vm9, $0x1C, v2  }
0x2a: {  	v12 =	vsel vm4, $0x75, v12;
	v16 =	vunpack.c.0.s8.s32 v16;
	v0 =	vsel vm8, $0x1D, v0  }
0x2b: {  	v14 =	vnsel vm0, $0x7A, v14;
	v4 =	vimm.s32 $0x22222121;
	[tilespmem:$0x1FFD0] =	vst v0;
	v0 =	vimm.s32 $0x1F  }
0x2c: {  	v2 =	vunpack.c.0.s8.s32 v4;
	v4 =	vimm.s32 $0x21;
	v0 =	vsel vm10, $0x1E, v0  }
0x2d: {  	v12 =	vsel vm5, $0x76, v12;
	v14 =	vsel vm6, $0x79, v14;
	[tilespmem:$0x1FFE0] =	vst v0;
	v0 =	vsel vm1, $0x20, v4  }
0x2e: {  	v16 =	vnsel vm0, $0x7C, v16;
	v6 =	vimm.s32 $0x37;
	[tilespmem:$0x1FFF0] =	vst v0;
	v0 =	vnsel vm0, $0x23, v2  }
0x2f: {  	v2 =	vimm.s32 $0x29292928;
	v27 =	vsel vm2, $0x22, v0;
	v0 =	vimm.s32 $0x25  }
0x30: {  	v4 =	vimm.s32 $0x27;
	v2 =	vunpack.c.0.s8.s32 v2;
	v0 =	vsel vm0, $0x23, v0  }
0x31: {  	v28 =	vsel vm3, $0x24, v0;
	v0 =	vsel vm4, $0x25, v4;
	v4 =	vimm.s32 $0x2B2A2A2A  }
0x32: {  	v29 =	vsel vm5, $0x26, v0;
	v0 =	vnsel vm0, $0x2A, v2;
	v2 =	vunpack.c.0.s8.s32 v4  }
0x33: {  	v4 =	vimm.s32 $0x32323131;
	v30 =	vsel vm6, $0x29, v0;
	v0 =	vimm.s32 $0x2E  }
0x34: {  	v4 =	vunpack.c.0.s8.s32 v4;
	v2 =	vnsel vm0, $0x2C, v2;
	v0 =	vsel vm9, $0x2C, v0  }
0x35: {  	v31 =	vsel vm7, $0x2B, v2;
	v32 =	vsel vm8, $0x2D, v0;
	v0 =	vimm.s32 $0x2F  }
0x36: {  	v2 =	vnsel vm0, $0x33, v4;
	v4 =	vimm.s32 $0x3B3A3A3A;
	v33 =	vsel vm10, $0x2E, v0  }
0x37: {  	v0 =	vimm.s32 $0x31;
	v35 =	vsel vm2, $0x32, v2;
	v2 =	vimm.s32 $0x35  }
0x38: {  	v34 =	vsel vm1, $0x30, v0;
	v0 =	vimm.s32 $0x39393938;
	v2 =	vsel vm0, $0x33, v2  }
0x39: {  	v0 =	vunpack.c.0.s8.s32 v0;
	v36 =	vsel vm3, $0x34, v2;
	v2 =	vsel vm4, $0x35, v6  }
0x3a: {  	v4 =	vunpack.c.0.s8.s32 v4;
	v6 =	vimm.s32 $0x4B4A4A4A;
	v37 =	vsel vm5, $0x36, v2  }
0x3b: {  	v2 =	vimm.s32 $0x42424141;
	v6 =	vunpack.c.0.s8.s32 v6;
	v0 =	vnsel vm0, $0x3A, v0  }
0x3c: {  	v2 =	vunpack.c.0.s8.s32 v2;
	v38 =	vsel vm6, $0x39, v0;
	v0 =	vnsel vm0, $0x3C, v4  }
0x3d: {  	v4 =	vimm.s32 $0x3F;
	v39 =	vsel vm7, $0x3B, v0;
	v0 =	vimm.s32 $0x3E  }
0x3e: {  	v41 =	vsel vm10, $0x3E, v4;
	v4 =	vimm.s32 $0x47;
	v0 =	vsel vm9, $0x3C, v0  }
0x3f: {  	v4 =	vsel vm4, $0x45, v4;
	v40 =	vsel vm8, $0x3D, v0;
	v0 =	vimm.s32 $0x41  }
0x40: {  	v42 =	vsel vm1, $0x40, v0;
	v0 =	vnsel vm0, $0x43, v2;
	v2 =	vimm.s32 $0x49494948  }
0x41: {  	v43 =	vsel vm2, $0x42, v0;
	v0 =	vimm.s32 $0x45;
	v2 =	vunpack.c.0.s8.s32 v2  }
0x42: {  	v45 =	vsel vm5, $0x46, v4;
	v4 =	vimm.s32 $0x52525151;
	v0 =	vsel vm0, $0x43, v0  }
0x43: {  	v2 =	vnsel vm0, $0x4A, v2;
	v44 =	vsel vm3, $0x44, v0;
	v0 =	vnsel vm0, $0x4C, v6  }
0x44: {  	v6 =	vimm.s32 $0x67;
	v46 =	vsel vm6, $0x49, v2;
	v2 =	vimm.s32 $0x4E  }
0x45: {  	v47 =	vsel vm7, $0x4B, v0;
	v0 =	vsel vm9, $0x4C, v2;
	v2 =	vunpack.c.0.s8.s32 v4  }
0x46: {  	v4 =	vimm.s32 $0x51;
	v48 =	vsel vm8, $0x4D, v0;
	v0 =	vimm.s32 $0x4F  }
0x47: {  	s0 =	rddreg [dreg:$0x0];
	v50 =	vsel vm1, $0x50, v4;
	v49 =	vsel vm10, $0x4E, v0;
	v0 =	vnsel vm0, $0x53, v2  }
0x48: {  	s2 =	rddreg [dreg:$0x1];
	v2 =	vimm.s32 $0x59595958;
	v51 =	vsel vm2, $0x52, v0;
	v0 =	vimm.s32 $0x55  }
0x49: {  	s3 =	srdreg.scid;
	s1 =	stileid.u32;
	v4 =	vimm.s32 $0x57;
	v2 =	vunpack.c.0.s8.s32 v2;
	v0 =	vsel vm0, $0x53, v0  }
0x4a: {  	s8 =	rddreg [dreg:$0x2];
	s14 =	simm.s32 $0x3;
	s15 =	simm.s32 $0x80;
	v52 =	vsel vm3, $0x54, v0;
	v0 =	vsel vm4, $0x55, v4;
	v4 =	vimm.s32 $0x5B5A5A5A  }
0x4b: {  	s16 =	simm.s32 $0x500;
	s18 =	simm.s32 $0x4500;
	s19 =	simm.s32 $0x180;
	v53 =	vsel vm5, $0x56, v0;
	v0 =	vnsel vm0, $0x5A, v2;
	v2 =	vunpack.c.0.s8.s32 v4  }
0x4c: {  	s17 =	simm.s32 $0x100;
	s20 =	simm.s32 $0x8500;
	s21 =	simm.s32 $0x200;
	v4 =	vimm.s32 $0x62626161;
	v54 =	vsel vm6, $0x59, v0;
	v0 =	vimm.s32 $0x5E  }
0x4d: {  	s22 =	simm.s32 $0xC500;
	s23 =	simm.s32 $0x1;
	s24 =	simm.s32 $0x280;
	v4 =	vunpack.c.0.s8.s32 v4;
	v2 =	vnsel vm0, $0x5C, v2;
	v0 =	vsel vm9, $0x5C, v0  }
0x4e: {  	s25 =	simm.s32 $0x10500;
	s28 =	simm.s32 $0x14500;
	s29 =	simm.s32 $0x2;
	v55 =	vsel vm7, $0x5B, v2;
	v56 =	vsel vm8, $0x5D, v0;
	v0 =	vimm.s32 $0x5F  }
0x4f: {  	s30 =	simm.s32 $0x380;
	s4 =	sand.u32 $0x1, s3;
	s5 =	sshll.u32 s1, $0x1;
	v2 =	vnsel vm0, $0x63, v4;
	v4 =	vimm.s32 $0x6B6A6A6A;
	v57 =	vsel vm10, $0x5E, v0  }
0x50: {  	s31 =	simm.s32 $0x400;
	s3 =	simm.s32 $0x0;
	s5 =	sor.u32 s4, s5;
	v0 =	vimm.s32 $0x61;
	v59 =	vsel vm2, $0x62, v2;
	v2 =	vimm.s32 $0x65  }
0x51: {  	[smem:$0x7FF] =	sst s3;
	s4 =	ssub.s32 $0x2, s4;
	s6 =	smul.u32 $0x24000, s5;
	v58 =	vsel vm1, $0x60, v0;
	v0 =	vimm.s32 $0x69696968;
	v2 =	vsel vm0, $0x63, v2  }
0x52: {  	s7 =	sshrl.u32 s4, $0x1;
	s9 =	sshll.u32 s5, $0x4;
	s26 =	smul.u32 $0x4800, s5;
	v0 =	vunpack.c.0.s8.s32 v0;
	v60 =	vsel vm3, $0x64, v2;
	v2 =	vsel vm4, $0x65, v6  }
0x53: {  	s13 =	ssub.s32 s4, s7;
	s2 =	sadd.s32 s2, s9;
	s6 =	sshrl.u32 s6, $0x3;
	v4 =	vunpack.c.0.s8.s32 v4;
	v61 =	vsel vm5, $0x66, v2;
	v2 =	vimm.s32 $0x72727171  }
0x54: {  	s13 =	smax.u32 s13, $0x1;
	s12 =	sadd.s32 s8, s6;
	s8 =	sadd.s32 s8, s26;
	v16 =	vsel vm7, $0x7B, v16;
	v0 =	vnsel vm0, $0x6A, v0;
	v6 =	vunpack.c.0.s8.s32 v2  }
0x55: {  	s26 =	simm.s32 $0x300;
	s4 =	sadd.s32 $0x800, s12;
	s5 =	sadd.s32 $0x1000, s12;
	v2 =	vimm.s32 $0x6F;
	v62 =	vsel vm6, $0x69, v0;
	v0 =	vnsel vm0, $0x6C, v4  }
0x56: {  	s6 =	sadd.s32 $0x1800, s12;
	s7 =	sadd.s32 $0x2000, s12;
	s9 =	sadd.s32 $0x2800, s12;
	v2 =	vsel vm10, $0x6E, v2;
	v63 =	vsel vm7, $0x6B, v0;
	v0 =	vimm.s32 $0x6E  }
0x57: {  	s10 =	sadd.s32 $0x3000, s12;
	s11 =	sadd.s32 $0x3800, s12;
	s12 =	sadd.s32 $0x4000, s12;
	v4 =	vimm.s32 $0x71;
	v6 =	vnsel vm0, $0x73, v6;
	v0 =	vsel vm9, $0x6C, v0  }
0x58: {  	_ =	strace $0x80000047;
	[dreg:$0x4] =	wrdreg s2;
	s2 =	simm.s32 $0x480;
	v4 =	vsel vm1, $0x70, v4;
	v6 =	vsel vm2, $0x72, v6;
	v0 =	vsel vm8, $0x6D, v0  }
.LBB2_1:
0x59: {  	s1 =	rddreg [dreg:$0x4]  }
0x5a: {  	[tilespmem:s3], [sflag:$0x3] =	stream.linear.gather [hbm4b:s1+s3], $0x80, $0x38;
	[tilespmem:$0x18500] =	vst v63  }
0x5b: {  	_ =	swait.ge [sflag:s14], $0x80  }
0x5c: {  	v25 =	vld [tilespmem:$0x1FEF0];
	_ =	sdelay $0x5  }
0x5d: {  	[sflag:s14] =	ssyncset.done $0x0  }
0x5e: {  	[sflag:s14] =	ssyncadd.s32 $0xFFFFFF80  }
0x5f: {  	v25 =	vld.idx.msk [tilespmem:v25+s3+$0x0], $0xffff;
	_ =	sdelay $0x4  }
0x60: {  	v25 =	vmul.u32 $0x9, v25;
	_ =	sdelay $0x1  }
0x61: {  	v25 =	vadd.s32 v1, v25  }
0x62: {  	[tilespmem:$0x80] =	vst v25;
	v25 =	vld [tilespmem:$0x1FF00];
	_ =	sdelay $0x7  }
0x63: {  	v25 =	vld.idx.msk [tilespmem:v25+s3+$0x0], $0xffff;
	_ =	sdelay $0x4  }
0x64: {  	v25 =	vmul.u32 $0x9, v25;
	_ =	sdelay $0x1  }
0x65: {  	v25 =	vadd.s32 v3, v25  }
0x66: {  	[tilespmem:$0x90] =	vst v25;
	v25 =	vld [tilespmem:$0x1FF10];
	_ =	sdelay $0x7  }
0x67: {  	v25 =	vld.idx.msk [tilespmem:v25+s3+$0x0], $0xffff;
	_ =	sdelay $0x4  }
0x68: {  	v25 =	vmul.u32 $0x9, v25;
	_ =	sdelay $0x1  }
0x69: {  	v25 =	vadd.s32 v5, v25  }
0x6a: {  	[tilespmem:$0xA0] =	vst v25;
	v25 =	vld [tilespmem:$0x1FF20];
	_ =	sdelay $0x7  }
0x6b: {  	v25 =	vld.idx.msk [tilespmem:v25+s3+$0x0], $0xffff;
	_ =	sdelay $0x4  }
0x6c: {  	v25 =	vmul.u32 $0x9, v25;
	_ =	sdelay $0x1  }
0x6d: {  	v25 =	vadd.s32 v7, v25  }
0x6e: {  	[tilespmem:$0xB0] =	vst v25  }
0x6f: {  	v25 =	vld.idx.msk [tilespmem:v20+s3+$0x0], $0xffff;
	_ =	sdelay $0x4  }
0x70: {  	v25 =	vmul.u32 $0x9, v25;
	_ =	sdelay $0x1  }
0x71: {  	v25 =	vadd.s32 v9, v25  }
0x72: {  	[tilespmem:$0xC0] =	vst v25;
	v25 =	vld [tilespmem:$0x1FF30];
	_ =	sdelay $0x7  }
0x73: {  	v25 =	vld.idx.msk [tilespmem:v25+s3+$0x0], $0xffff;
	_ =	sdelay $0x4  }
0x74: {  	v25 =	vmul.u32 $0x9, v25;
	_ =	sdelay $0x1  }
0x75: {  	v25 =	vadd.s32 v11, v25  }
0x76: {  	[tilespmem:$0xD0] =	vst v25;
	v25 =	vld [tilespmem:$0x1FF40];
	_ =	sdelay $0x7  }
0x77: {  	v25 =	vld.idx.msk [tilespmem:v25+s3+$0x0], $0xffff;
	_ =	sdelay $0x4  }
0x78: {  	v25 =	vmul.u32 $0x9, v25;
	_ =	sdelay $0x1  }
0x79: {  	v25 =	vadd.s32 v13, v25  }
0x7a: {  	[tilespmem:$0xE0] =	vst v25;
	v25 =	vld [tilespmem:$0x1FF50];
	_ =	sdelay $0x7  }
0x7b: {  	v25 =	vld.idx.msk [tilespmem:v25+s3+$0x0], $0xffff;
	_ =	sdelay $0x4  }
0x7c: {  	v25 =	vmul.u32 $0x9, v25;
	_ =	sdelay $0x1  }
0x7d: {  	v25 =	vadd.s32 v15, v25  }
0x7e: {  	[tilespmem:$0xF0] =	vst v25;
	v25 =	vld [tilespmem:$0x1FF60];
	_ =	sdelay $0x7  }
0x7f: {  	v25 =	vld.idx.msk [tilespmem:v25+s3+$0x0], $0xffff;
	_ =	sdelay $0x4  }
0x80: {  	v25 =	vmul.u32 $0x9, v25;
	_ =	sdelay $0x1  }
0x81: {  	v25 =	vadd.s32 v17, v25  }
0x82: {  	[tilespmem:$0x100] =	vst v25;
	v25 =	vld [tilespmem:$0x1FF70];
	_ =	sdelay $0x7  }
0x83: {  	v25 =	vld.idx.msk [tilespmem:v25+s3+$0x0], $0xffff;
	_ =	sdelay $0x4  }
0x84: {  	v25 =	vmul.u32 $0x9, v25;
	_ =	sdelay $0x1  }
0x85: {  	v25 =	vadd.s32 v1, v25  }
0x86: {  	[tilespmem:$0x110] =	vst v25;
	v25 =	vld [tilespmem:$0x1FF80];
	_ =	sdelay $0x7  }
0x87: {  	v25 =	vld.idx.msk [tilespmem:v25+s3+$0x0], $0xffff;
	_ =	sdelay $0x4  }
0x88: {  	v25 =	vmul.u32 $0x9, v25;
	_ =	sdelay $0x1  }
0x89: {  	v25 =	vadd.s32 v3, v25  }
0x8a: {  	[tilespmem:$0x120] =	vst v25;
	v25 =	vld [tilespmem:$0x1FF90];
	_ =	sdelay $0x7  }
0x8b: {  	v25 =	vld.idx.msk [tilespmem:v25+s3+$0x0], $0xffff;
	_ =	sdelay $0x4  }
0x8c: {  	v25 =	vmul.u32 $0x9, v25;
	_ =	sdelay $0x1  }
0x8d: {  	v25 =	vadd.s32 v5, v25  }
0x8e: {  	[tilespmem:$0x130] =	vst v25;
	v25 =	vld [tilespmem:$0x1FFA0];
	_ =	sdelay $0x7  }
0x8f: {  	v25 =	vld.idx.msk [tilespmem:v25+s3+$0x0], $0xffff;
	_ =	sdelay $0x4  }
0x90: {  	v25 =	vmul.u32 $0x9, v25;
	_ =	sdelay $0x1  }
0x91: {  	v25 =	vadd.s32 v7, v25  }
0x92: {  	[tilespmem:$0x140] =	vst v25  }
0x93: {  	v25 =	vld.idx.msk [tilespmem:v21+s3+$0x0], $0xffff;
	_ =	sdelay $0x4  }
0x94: {  	v25 =	vmul.u32 $0x9, v25;
	_ =	sdelay $0x1  }
0x95: {  	v25 =	vadd.s32 v9, v25  }
0x96: {  	[tilespmem:$0x150] =	vst v25;
	v25 =	vld [tilespmem:$0x1FFB0];
	_ =	sdelay $0x7  }
0x97: {  	v25 =	vld.idx.msk [tilespmem:v25+s3+$0x0], $0xffff;
	_ =	sdelay $0x4  }
0x98: {  	v25 =	vmul.u32 $0x9, v25;
	_ =	sdelay $0x1  }
0x99: {  	v25 =	vadd.s32 v11, v25  }
0x9a: {  	[tilespmem:$0x160] =	vst v25;
	v25 =	vld [tilespmem:$0x1FFC0];
	_ =	sdelay $0x7  }
0x9b: {  	v25 =	vld.idx.msk [tilespmem:v25+s3+$0x0], $0xffff;
	_ =	sdelay $0x4  }
0x9c: {  	v25 =	vmul.u32 $0x9, v25;
	_ =	sdelay $0x1  }
0x9d: {  	v25 =	vadd.s32 v13, v25  }
0x9e: {  	[tilespmem:$0x170] =	vst v25;
	v25 =	vld [tilespmem:$0x1FFD0];
	_ =	sdelay $0x7  }
0x9f: {  	v25 =	vld.idx.msk [tilespmem:v25+s3+$0x0], $0xffff;
	_ =	sdelay $0x4  }
0xa0: {  	v25 =	vmul.u32 $0x9, v25;
	_ =	sdelay $0x1  }
0xa1: {  	v25 =	vadd.s32 v15, v25  }
0xa2: {  	[tilespmem:$0x180] =	vst v25;
	v25 =	vld [tilespmem:$0x1FFE0];
	_ =	sdelay $0x7  }
0xa3: {  	v25 =	vld.idx.msk [tilespmem:v25+s3+$0x0], $0xffff;
	_ =	sdelay $0x4  }
0xa4: {  	v25 =	vmul.u32 $0x9, v25;
	_ =	sdelay $0x1  }
0xa5: {  	v25 =	vadd.s32 v17, v25  }
0xa6: {  	[tilespmem:$0x190] =	vst v25;
	v25 =	vld [tilespmem:$0x1FFF0];
	_ =	sdelay $0x7  }
0xa7: {  	v25 =	vld.idx.msk [tilespmem:v25+s3+$0x0], $0xffff;
	_ =	sdelay $0x4  }
0xa8: {  	v25 =	vmul.u32 $0x9, v25;
	_ =	sdelay $0x1  }
0xa9: {  	v25 =	vadd.s32 v1, v25  }
0xaa: {  	[tilespmem:$0x1A0] =	vst v25  }
0xab: {  	v25 =	vld.idx.msk [tilespmem:v27+s3+$0x0], $0xffff;
	_ =	sdelay $0x4  }
0xac: {  	v25 =	vmul.u32 $0x9, v25;
	_ =	sdelay $0x1  }
0xad: {  	v25 =	vadd.s32 v3, v25  }
0xae: {  	[tilespmem:$0x1B0] =	vst v25  }
0xaf: {  	v25 =	vld.idx.msk [tilespmem:v28+s3+$0x0], $0xffff;
	_ =	sdelay $0x4  }
0xb0: {  	v25 =	vmul.u32 $0x9, v25;
	_ =	sdelay $0x1  }
0xb1: {  	v25 =	vadd.s32 v5, v25  }
0xb2: {  	[tilespmem:$0x1C0] =	vst v25  }
0xb3: {  	v25 =	vld.idx.msk [tilespmem:v29+s3+$0x0], $0xffff;
	_ =	sdelay $0x4  }
0xb4: {  	v25 =	vmul.u32 $0x9, v25;
	_ =	sdelay $0x1  }
0xb5: {  	v25 =	vadd.s32 v7, v25  }
0xb6: {  	[tilespmem:$0x1D0] =	vst v25  }
0xb7: {  	v25 =	vld.idx.msk [tilespmem:v22+s3+$0x0], $0xffff;
	_ =	sdelay $0x4  }
0xb8: {  	v25 =	vmul.u32 $0x9, v25;
	_ =	sdelay $0x1  }
0xb9: {  	v25 =	vadd.s32 v9, v25  }
0xba: {  	[tilespmem:$0x1E0] =	vst v25  }
0xbb: {  	v25 =	vld.idx.msk [tilespmem:v30+s3+$0x0], $0xffff;
	_ =	sdelay $0x4  }
0xbc: {  	v25 =	vmul.u32 $0x9, v25;
	_ =	sdelay $0x1  }
0xbd: {  	v25 =	vadd.s32 v11, v25  }
0xbe: {  	[tilespmem:$0x1F0] =	vst v25  }
0xbf: {  	v25 =	vld.idx.msk [tilespmem:v31+s3+$0x0], $0xffff;
	_ =	sdelay $0x4  }
0xc0: {  	v25 =	vmul.u32 $0x9, v25;
	_ =	sdelay $0x1  }
0xc1: {  	v25 =	vadd.s32 v13, v25  }
0xc2: {  	[tilespmem:$0x200] =	vst v25  }
0xc3: {  	v25 =	vld.idx.msk [tilespmem:v32+s3+$0x0], $0xffff;
	_ =	sdelay $0x4  }
0xc4: {  	v25 =	vmul.u32 $0x9, v25;
	_ =	sdelay $0x1  }
0xc5: {  	v25 =	vadd.s32 v15, v25  }
0xc6: {  	[tilespmem:$0x210] =	vst v25  }
0xc7: {  	v25 =	vld.idx.msk [tilespmem:v33+s3+$0x0], $0xffff;
	_ =	sdelay $0x4  }
0xc8: {  	v25 =	vmul.u32 $0x9, v25;
	_ =	sdelay $0x1  }
0xc9: {  	v25 =	vadd.s32 v17, v25  }
0xca: {  	[tilespmem:$0x220] =	vst v25  }
0xcb: {  	v25 =	vld.idx.msk [tilespmem:v34+s3+$0x0], $0xffff;
	_ =	sdelay $0x4  }
0xcc: {  	v25 =	vmul.u32 $0x9, v25;
	_ =	sdelay $0x1  }
0xcd: {  	v25 =	vadd.s32 v1, v25  }
0xce: {  	[tilespmem:$0x230] =	vst v25  }
0xcf: {  	v25 =	vld.idx.msk [tilespmem:v35+s3+$0x0], $0xffff;
	_ =	sdelay $0x4  }
0xd0: {  	v25 =	vmul.u32 $0x9, v25;
	_ =	sdelay $0x1  }
0xd1: {  	v25 =	vadd.s32 v3, v25  }
0xd2: {  	[tilespmem:$0x240] =	vst v25  }
0xd3: {  	v25 =	vld.idx.msk [tilespmem:v36+s3+$0x0], $0xffff;
	_ =	sdelay $0x4  }
0xd4: {  	v25 =	vmul.u32 $0x9, v25;
	_ =	sdelay $0x1  }
0xd5: {  	v25 =	vadd.s32 v5, v25  }
0xd6: {  	[tilespmem:$0x250] =	vst v25  }
0xd7: {  	v25 =	vld.idx.msk [tilespmem:v37+s3+$0x0], $0xffff;
	_ =	sdelay $0x4  }
0xd8: {  	v25 =	vmul.u32 $0x9, v25;
	_ =	sdelay $0x1  }
0xd9: {  	v25 =	vadd.s32 v7, v25  }
0xda: {  	[tilespmem:$0x260] =	vst v25  }
0xdb: {  	v25 =	vld.idx.msk [tilespmem:v23+s3+$0x0], $0xffff;
	_ =	sdelay $0x4  }
0xdc: {  	v25 =	vmul.u32 $0x9, v25;
	_ =	sdelay $0x1  }
0xdd: {  	v25 =	vadd.s32 v9, v25  }
0xde: {  	[tilespmem:$0x270] =	vst v25  }
0xdf: {  	v25 =	vld.idx.msk [tilespmem:v38+s3+$0x0], $0xffff;
	_ =	sdelay $0x4  }
0xe0: {  	v25 =	vmul.u32 $0x9, v25;
	_ =	sdelay $0x1  }
0xe1: {  	v25 =	vadd.s32 v11, v25  }
0xe2: {  	[tilespmem:$0x280] =	vst v25  }
0xe3: {  	v25 =	vld.idx.msk [tilespmem:v39+s3+$0x0], $0xffff;
	_ =	sdelay $0x4  }
0xe4: {  	v25 =	vmul.u32 $0x9, v25;
	_ =	sdelay $0x1  }
0xe5: {  	v25 =	vadd.s32 v13, v25  }
0xe6: {  	[tilespmem:$0x290] =	vst v25  }
0xe7: {  	v25 =	vld.idx.msk [tilespmem:v40+s3+$0x0], $0xffff;
	_ =	sdelay $0x4  }
0xe8: {  	v25 =	vmul.u32 $0x9, v25;
	_ =	sdelay $0x1  }
0xe9: {  	v25 =	vadd.s32 v15, v25  }
0xea: {  	[tilespmem:$0x2A0] =	vst v25  }
0xeb: {  	v25 =	vld.idx.msk [tilespmem:v41+s3+$0x0], $0xffff;
	_ =	sdelay $0x4  }
0xec: {  	v25 =	vmul.u32 $0x9, v25;
	_ =	sdelay $0x1  }
0xed: {  	v25 =	vadd.s32 v17, v25  }
0xee: {  	[tilespmem:$0x2B0] =	vst v25  }
0xef: {  	v25 =	vld.idx.msk [tilespmem:v42+s3+$0x0], $0xffff;
	_ =	sdelay $0x4  }
0xf0: {  	v25 =	vmul.u32 $0x9, v25;
	_ =	sdelay $0x1  }
0xf1: {  	v25 =	vadd.s32 v1, v25  }
0xf2: {  	[tilespmem:$0x2C0] =	vst v25  }
0xf3: {  	v25 =	vld.idx.msk [tilespmem:v43+s3+$0x0], $0xffff;
	_ =	sdelay $0x4  }
0xf4: {  	v25 =	vmul.u32 $0x9, v25;
	_ =	sdelay $0x1  }
0xf5: {  	v25 =	vadd.s32 v3, v25  }
0xf6: {  	[tilespmem:$0x2D0] =	vst v25  }
0xf7: {  	v25 =	vld.idx.msk [tilespmem:v44+s3+$0x0], $0xffff;
	_ =	sdelay $0x4  }
0xf8: {  	v25 =	vmul.u32 $0x9, v25;
	_ =	sdelay $0x1  }
0xf9: {  	v25 =	vadd.s32 v5, v25  }
0xfa: {  	[tilespmem:$0x2E0] =	vst v25  }
0xfb: {  	v25 =	vld.idx.msk [tilespmem:v45+s3+$0x0], $0xffff;
	_ =	sdelay $0x4  }
0xfc: {  	v25 =	vmul.u32 $0x9, v25;
	_ =	sdelay $0x1  }
0xfd: {  	v25 =	vadd.s32 v7, v25  }
0xfe: {  	[tilespmem:$0x2F0] =	vst v25  }
0xff: {  	v25 =	vld.idx.msk [tilespmem:v24+s3+$0x0], $0xffff;
	_ =	sdelay $0x4  }
0x100: {  	v25 =	vmul.u32 $0x9, v25;
	_ =	sdelay $0x1  }
0x101: {  	v25 =	vadd.s32 v9, v25  }
0x102: {  	[tilespmem:$0x300] =	vst v25  }
0x103: {  	v25 =	vld.idx.msk [tilespmem:v46+s3+$0x0], $0xffff;
	_ =	sdelay $0x4  }
0x104: {  	v25 =	vmul.u32 $0x9, v25;
	_ =	sdelay $0x1  }
0x105: {  	v25 =	vadd.s32 v11, v25  }
0x106: {  	[tilespmem:$0x310] =	vst v25  }
0x107: {  	v25 =	vld.idx.msk [tilespmem:v47+s3+$0x0], $0xffff;
	_ =	sdelay $0x4  }
0x108: {  	v25 =	vmul.u32 $0x9, v25;
	_ =	sdelay $0x1  }
0x109: {  	v25 =	vadd.s32 v13, v25  }
0x10a: {  	[tilespmem:$0x320] =	vst v25  }
0x10b: {  	v25 =	vld.idx.msk [tilespmem:v48+s3+$0x0], $0xffff;
	_ =	sdelay $0x4  }
0x10c: {  	v25 =	vmul.u32 $0x9, v25;
	_ =	sdelay $0x1  }
0x10d: {  	v25 =	vadd.s32 v15, v25  }
0x10e: {  	[tilespmem:$0x330] =	vst v25  }
0x10f: {  	v25 =	vld.idx.msk [tilespmem:v49+s3+$0x0], $0xffff;
	_ =	sdelay $0x4  }
0x110: {  	v25 =	vmul.u32 $0x9, v25;
	_ =	sdelay $0x1  }
0x111: {  	v25 =	vadd.s32 v17, v25  }
0x112: {  	[tilespmem:$0x340] =	vst v25  }
0x113: {  	v25 =	vld.idx.msk [tilespmem:v50+s3+$0x0], $0xffff;
	_ =	sdelay $0x4  }
0x114: {  	v25 =	vmul.u32 $0x9, v25;
	_ =	sdelay $0x1  }
0x115: {  	v25 =	vadd.s32 v1, v25  }
0x116: {  	[tilespmem:$0x350] =	vst v25  }
0x117: {  	v25 =	vld.idx.msk [tilespmem:v51+s3+$0x0], $0xffff;
	_ =	sdelay $0x4  }
0x118: {  	v25 =	vmul.u32 $0x9, v25;
	_ =	sdelay $0x1  }
0x119: {  	v25 =	vadd.s32 v3, v25  }
0x11a: {  	[tilespmem:$0x360] =	vst v25  }
0x11b: {  	v25 =	vld.idx.msk [tilespmem:v52+s3+$0x0], $0xffff;
	_ =	sdelay $0x4  }
0x11c: {  	v25 =	vmul.u32 $0x9, v25;
	_ =	sdelay $0x1  }
0x11d: {  	v25 =	vadd.s32 v5, v25  }
0x11e: {  	[tilespmem:$0x370] =	vst v25  }
0x11f: {  	v25 =	vld.idx.msk [tilespmem:v53+s3+$0x0], $0xffff;
	_ =	sdelay $0x3  }
0x120: {  	v26 =	vadd.s32 $0x57, v8  }
0x121: {  	v25 =	vmul.u32 $0x9, v25;
	_ =	sdelay $0x1  }
0x122: {  	v25 =	vadd.s32 v7, v25  }
0x123: {  	[tilespmem:$0x380] =	vst v25  }
0x124: {  	v25 =	vld.idx.msk [tilespmem:v26+s3+$0x0], $0xffff;
	_ =	sdelay $0x4  }
0x125: {  	v25 =	vmul.u32 $0x9, v25;
	_ =	sdelay $0x1  }
0x126: {  	v25 =	vadd.s32 v9, v25  }
0x127: {  	[tilespmem:$0x390] =	vst v25  }
0x128: {  	v25 =	vld.idx.msk [tilespmem:v54+s3+$0x0], $0xffff;
	_ =	sdelay $0x4  }
0x129: {  	v25 =	vmul.u32 $0x9, v25;
	_ =	sdelay $0x1  }
0x12a: {  	v25 =	vadd.s32 v11, v25  }
0x12b: {  	[tilespmem:$0x3A0] =	vst v25  }
0x12c: {  	v25 =	vld.idx.msk [tilespmem:v55+s3+$0x0], $0xffff;
	_ =	sdelay $0x4  }
0x12d: {  	v25 =	vmul.u32 $0x9, v25;
	_ =	sdelay $0x1  }
0x12e: {  	v25 =	vadd.s32 v13, v25  }
0x12f: {  	[tilespmem:$0x3B0] =	vst v25  }
0x130: {  	v25 =	vld.idx.msk [tilespmem:v56+s3+$0x0], $0xffff;
	_ =	sdelay $0x4  }
0x131: {  	v25 =	vmul.u32 $0x9, v25;
	_ =	sdelay $0x1  }
0x132: {  	v25 =	vadd.s32 v15, v25  }
0x133: {  	[tilespmem:$0x3C0] =	vst v25  }
0x134: {  	v25 =	vld.idx.msk [tilespmem:v57+s3+$0x0], $0xffff;
	_ =	sdelay $0x4  }
0x135: {  	v25 =	vmul.u32 $0x9, v25;
	_ =	sdelay $0x1  }
0x136: {  	v25 =	vadd.s32 v17, v25  }
0x137: {  	[tilespmem:$0x3D0] =	vst v25  }
0x138: {  	v25 =	vld.idx.msk [tilespmem:v58+s3+$0x0], $0xffff;
	_ =	sdelay $0x4  }
0x139: {  	v25 =	vmul.u32 $0x9, v25;
	_ =	sdelay $0x1  }
0x13a: {  	v25 =	vadd.s32 v1, v25  }
0x13b: {  	[tilespmem:$0x3E0] =	vst v25  }
0x13c: {  	v25 =	vld.idx.msk [tilespmem:v59+s3+$0x0], $0xffff;
	_ =	sdelay $0x4  }
0x13d: {  	v25 =	vmul.u32 $0x9, v25;
	_ =	sdelay $0x1  }
0x13e: {  	v25 =	vadd.s32 v3, v25  }
0x13f: {  	[tilespmem:$0x3F0] =	vst v25  }
0x140: {  	v25 =	vld.idx.msk [tilespmem:v60+s3+$0x0], $0xffff;
	_ =	sdelay $0x4  }
0x141: {  	v25 =	vmul.u32 $0x9, v25;
	_ =	sdelay $0x1  }
0x142: {  	v25 =	vadd.s32 v5, v25  }
0x143: {  	[tilespmem:$0x400] =	vst v25  }
0x144: {  	v25 =	vld.idx.msk [tilespmem:v61+s3+$0x0], $0xffff;
	_ =	sdelay $0x3  }
0x145: {  	v26 =	vadd.s32 $0x67, v8  }
0x146: {  	v25 =	vmul.u32 $0x9, v25;
	_ =	sdelay $0x1  }
0x147: {  	v25 =	vadd.s32 v7, v25  }
0x148: {  	[tilespmem:$0x410] =	vst v25  }
0x149: {  	v25 =	vld.idx.msk [tilespmem:v26+s3+$0x0], $0xffff;
	_ =	sdelay $0x4  }
0x14a: {  	v25 =	vmul.u32 $0x9, v25;
	_ =	sdelay $0x1  }
0x14b: {  	v25 =	vadd.s32 v9, v25  }
0x14c: {  	[tilespmem:$0x420] =	vst v25  }
0x14d: {  	v25 =	vld.idx.msk [tilespmem:v62+s3+$0x0], $0xffff;
	_ =	sdelay $0x4  }
0x14e: {  	v25 =	vmul.u32 $0x9, v25;
	_ =	sdelay $0x1  }
0x14f: {  	v25 =	vadd.s32 v11, v25  }
0x150: {  	[tilespmem:$0x430] =	vst v25  }
0x151: {  	v25 =	vld.idx.msk [tilespmem:v63+s3+$0x0], $0xffff;
	_ =	sdelay $0x4  }
0x152: {  	v25 =	vmul.u32 $0x9, v25;
	_ =	sdelay $0x1  }
0x153: {  	v25 =	vadd.s32 v13, v25  }
0x154: {  	[tilespmem:$0x440] =	vst v25  }
0x155: {  	v25 =	vld.idx.msk [tilespmem:v0+s3+$0x0], $0xffff;
	_ =	sdelay $0x4  }
0x156: {  	v25 =	vmul.u32 $0x9, v25;
	_ =	sdelay $0x1  }
0x157: {  	v25 =	vadd.s32 v15, v25  }
0x158: {  	[tilespmem:$0x450] =	vst v25  }
0x159: {  	v25 =	vld.idx.msk [tilespmem:v2+s3+$0x0], $0xffff;
	_ =	sdelay $0x4  }
0x15a: {  	v25 =	vmul.u32 $0x9, v25;
	_ =	sdelay $0x1  }
0x15b: {  	v25 =	vadd.s32 v17, v25  }
0x15c: {  	[tilespmem:$0x460] =	vst v25  }
0x15d: {  	v25 =	vld.idx.msk [tilespmem:v4+s3+$0x0], $0xffff;
	_ =	sdelay $0x4  }
0x15e: {  	v25 =	vmul.u32 $0x9, v25;
	_ =	sdelay $0x1  }
0x15f: {  	v25 =	vadd.s32 v1, v25  }
0x160: {  	[tilespmem:$0x470] =	vst v25  }
0x161: {  	v25 =	vld.idx.msk [tilespmem:v6+s3+$0x0], $0xffff;
	_ =	sdelay $0x4  }
0x162: {  	v25 =	vmul.u32 $0x9, v25;
	_ =	sdelay $0x1  }
0x163: {  	v25 =	vadd.s32 v3, v25  }
0x164: {  	[tilespmem:$0x480] =	vst v25  }
0x165: {  	v25 =	vld.idx.msk [tilespmem:v10+s3+$0x0], $0xffff;
	_ =	sdelay $0x4  }
0x166: {  	v25 =	vmul.u32 $0x9, v25;
	_ =	sdelay $0x1  }
0x167: {  	v25 =	vadd.s32 v5, v25  }
0x168: {  	[tilespmem:$0x490] =	vst v25  }
0x169: {  	v25 =	vld.idx.msk [tilespmem:v12+s3+$0x0], $0xffff;
	_ =	sdelay $0x3  }
0x16a: {  	v26 =	vadd.s32 $0x77, v8  }
0x16b: {  	v25 =	vmul.u32 $0x9, v25;
	_ =	sdelay $0x1  }
0x16c: {  	v25 =	vadd.s32 v7, v25  }
0x16d: {  	[tilespmem:$0x4A0] =	vst v25  }
0x16e: {  	v25 =	vld.idx.msk [tilespmem:v26+s3+$0x0], $0xffff;
	_ =	sdelay $0x4  }
0x16f: {  	v25 =	vmul.u32 $0x9, v25;
	_ =	sdelay $0x1  }
0x170: {  	v25 =	vadd.s32 v9, v25  }
0x171: {  	[tilespmem:$0x4B0] =	vst v25  }
0x172: {  	v25 =	vld.idx.msk [tilespmem:v14+s3+$0x0], $0xffff;
	_ =	sdelay $0x4  }
0x173: {  	v25 =	vmul.u32 $0x9, v25;
	_ =	sdelay $0x1  }
0x174: {  	v25 =	vadd.s32 v11, v25  }
0x175: {  	[tilespmem:$0x4C0] =	vst v25  }
0x176: {  	v25 =	vld.idx.msk [tilespmem:v16+s3+$0x0], $0xffff;
	_ =	sdelay $0x4  }
0x177: {  	v25 =	vmul.u32 $0x9, v25;
	_ =	sdelay $0x1  }
0x178: {  	v25 =	vadd.s32 v13, v25  }
0x179: {  	[tilespmem:$0x4D0] =	vst v25  }
0x17a: {  	v25 =	vld.idx.msk [tilespmem:v18+s3+$0x0], $0xffff;
	_ =	sdelay $0x4  }
0x17b: {  	v25 =	vmul.u32 $0x9, v25;
	_ =	sdelay $0x1  }
0x17c: {  	v25 =	vadd.s32 v15, v25  }
0x17d: {  	[tilespmem:$0x4E0] =	vst v25  }
0x17e: {  	v25 =	vld.idx.msk [tilespmem:v19+s3+$0x0], $0xffff;
	_ =	sdelay $0x4  }
0x17f: {  	v25 =	vmul.u32 $0x9, v25;
	_ =	sdelay $0x1  }
0x180: {  	v25 =	vadd.s32 v17, v25  }
0x181: {  	[tilespmem:$0x4F0] =	vst v25  }
0x182: {  	[tilespmem:s16], [sflag:$0x1] =	stream.indirect.gather [hbm4b:s0+s15], $0x80, s15, s15, $0xb8;
	[tilespmem:$0x18500] =	vst v63  }
0x183: {  	_ = 	snop  }
0x184: {  	[tilespmem:s18], [sflag:$0x1] =	stream.indirect.gather [hbm4b:s0+s15], $0x80, s17, s15, $0xb8;
	[tilespmem:$0x18500] =	vst v63  }
0x185: {  	_ = 	snop  }
0x186: {  	[tilespmem:s20], [sflag:$0x1] =	stream.indirect.gather [hbm4b:s0+s15], $0x80, s19, s15, $0xb8;
	[tilespmem:$0x18500] =	vst v63  }
0x187: {  	_ = 	snop  }
0x188: {  	[tilespmem:s22], [sflag:$0x1] =	stream.indirect.gather [hbm4b:s0+s15], $0x80, s21, s15, $0xb8;
	[tilespmem:$0x18500] =	vst v63  }
0x189: {  	_ =	swait.ge [sflag:s23], $0x4000  }
0x18a: {  	[sflag:s23] =	ssyncset.done $0x0  }
0x18b: {  	[sflag:s23] =	ssyncadd.s32 $0xFFFFC000  }
0x18c: {  	[hbm4b:s8+s3] =	stream.linear.scatter [tilespmem:s16], [sflag:$0x2], $0x4000, $0x38;
	[tilespmem:$0x18500] =	vst v63  }
0x18d: {  	_ = 	snop  }
0x18e: {  	[tilespmem:s25], [sflag:$0x1] =	stream.indirect.gather [hbm4b:s0+s15], $0x80, s24, s15, $0xb8;
	[tilespmem:$0x18500] =	vst v63  }
0x18f: {  	_ =	swait.ge [sflag:s23], $0x4000  }
0x190: {  	[sflag:s23] =	ssyncset.done $0x0  }
0x191: {  	[sflag:s23] =	ssyncadd.s32 $0xFFFFC000  }
0x192: {  	[hbm4b:s4+s3] =	stream.linear.scatter [tilespmem:s18], [sflag:$0x2], $0x4000, $0x38;
	[tilespmem:$0x18500] =	vst v63  }
0x193: {  	_ = 	snop  }
0x194: {  	[tilespmem:s28], [sflag:$0x1] =	stream.indirect.gather [hbm4b:s0+s15], $0x80, s26, s15, $0xb8;
	[tilespmem:$0x18500] =	vst v63  }
0x195: {  	_ =	swait.ge [sflag:s23], $0x4000  }
0x196: {  	[sflag:s23] =	ssyncset.done $0x0  }
0x197: {  	[sflag:s23] =	ssyncadd.s32 $0xFFFFC000  }
0x198: {  	[hbm4b:s5+s3] =	stream.linear.scatter [tilespmem:s20], [sflag:$0x2], $0x4000, $0x38;
	[tilespmem:$0x18500] =	vst v63  }
0x199: {  	_ =	swait.ge [sflag:s29], $0x4000  }
0x19a: {  	[sflag:s29] =	ssyncset.done $0x0  }
0x19b: {  	[sflag:s29] =	ssyncadd.s32 $0xFFFFC000  }
0x19c: {  	[tilespmem:s16], [sflag:$0x1] =	stream.indirect.gather [hbm4b:s0+s15], $0x80, s30, s15, $0xb8;
	[tilespmem:$0x18500] =	vst v63  }
0x19d: {  	_ =	swait.ge [sflag:s23], $0x4000  }
0x19e: {  	[sflag:s23] =	ssyncset.done $0x0  }
0x19f: {  	[sflag:s23] =	ssyncadd.s32 $0xFFFFC000  }
0x1a0: {  	[hbm4b:s6+s3] =	stream.linear.scatter [tilespmem:s22], [sflag:$0x2], $0x4000, $0x38;
	[tilespmem:$0x18500] =	vst v63  }
0x1a1: {  	_ =	swait.ge [sflag:s29], $0x4000  }
0x1a2: {  	[sflag:s29] =	ssyncset.done $0x0  }
0x1a3: {  	[sflag:s29] =	ssyncadd.s32 $0xFFFFC000  }
0x1a4: {  	[tilespmem:s18], [sflag:$0x1] =	stream.indirect.gather [hbm4b:s0+s15], $0x80, s31, s15, $0xb8;
	[tilespmem:$0x18500] =	vst v63  }
0x1a5: {  	_ =	swait.ge [sflag:s23], $0x4000  }
0x1a6: {  	[sflag:s23] =	ssyncset.done $0x0  }
0x1a7: {  	[sflag:s23] =	ssyncadd.s32 $0xFFFFC000  }
0x1a8: {  	[hbm4b:s7+s3] =	stream.linear.scatter [tilespmem:s25], [sflag:$0x2], $0x4000, $0x38;
	[tilespmem:$0x18500] =	vst v63  }
0x1a9: {  	_ =	swait.ge [sflag:s29], $0x4000  }
0x1aa: {  	[sflag:s29] =	ssyncset.done $0x0  }
0x1ab: {  	[sflag:s29] =	ssyncadd.s32 $0xFFFFC000  }
0x1ac: {  	[tilespmem:s20], [sflag:$0x1] =	stream.indirect.gather [hbm4b:s0+s15], $0x80, s2, s15, $0xb8;
	[tilespmem:$0x18500] =	vst v63  }
0x1ad: {  	_ =	swait.ge [sflag:s23], $0x4000  }
0x1ae: {  	[sflag:s23] =	ssyncset.done $0x0  }
0x1af: {  	[sflag:s23] =	ssyncadd.s32 $0xFFFFC000  }
0x1b0: {  	[hbm4b:s9+s3] =	stream.linear.scatter [tilespmem:s28], [sflag:$0x2], $0x4000, $0x38;
	[tilespmem:$0x18500] =	vst v63  }
0x1b1: {  	_ =	swait.ge [sflag:s23], $0x4000  }
0x1b2: {  	[sflag:s23] =	ssyncset.done $0x0  }
0x1b3: {  	[sflag:s23] =	ssyncadd.s32 $0xFFFFC000  }
0x1b4: {  	[hbm4b:s10+s3] =	stream.linear.scatter [tilespmem:s16], [sflag:$0x2], $0x4000, $0x38;
	[tilespmem:$0x18500] =	vst v63  }
0x1b5: {  	_ =	swait.ge [sflag:s23], $0x4000  }
0x1b6: {  	[sflag:s23] =	ssyncset.done $0x0  }
0x1b7: {  	[sflag:s23] =	ssyncadd.s32 $0xFFFFC000  }
0x1b8: {  	[hbm4b:s11+s3] =	stream.linear.scatter [tilespmem:s18], [sflag:$0x2], $0x4000, $0x38;
	[tilespmem:$0x18500] =	vst v63  }
0x1b9: {  	_ =	swait.ge [sflag:s23], $0x4000  }
0x1ba: {  	[sflag:s23] =	ssyncset.done $0x0  }
0x1bb: {  	[sflag:s23] =	ssyncadd.s32 $0xFFFFC000  }
0x1bc: {  	[hbm4b:s12+s3] =	stream.linear.scatter [tilespmem:s20], [sflag:$0x2], $0x4000, $0x38;
	[tilespmem:$0x18500] =	vst v63  }
0x1bd: {  	_ =	swait.ge [sflag:s29], $0x4000  }
0x1be: {  	[sflag:s29] =	ssyncset.done $0x0  }
0x1bf: {  	[sflag:s29] =	ssyncadd.s32 $0xFFFFC000  }
0x1c0: {  	_ =	swait.ge [sflag:s29], $0x4000  }
0x1c1: {  	[sflag:s29] =	ssyncset.done $0x0  }
0x1c2: {  	[sflag:s29] =	ssyncadd.s32 $0xFFFFC000  }
0x1c3: {  	_ =	swait.ge [sflag:s29], $0x4000  }
0x1c4: {  	[sflag:s29] =	ssyncset.done $0x0  }
0x1c5: {  	[sflag:s29] =	ssyncadd.s32 $0xFFFFC000  }
0x1c6: {  	_ =	swait.ge [sflag:s29], $0x4000  }
0x1c7: {  	[sflag:s29] =	ssyncset.done $0x0  }
0x1c8: {  	[sflag:s29] =	ssyncadd.s32 $0xFFFFC000  }
0x1c9: {  	p0 =	sne.s32 s13, $0x1;
	_ =	swait.ge [sflag:s29], $0x4000  }
.Ltmp0:
0x1ca: {  	[sflag:s29] =	ssyncset.done $0x0;
	(pc) =	sbr.rel @p0 .LBB2_1-.Ltmp0, $4  }
0x1cb: {  	[sflag:s29] =	ssyncadd.s32 $0xFFFFC000  }
0x1cc: {  	_ =	swait.ge [sflag:s29], $0x4000  }
0x1cd: {  	[sflag:s29] =	ssyncset.done $0x0  }
0x1ce: {  	s13 =	sadd.s32 $0xFFFFFFFF, s13;
	[sflag:s29] =	ssyncadd.s32 $0xFFFFC000  }
0x1cf: {  	_ =	sfence.sel $0x180000  }
0x1d0: {  	[bflag:$0x0] =	sbarrier.arrive $0xFFFF  }
0x1d1: {  	_ =	strace $0x90000047  }
0x1d2: {  	s0 =	stileid.u32;
	[bflag:$0x2] =	sbarrier.arrive $0xFFFF  }
0x1d3: {  	p0 =	sne.s32 s0, $0x0;
	s0 =	rddreg [dreg:$0x3]  }
0x1d4: {  	s0 =	sadd.s32 @!p0 $0x100000, s0  }
0x1d5: {  	[sflag:s0] =	ssyncadd.tile.s32 @!p0 $0x1;
	_ =	shalt  }
.Lfunc_end2:
_tile_overlayer_lowered:
.L_overlay_start_2:
0x1d6: {  	(tag) =	ssettag $0x2  }
0x1d7: {  	s0 =	rddreg [dreg:$0x0];
	s2 =	stileid.u32  }
0x1d8: {  	s1 =	rddreg [dreg:$0x1];
	p0 =	sne.s32 s2, $0x0  }
0x1d9: {  	s3 =	rddreg [dreg:$0x2];
	[bflag:$0x3] =	sbarrier.arrive $0xFFFF;
	s2 =	simm.s32 @!p0 $0x1C03  }
0x1da: {  	[timem:s3], [sflag:s2] =	dma.local @!p0 [hbm:s0], s1  }
0x1db: {  	s0 =	simm.s32 @!p0 $0x3  }
0x1dc: {  	_ =	swait.ge @!p0 [sflag:s0], s1  }
0x1dd: {  	s1 =	ssub.s32 @!p0 $0x0, s1;
	[sflag:s0] =	ssyncset.done @!p0 $0x0  }
0x1de: {  	[sflag:s0] =	ssyncadd.s32 @!p0 s1  }
0x1df: {  	[bflag:$0x3] =	sbarrier.arrive $0xFFFF  }
0x1e0: {  	_ =	shalt  }

</sc_bundles>
